<compile_context>
chip_gen: v7x
topology: tpu7x:2x2x1
jax: 0.10.2.dev20260603
libtpu: 0.0.44.dev20260713+nightly
codegen_flags: <defaults>
</compile_context>

<pallas_src>
import functools

import jax
import jax.numpy as jnp
from jax import lax
from jax.experimental import pallas as pl
from jax.experimental.pallas import tpu as pltpu
from jax.experimental.pallas import tpu_sc as plsc

N = 10000
E = 320000
F_IN = 128
H = 64
C = 10
G = 64

NP = 10240
EP = 327680
EDGE_ROWS = EP // 128
TILE_EDGE_ROWS = EDGE_ROWS // 32
CHUNK_E = 1024
NCHUNK = TILE_EDGE_ROWS * 128 // CHUNK_E
NDBL_TOTAL = EP // (2 * CHUNK_E)
NDBL0 = 90
FB = 4
FG = H // FB

_mesh = functools.partial(
    plsc.VectorSubcoreMesh, core_axis_name="c", subcore_axis_name="s")
_sc_reg_params = pltpu.CompilerParams(
    use_tc_tiling_on_sc=False, needs_layout_passes=False)


@functools.partial(
    pl.kernel,
    out_type=jax.ShapeDtypeStruct((32, NP), jnp.float32),
    mesh=_mesh(),
    compiler_params=_sc_reg_params,
    scratch_types=[
        pltpu.VMEM((NP,), jnp.float32),
        pltpu.VMEM((CHUNK_E,), jnp.int32),
        pltpu.VMEM((CHUNK_E,), jnp.int32),
        pltpu.SemaphoreType.DMA,
        pltpu.SemaphoreType.DMA,
    ],
)
def _sc_degree(dst_hbm, out_hbm, dslab, didxa, didxb, sema, semb):
  cid = lax.axis_index("c")
  sid = lax.axis_index("s")
  tid = cid * 16 + sid
  base = tid * TILE_EDGE_ROWS * 128
  pltpu.async_copy(dst_hbm.at[pl.ds(base, CHUNK_E)], didxa, sema)
  zero16 = jnp.zeros((16,), jnp.float32)

  @plsc.parallel_loop(0, NP // 16, unroll=8)
  def _zero(i):
    dslab[pl.ds(i * 16, 16)] = zero16

  ones16 = jnp.ones((16,), jnp.float32)

  def process(didx):
    @plsc.parallel_loop(0, CHUNK_E // 16, unroll=8)
    def _groups(i):
      d = didx[pl.ds(i * 16, 16)]
      plsc.addupdate_scatter(dslab, [d], ones16)

  def body2(t, carry):
    r0 = base + t * 2 * CHUNK_E
    pltpu.async_copy(dst_hbm.at[pl.ds(r0 + CHUNK_E, CHUNK_E)], didxb, semb)
    pltpu.make_async_copy(dst_hbm.at[pl.ds(r0, CHUNK_E)], didxa, sema).wait()
    process(didxa)

    @pl.when(t < NCHUNK // 2 - 1)
    def _():
      pltpu.async_copy(dst_hbm.at[pl.ds(r0 + 2 * CHUNK_E, CHUNK_E)], didxa,
                       sema)

    pltpu.make_async_copy(dst_hbm.at[pl.ds(r0 + CHUNK_E, CHUNK_E)], didxb,
                          semb).wait()
    process(didxb)
    return carry

  lax.fori_loop(0, NCHUNK // 2, body2, 0)
  pltpu.sync_copy(dslab, out_hbm.at[tid])


@functools.partial(
    pl.kernel,
    out_type=jax.ShapeDtypeStruct((2, H, NP), jnp.float32),
    mesh=_mesh(),
    compiler_params=_sc_reg_params,
    scratch_types=[
        pltpu.VMEM((FB, NP), jnp.float32),
        pltpu.VMEM((FB, NP), jnp.float32),
        pltpu.VMEM((CHUNK_E,), jnp.int32),
        pltpu.VMEM((CHUNK_E,), jnp.int32),
        pltpu.VMEM((CHUNK_E,), jnp.int32),
        pltpu.VMEM((CHUNK_E,), jnp.int32),
        pltpu.SemaphoreType.DMA,
        pltpu.SemaphoreType.DMA,
    ],
)
def _sc_layer_reg(y_hbm, src_hbm, dst_hbm, out_hbm, yslab, zslab,
                  sidxa, didxa, sidxb, didxb, sema, semb):
  cid = lax.axis_index("c")
  sid = lax.axis_index("s")
  pltpu.async_copy(y_hbm.at[pl.ds(sid * FB, FB)], yslab, semb)
  zero16 = jnp.zeros((16,), jnp.float32)

  @plsc.parallel_loop(0, NP // 16, unroll=8)
  def _zero(i):
    for f in range(FB):
      zslab[f, pl.ds(i * 16, 16)] = zero16

  pltpu.make_async_copy(y_hbm.at[pl.ds(sid * FB, FB)], yslab, semb).wait()

  fsplat = [jnp.full((16,), f, jnp.int32) for f in range(FB)]

  def process(sidx, didx):
    @plsc.parallel_loop(0, CHUNK_E // 16, unroll=4)
    def _groups(i):
      s = sidx[pl.ds(i * 16, 16)]
      d = didx[pl.ds(i * 16, 16)]
      for f in range(FB):
        v = plsc.load_gather(yslab, [fsplat[f], s])
        plsc.addupdate_scatter(zslab, [fsplat[f], d], v)

  ndbl = jnp.where(cid == 0, NDBL0, NDBL_TOTAL - NDBL0)
  ebase = jnp.where(cid == 0, 0, NDBL0 * 2 * CHUNK_E)

  def wait_chunk(r, sidx, didx, sem):
    pltpu.make_async_copy(src_hbm.at[pl.ds(ebase + r, CHUNK_E)], sidx,
                          sem).wait()
    pltpu.make_async_copy(dst_hbm.at[pl.ds(ebase + r, CHUNK_E)], didx,
                          sem).wait()

  def load_chunk(r, sidx, didx, sem):
    pltpu.async_copy(src_hbm.at[pl.ds(ebase + r, CHUNK_E)], sidx, sem)
    pltpu.async_copy(dst_hbm.at[pl.ds(ebase + r, CHUNK_E)], didx, sem)

  load_chunk(0, sidxa, didxa, sema)

  def body2(t, carry):
    r0 = t * 2 * CHUNK_E
    load_chunk(r0 + CHUNK_E, sidxb, didxb, semb)
    wait_chunk(r0, sidxa, didxa, sema)
    process(sidxa, didxa)

    @pl.when(t < ndbl - 1)
    def _():
      load_chunk(r0 + 2 * CHUNK_E, sidxa, didxa, sema)

    wait_chunk(r0 + CHUNK_E, sidxb, didxb, semb)
    process(sidxb, didxb)
    return carry

  lax.fori_loop(0, ndbl, body2, 0)
  pltpu.sync_copy(zslab, out_hbm.at[cid, pl.ds(sid * FB, FB)])


def _tc_pre_body(deg_ref, x_ref, w1_ref, dinv_ref, y1_ref):
  deg = jnp.sum(deg_ref[...], axis=0, keepdims=True) + 1.0
  dinv = lax.rsqrt(deg)
  dinv_ref[...] = dinv
  xw = lax.dot_general(w1_ref[...], x_ref[...], (((0,), (1,)), ((), ())),
                       preferred_element_type=jnp.float32)
  y1_ref[...] = xw * dinv


def _tc_pre(deg2, x_p, w1):
  return pl.pallas_call(
      _tc_pre_body,
      out_shape=(jax.ShapeDtypeStruct((1, NP), jnp.float32),
                 jax.ShapeDtypeStruct((H, NP), jnp.float32)),
  )(deg2, x_p, w1)


def _tc_mid_body(z_ref, y_ref, dinv_ref, b_ref, wt_ref, ynext_ref):
  z = z_ref[0] + z_ref[1] + y_ref[...]
  dinv = dinv_ref[...]
  h = jnp.maximum(z * dinv + b_ref[...], 0.0)
  ynext_ref[...] = jnp.dot(
      wt_ref[...], h, preferred_element_type=jnp.float32) * dinv


def _tc_mid(z_parts, y_prev, dinv, b_col, wt_next):
  return pl.pallas_call(
      _tc_mid_body,
      out_shape=jax.ShapeDtypeStruct((H, NP), jnp.float32),
  )(z_parts, y_prev, dinv, b_col, wt_next)


def _tc_final_body(z_ref, y_ref, dinv_ref, b_ref, batch_ref, wl_ref, bl_ref,
                   out_ref, hpool_ref):
  z = z_ref[0] + z_ref[1] + y_ref[...]
  h = z * dinv_ref[...] + b_ref[...]
  h_n = h[:, :N]
  gids = lax.broadcasted_iota(jnp.int32, (N, G), 1)
  seg = (batch_ref[...] == gids).astype(jnp.float32)
  sums = jnp.dot(h_n, seg, preferred_element_type=jnp.float32)
  cnt = jnp.sum(seg, axis=0, keepdims=True)
  hpool_fm = sums / jnp.maximum(cnt, 1.0)
  eye = (lax.broadcasted_iota(jnp.int32, (H, H), 0) ==
         lax.broadcasted_iota(jnp.int32, (H, H), 1)).astype(jnp.float32)
  hpool_ref[...] = lax.dot_general(
      hpool_fm, eye, (((0,), (0,)), ((), ())),
      preferred_element_type=jnp.float32)
  out_ref[...] = lax.dot_general(
      hpool_fm, wl_ref[...], (((0,), (0,)), ((), ())),
      preferred_element_type=jnp.float32) + bl_ref[...]


def _tc_final(z_parts, y3, dinv, b3_col, batch_col, wl, bl):
  return pl.pallas_call(
      _tc_final_body,
      out_shape=(jax.ShapeDtypeStruct((G, C), jnp.float32),
                 jax.ShapeDtypeStruct((G, H), jnp.float32)),
  )(z_parts, y3, dinv, b3_col, batch_col, wl, bl)


def kernel(x, edge_index, batch, W1, b1, W2, b2, W3, b3, Wl, bl):
  src = edge_index[0]
  dst = edge_index[1]
  pad = jnp.full((EP - E,), N, dtype=jnp.int32)
  src1 = jnp.concatenate([src, pad])
  dst1 = jnp.concatenate([dst, pad])
  x_p = jnp.pad(x, ((0, NP - N), (0, 0)))
  batch_col = batch.reshape(N, 1)

  deg_parts = _sc_degree(dst1)
  dinv, y1 = _tc_pre(deg_parts, x_p, W1)

  z1 = _sc_layer_reg(y1, src1, dst1)
  y2 = _tc_mid(z1, y1, dinv, b1.reshape(H, 1), jnp.transpose(W2))

  z2 = _sc_layer_reg(y2, src1, dst1)
  y3 = _tc_mid(z2, y2, dinv, b2.reshape(H, 1), jnp.transpose(W3))

  z3 = _sc_layer_reg(y3, src1, dst1)
  out, hpool = _tc_final(z3, y3, dinv, b3.reshape(H, 1), batch_col,
                         Wl, bl.reshape(1, C))
  return (out, hpool)

# --- scband reference (transcript-rebuilt; emitter-appended) ---
"""Pipeline reference for scband-gcnclassifier-37606733644271 (READ-ONLY COPY).

The authoritative reference and input builder live on the scoring server;
editing this copy changes nothing except your own understanding.
"""

import jax, jax.numpy as jnp
import numpy as np

N = 10000
E = 320000
F_IN = 128
H = 64
C = 10
G = 64


def setup_inputs(seed: int = 0) -> dict:
    key = jax.random.key(seed)
    ks = jax.random.split(key, 12)
    x = jax.random.normal(ks[0], (N, F_IN), dtype=jnp.float32)
    edge_index = jax.random.randint(ks[1], (2, E), 0, N, dtype=jnp.int32)
    batch = jnp.sort(jax.random.randint(ks[2], (N,), 0, G, dtype=jnp.int32))
    W1 = jax.random.normal(ks[3], (F_IN, H), dtype=jnp.float32) * (1.0 / np.sqrt(F_IN))
    b1 = jnp.zeros((H,), dtype=jnp.float32)
    W2 = jax.random.normal(ks[4], (H, H), dtype=jnp.float32) * (1.0 / np.sqrt(H))
    b2 = jnp.zeros((H,), dtype=jnp.float32)
    W3 = jax.random.normal(ks[5], (H, H), dtype=jnp.float32) * (1.0 / np.sqrt(H))
    b3 = jnp.zeros((H,), dtype=jnp.float32)
    Wl = jax.random.normal(ks[6], (H, C), dtype=jnp.float32) * (1.0 / np.sqrt(H))
    bl = jnp.zeros((C,), dtype=jnp.float32)
    return {"x": x, "edge_index": edge_index, "batch": batch,
            "W1": W1, "b1": b1, "W2": W2, "b2": b2, "W3": W3, "b3": b3,
            "Wl": Wl, "bl": bl}


def gcn_conv(x, W, b, src, dst, n):
    # PyG GCNConv: add self-loops, symmetric D^{-1/2}(A+I)D^{-1/2} normalization
    loop = jnp.arange(n, dtype=src.dtype)
    s = jnp.concatenate([src, loop])
    d = jnp.concatenate([dst, loop])
    deg = jnp.zeros((n,), x.dtype).at[d].add(1.0)
    dinv = jnp.where(deg > 0, jax.lax.rsqrt(jnp.maximum(deg, 1e-12)), 0.0)
    norm = dinv[s] * dinv[d]
    xw = x @ W
    msg = xw[s] * norm[:, None]
    out = jnp.zeros((n, W.shape[1]), x.dtype).at[d].add(msg)
    return out + b


def reference(x, edge_index, batch, W1, b1, W2, b2, W3, b3, Wl, bl):
    src = edge_index[0]
    dst = edge_index[1]
    h = jax.nn.relu(gcn_conv(x, W1, b1, src, dst, N))
    h = jax.nn.relu(gcn_conv(h, W2, b2, src, dst, N))
    h = gcn_conv(h, W3, b3, src, dst, N)
    # global_mean_pool over graph ids in `batch`
    sums = jax.ops.segment_sum(h, batch, num_segments=G)
    cnt = jax.ops.segment_sum(jnp.ones((N, 1), h.dtype), batch, num_segments=G)
    hpool = sums / jnp.clip(cnt, 1.0)
    # dropout p=0.5 is identity in eval mode
    out = hpool @ Wl + bl
    return (out, hpool)

if __name__ == "__main__":
    import jax
    _d = setup_inputs()
    print(jax.jit(kernel)(*tuple(_d.values())))

</pallas_src>

<mosaic_0001>
#map = affine_map<(d0, d1) -> (0)>
#map1 = affine_map<(d0, d1) -> (0, 0)>
module attributes {stable_mosaic.version = 14 : i64} {
  func.func @_sc_degree(%arg0: i32, %arg1: i32, %arg2: memref<327680xi32, #tpu.memory_space<hbm>>, %arg3: memref<32x10240xf32, #tpu.memory_space<hbm>>, %arg4: memref<10240xf32, #tpu.memory_space<vmem>>, %arg5: memref<1024xi32, #tpu.memory_space<vmem>>, %arg6: memref<1024xi32, #tpu.memory_space<vmem>>, %arg7: memref<!tpu.dma_semaphore, #tpu.memory_space<semaphore_mem>>, %arg8: memref<!tpu.dma_semaphore, #tpu.memory_space<semaphore_mem>>) attributes {dimension_semantics = [#tpu.dimension_semantics<core_parallel>, #tpu.dimension_semantics<subcore_parallel>], iteration_bounds = array<i64: 2, 16>, scalar_prefetch = 0 : i64, scratch_operands = 5 : i64, tpu.core_type = #tpu.core_type<sc_vector_subcore>, window_params = [{transform_indices = #map}, {transform_indices = #map1}]} {
    %mul3A = arith.constant 16 : i32
    %mul3A_0 = arith.muli %arg0, %mul3A : i32
    %add3A = arith.addi %mul3A_0, %arg1 : i32
    %mul3A_1 = arith.constant 80 : i32
    %mul3A_2 = arith.muli %add3A, %mul3A_1 : i32
    %mul3A_3 = arith.constant 128 : i32
    %mul3A_4 = arith.muli %mul3A_2, %mul3A_3 : i32
    %dma_start3A = tpu.memref_slice %arg2[%mul3A_4] : memref<327680xi32, #tpu.memory_space<hbm>> -> memref<1024xi32, #tpu.memory_space<hbm>>
    %dma_start3A_5 = tpu.memref_slice %arg2[%mul3A_4] : memref<327680xi32, #tpu.memory_space<hbm>> -> memref<1024xi32, #tpu.memory_space<hbm>>
    tpu.enqueue_dma source(%dma_start3A_5 : memref<1024xi32, #tpu.memory_space<hbm>>) target(%arg5 : memref<1024xi32, #tpu.memory_space<vmem>>) target_semaphore(%arg7 : memref<!tpu.dma_semaphore, #tpu.memory_space<semaphore_mem>>)
    %broadcast_in_dim3A = arith.constant 0.000000e+00 : f32
    %broadcast_in_dim3A_6 = vector.broadcast %broadcast_in_dim3A : f32 to vector<16xf32>
    %parallel_loop3A = arith.constant 0 : i32
    %parallel_loop3A_7 = arith.constant 640 : i32
    %parallel_loop3A_8 = arith.constant 1 : i32
    scf.for %parallel_loop3A_16 = %parallel_loop3A to %parallel_loop3A_7 step %parallel_loop3A_8  : i32 {
      %parallel_loop3A_17 = arith.constant 16 : i32
      %parallel_loop3A_18 = arith.muli %parallel_loop3A_16, %parallel_loop3A_17 : i32
      %parallel_loop3A_19 = arith.index_cast %parallel_loop3A_18 : i32 to index
      %parallel_loop3A_20 = tpu.vector_load %arg4[%parallel_loop3A_19] {strides = array<i32>} : memref<10240xf32, #tpu.memory_space<vmem>>, vector<16xf32>,
      tpu.vector_store %arg4[%parallel_loop3A_19], %broadcast_in_dim3A_6 {strides = array<i32>} : memref<10240xf32, #tpu.memory_space<vmem>>, vector<16xf32>,
    } {sc.loop_unroll_factor = 8 : i64, sc.parallel_access}
    %broadcast_in_dim3A_9 = arith.constant 1.000000e+00 : f32
    %broadcast_in_dim3A_10 = vector.broadcast %broadcast_in_dim3A_9 : f32 to vector<16xf32>
    %scan3A = arith.constant 0 : i32
    %scan3A_11 = arith.constant 0 : i32
    %scan3A_12 = arith.constant 5 : i32
    %scan3A_13 = arith.addi %scan3A_11, %scan3A_12 : i32
    %scan3A_14 = arith.constant 1 : i32
    scf.for %scan3A_16 = %scan3A_11 to %scan3A_13 step %scan3A_14  : i32 {
      %mul3A_17 = arith.constant 2 : i32
      %mul3A_18 = arith.muli %scan3A_16, %mul3A_17 : i32
      %mul3A_19 = arith.constant 1024 : i32
      %mul3A_20 = arith.muli %mul3A_18, %mul3A_19 : i32
      %add3A_21 = arith.addi %mul3A_4, %mul3A_20 : i32
      %add3A_22 = arith.constant 1024 : i32
      %add3A_23 = arith.addi %add3A_21, %add3A_22 : i32
      %dma_start3A_24 = tpu.memref_slice %arg2[%add3A_23] : memref<327680xi32, #tpu.memory_space<hbm>> -> memref<1024xi32, #tpu.memory_space<hbm>>
      %dma_start3A_25 = tpu.memref_slice %arg2[%add3A_23] : memref<327680xi32, #tpu.memory_space<hbm>> -> memref<1024xi32, #tpu.memory_space<hbm>>
      tpu.enqueue_dma source(%dma_start3A_25 : memref<1024xi32, #tpu.memory_space<hbm>>) target(%arg6 : memref<1024xi32, #tpu.memory_space<vmem>>) target_semaphore(%arg8 : memref<!tpu.dma_semaphore, #tpu.memory_space<semaphore_mem>>)
      %dma_wait3A = tpu.memref_slice %arg2[%add3A_21] : memref<327680xi32, #tpu.memory_space<hbm>> -> memref<1024xi32, #tpu.memory_space<hbm>>
      %dma_wait3A_26 = tpu.memref_slice %arg2[%add3A_21] : memref<327680xi32, #tpu.memory_space<hbm>> -> memref<1024xi32, #tpu.memory_space<hbm>>
      tpu.wait_dma2 semaphore(%arg7 : memref<!tpu.dma_semaphore, #tpu.memory_space<semaphore_mem>>) src(%dma_wait3A_26 : memref<1024xi32, #tpu.memory_space<hbm>>) dst(%arg5 : memref<1024xi32, #tpu.memory_space<vmem>>)
      %parallel_loop3A_27 = arith.constant 0 : i32
      %parallel_loop3A_28 = arith.constant 64 : i32
      %parallel_loop3A_29 = arith.constant 1 : i32
      scf.for %parallel_loop3A_39 = %parallel_loop3A_27 to %parallel_loop3A_28 step %parallel_loop3A_29  : i32 {
        %parallel_loop3A_40 = arith.constant 16 : i32
        %parallel_loop3A_41 = arith.muli %parallel_loop3A_39, %parallel_loop3A_40 : i32
        %parallel_loop3A_42 = arith.index_cast %parallel_loop3A_41 : i32 to index
        %parallel_loop3A_43 = tpu.vector_load %arg5[%parallel_loop3A_42] {strides = array<i32>} : memref<1024xi32, #tpu.memory_space<vmem>>, vector<16xi32>,
        tpu.vector_store_idx %arg4[%parallel_loop3A_43], %broadcast_in_dim3A_10 {add = true} : memref<10240xf32, #tpu.memory_space<vmem>>[vector<16xi32>], vector<16xf32>,
      } {sc.loop_unroll_factor = 8 : i64, sc.parallel_access}
      %lt3A = arith.constant 4 : i32
      %lt3A_30 = arith.cmpi slt, %scan3A_16, %lt3A : i32
      %convert_element_type3A = arith.extui %lt3A_30 : i1 to i32
      %cond3A = arith.constant 0 : i32
      %cond3A_31 = arith.cmpi ne, %convert_element_type3A, %cond3A : i32
      scf.if %cond3A_31 {
        %add3A_39 = arith.constant 2048 : i32
        %add3A_40 = arith.addi %add3A_21, %add3A_39 : i32
        %dma_start3A_41 = tpu.memref_slice %arg2[%add3A_40] : memref<327680xi32, #tpu.memory_space<hbm>> -> memref<1024xi32, #tpu.memory_space<hbm>>
        %dma_start3A_42 = tpu.memref_slice %arg2[%add3A_40] : memref<327680xi32, #tpu.memory_space<hbm>> -> memref<1024xi32, #tpu.memory_space<hbm>>
        tpu.enqueue_dma source(%dma_start3A_42 : memref<1024xi32, #tpu.memory_space<hbm>>) target(%arg5 : memref<1024xi32, #tpu.memory_space<vmem>>) target_semaphore(%arg7 : memref<!tpu.dma_semaphore, #tpu.memory_space<semaphore_mem>>)
      } else {
      }
      %add3A_32 = arith.constant 1024 : i32
      %add3A_33 = arith.addi %add3A_21, %add3A_32 : i32
      %dma_wait3A_34 = tpu.memref_slice %arg2[%add3A_33] : memref<327680xi32, #tpu.memory_space<hbm>> -> memref<1024xi32, #tpu.memory_space<hbm>>
      %dma_wait3A_35 = tpu.memref_slice %arg2[%add3A_33] : memref<327680xi32, #tpu.memory_space<hbm>> -> memref<1024xi32, #tpu.memory_space<hbm>>
      tpu.wait_dma2 semaphore(%arg8 : memref<!tpu.dma_semaphore, #tpu.memory_space<semaphore_mem>>) src(%dma_wait3A_35 : memref<1024xi32, #tpu.memory_space<hbm>>) dst(%arg6 : memref<1024xi32, #tpu.memory_space<vmem>>)
      %parallel_loop3A_36 = arith.constant 0 : i32
      %parallel_loop3A_37 = arith.constant 64 : i32
      %parallel_loop3A_38 = arith.constant 1 : i32
      scf.for %parallel_loop3A_39 = %parallel_loop3A_36 to %parallel_loop3A_37 step %parallel_loop3A_38  : i32 {
        %parallel_loop3A_40 = arith.constant 16 : i32
        %parallel_loop3A_41 = arith.muli %parallel_loop3A_39, %parallel_loop3A_40 : i32
        %parallel_loop3A_42 = arith.index_cast %parallel_loop3A_41 : i32 to index
        %parallel_loop3A_43 = tpu.vector_load %arg6[%parallel_loop3A_42] {strides = array<i32>} : memref<1024xi32, #tpu.memory_space<vmem>>, vector<16xi32>,
        tpu.vector_store_idx %arg4[%parallel_loop3A_43], %broadcast_in_dim3A_10 {add = true} : memref<10240xf32, #tpu.memory_space<vmem>>[vector<16xi32>], vector<16xf32>,
      } {sc.loop_unroll_factor = 8 : i64, sc.parallel_access}
    }
    %scan3A_15 = arith.constant 5 : i32
    "tpu.region"() ({
      %run_scoped3A = tpu.sem_alloc : memref<!tpu.dma_semaphore, #tpu.memory_space<semaphore_mem>>
      %dma_start3A_16 = arith.constant 0 : i32
      %dma_start3A_17 = tpu.memref_slice %arg3[%add3A, %dma_start3A_16] : memref<32x10240xf32, #tpu.memory_space<hbm>> -> memref<1x10240xf32, #tpu.memory_space<hbm>>
      %dma_start3A_18 = tpu.memref_squeeze %dma_start3A_17 : memref<1x10240xf32, #tpu.memory_space<hbm>> -> memref<10240xf32, #tpu.memory_space<hbm>>
      %dma_start3A_19 = arith.constant 0 : i32
      %dma_start3A_20 = tpu.memref_slice %arg3[%add3A, %dma_start3A_19] : memref<32x10240xf32, #tpu.memory_space<hbm>> -> memref<1x10240xf32, #tpu.memory_space<hbm>>
      %dma_start3A_21 = tpu.memref_squeeze %dma_start3A_20 : memref<1x10240xf32, #tpu.memory_space<hbm>> -> memref<10240xf32, #tpu.memory_space<hbm>>
      tpu.enqueue_dma source(%arg4 : memref<10240xf32, #tpu.memory_space<vmem>>) target(%dma_start3A_21 : memref<10240xf32, #tpu.memory_space<hbm>>) target_semaphore(%run_scoped3A : memref<!tpu.dma_semaphore, #tpu.memory_space<semaphore_mem>>)
      %dma_wait3A = arith.constant 0 : i32
      %dma_wait3A_22 = tpu.memref_slice %arg3[%add3A, %dma_wait3A] : memref<32x10240xf32, #tpu.memory_space<hbm>> -> memref<1x10240xf32, #tpu.memory_space<hbm>>
      %dma_wait3A_23 = tpu.memref_squeeze %dma_wait3A_22 : memref<1x10240xf32, #tpu.memory_space<hbm>> -> memref<10240xf32, #tpu.memory_space<hbm>>
      %dma_wait3A_24 = arith.constant 0 : i32
      %dma_wait3A_25 = tpu.memref_slice %arg3[%add3A, %dma_wait3A_24] : memref<32x10240xf32, #tpu.memory_space<hbm>> -> memref<1x10240xf32, #tpu.memory_space<hbm>>
      %dma_wait3A_26 = tpu.memref_squeeze %dma_wait3A_25 : memref<1x10240xf32, #tpu.memory_space<hbm>> -> memref<10240xf32, #tpu.memory_space<hbm>>
      tpu.wait_dma2 semaphore(%run_scoped3A : memref<!tpu.dma_semaphore, #tpu.memory_space<semaphore_mem>>) src(%arg4 : memref<10240xf32, #tpu.memory_space<vmem>>) dst(%dma_wait3A_26 : memref<10240xf32, #tpu.memory_space<hbm>>)
      tpu.yield
    }) : () -> ()
    return
  }
}

#map = affine_map<(d0, d1) -> (0, 0)>
#map1 = affine_map<(d0, d1) -> (0)>
#map2 = affine_map<(d0, d1) -> (0, 0, 0)>
module attributes {stable_mosaic.version = 14 : i64} {
  func.func @_sc_layer_reg(%arg0: i32, %arg1: i32, %arg2: memref<64x10240xf32, #tpu.memory_space<hbm>>, %arg3: memref<327680xi32, #tpu.memory_space<hbm>>, %arg4: memref<327680xi32, #tpu.memory_space<hbm>>, %arg5: memref<2x64x10240xf32, #tpu.memory_space<hbm>>, %arg6: memref<4x10240xf32, #tpu.memory_space<vmem>>, %arg7: memref<4x10240xf32, #tpu.memory_space<vmem>>, %arg8: memref<1024xi32, #tpu.memory_space<vmem>>, %arg9: memref<1024xi32, #tpu.memory_space<vmem>>, %arg10: memref<1024xi32, #tpu.memory_space<vmem>>, %arg11: memref<1024xi32, #tpu.memory_space<vmem>>, %arg12: memref<!tpu.dma_semaphore, #tpu.memory_space<semaphore_mem>>, %arg13: memref<!tpu.dma_semaphore, #tpu.memory_space<semaphore_mem>>) attributes {dimension_semantics = [#tpu.dimension_semantics<core_parallel>, #tpu.dimension_semantics<subcore_parallel>], iteration_bounds = array<i64: 2, 16>, scalar_prefetch = 0 : i64, scratch_operands = 8 : i64, tpu.core_type = #tpu.core_type<sc_vector_subcore>, window_params = [{transform_indices = #map}, {transform_indices = #map1}, {transform_indices = #map1}, {transform_indices = #map2}]} {
    %mul3A = arith.constant 4 : i32
    %mul3A_0 = arith.muli %arg1, %mul3A : i32
    %dma_start3A = arith.constant 0 : i32
    %dma_start3A_1 = tpu.memref_slice %arg2[%mul3A_0, %dma_start3A] : memref<64x10240xf32, #tpu.memory_space<hbm>> -> memref<4x10240xf32, #tpu.memory_space<hbm>>
    %dma_start3A_2 = arith.constant 0 : i32
    %dma_start3A_3 = tpu.memref_slice %arg2[%mul3A_0, %dma_start3A_2] : memref<64x10240xf32, #tpu.memory_space<hbm>> -> memref<4x10240xf32, #tpu.memory_space<hbm>>
    tpu.enqueue_dma source(%dma_start3A_3 : memref<4x10240xf32, #tpu.memory_space<hbm>>) target(%arg6 : memref<4x10240xf32, #tpu.memory_space<vmem>>) target_semaphore(%arg13 : memref<!tpu.dma_semaphore, #tpu.memory_space<semaphore_mem>>)
    %broadcast_in_dim3A = arith.constant 0.000000e+00 : f32
    %broadcast_in_dim3A_4 = vector.broadcast %broadcast_in_dim3A : f32 to vector<16xf32>
    %parallel_loop3A = arith.constant 0 : i32
    %parallel_loop3A_5 = arith.constant 640 : i32
    %parallel_loop3A_6 = arith.constant 1 : i32
    scf.for %parallel_loop3A_45 = %parallel_loop3A to %parallel_loop3A_5 step %parallel_loop3A_6  : i32 {
      %parallel_loop3A_46 = arith.constant 16 : i32
      %parallel_loop3A_47 = arith.muli %parallel_loop3A_45, %parallel_loop3A_46 : i32
      %parallel_loop3A_48 = arith.constant 0 : i32
      %parallel_loop3A_49 = arith.index_cast %parallel_loop3A_48 : i32 to index
      %parallel_loop3A_50 = arith.index_cast %parallel_loop3A_47 : i32 to index
      %parallel_loop3A_51 = tpu.vector_load %arg7[%parallel_loop3A_49, %parallel_loop3A_50] {strides = array<i32>} : memref<4x10240xf32, #tpu.memory_space<vmem>>, vector<16xf32>,
      tpu.vector_store %arg7[%parallel_loop3A_49, %parallel_loop3A_50], %broadcast_in_dim3A_4 {strides = array<i32>} : memref<4x10240xf32, #tpu.memory_space<vmem>>, vector<16xf32>,
      %parallel_loop3A_52 = arith.constant 16 : i32
      %parallel_loop3A_53 = arith.muli %parallel_loop3A_45, %parallel_loop3A_52 : i32
      %parallel_loop3A_54 = arith.constant 1 : i32
      %parallel_loop3A_55 = arith.index_cast %parallel_loop3A_54 : i32 to index
      %parallel_loop3A_56 = arith.index_cast %parallel_loop3A_53 : i32 to index
      %parallel_loop3A_57 = tpu.vector_load %arg7[%parallel_loop3A_55, %parallel_loop3A_56] {strides = array<i32>} : memref<4x10240xf32, #tpu.memory_space<vmem>>, vector<16xf32>,
      tpu.vector_store %arg7[%parallel_loop3A_55, %parallel_loop3A_56], %broadcast_in_dim3A_4 {strides = array<i32>} : memref<4x10240xf32, #tpu.memory_space<vmem>>, vector<16xf32>,
      %parallel_loop3A_58 = arith.constant 16 : i32
      %parallel_loop3A_59 = arith.muli %parallel_loop3A_45, %parallel_loop3A_58 : i32
      %parallel_loop3A_60 = arith.constant 2 : i32
      %parallel_loop3A_61 = arith.index_cast %parallel_loop3A_60 : i32 to index
      %parallel_loop3A_62 = arith.index_cast %parallel_loop3A_59 : i32 to index
      %parallel_loop3A_63 = tpu.vector_load %arg7[%parallel_loop3A_61, %parallel_loop3A_62] {strides = array<i32>} : memref<4x10240xf32, #tpu.memory_space<vmem>>, vector<16xf32>,
      tpu.vector_store %arg7[%parallel_loop3A_61, %parallel_loop3A_62], %broadcast_in_dim3A_4 {strides = array<i32>} : memref<4x10240xf32, #tpu.memory_space<vmem>>, vector<16xf32>,
      %parallel_loop3A_64 = arith.constant 16 : i32
      %parallel_loop3A_65 = arith.muli %parallel_loop3A_45, %parallel_loop3A_64 : i32
      %parallel_loop3A_66 = arith.constant 3 : i32
      %parallel_loop3A_67 = arith.index_cast %parallel_loop3A_66 : i32 to index
      %parallel_loop3A_68 = arith.index_cast %parallel_loop3A_65 : i32 to index
      %parallel_loop3A_69 = tpu.vector_load %arg7[%parallel_loop3A_67, %parallel_loop3A_68] {strides = array<i32>} : memref<4x10240xf32, #tpu.memory_space<vmem>>, vector<16xf32>,
      tpu.vector_store %arg7[%parallel_loop3A_67, %parallel_loop3A_68], %broadcast_in_dim3A_4 {strides = array<i32>} : memref<4x10240xf32, #tpu.memory_space<vmem>>, vector<16xf32>,
    } {sc.loop_unroll_factor = 8 : i64, sc.parallel_access}
    %mul3A_7 = arith.constant 4 : i32
    %mul3A_8 = arith.muli %arg1, %mul3A_7 : i32
    %dma_wait3A = arith.constant 0 : i32
    %dma_wait3A_9 = tpu.memref_slice %arg2[%mul3A_8, %dma_wait3A] : memref<64x10240xf32, #tpu.memory_space<hbm>> -> memref<4x10240xf32, #tpu.memory_space<hbm>>
    %dma_wait3A_10 = arith.constant 0 : i32
    %dma_wait3A_11 = tpu.memref_slice %arg2[%mul3A_8, %dma_wait3A_10] : memref<64x10240xf32, #tpu.memory_space<hbm>> -> memref<4x10240xf32, #tpu.memory_space<hbm>>
    tpu.wait_dma2 semaphore(%arg13 : memref<!tpu.dma_semaphore, #tpu.memory_space<semaphore_mem>>) src(%dma_wait3A_11 : memref<4x10240xf32, #tpu.memory_space<hbm>>) dst(%arg6 : memref<4x10240xf32, #tpu.memory_space<vmem>>)
    %broadcast_in_dim3A_12 = arith.constant 0 : i32
    %broadcast_in_dim3A_13 = vector.broadcast %broadcast_in_dim3A_12 : i32 to vector<16xi32>
    %broadcast_in_dim3A_14 = arith.constant 1 : i32
    %broadcast_in_dim3A_15 = vector.broadcast %broadcast_in_dim3A_14 : i32 to vector<16xi32>
    %broadcast_in_dim3A_16 = arith.constant 2 : i32
    %broadcast_in_dim3A_17 = vector.broadcast %broadcast_in_dim3A_16 : i32 to vector<16xi32>
    %broadcast_in_dim3A_18 = arith.constant 3 : i32
    %broadcast_in_dim3A_19 = vector.broadcast %broadcast_in_dim3A_18 : i32 to vector<16xi32>
    %eq3A = arith.constant 0 : i32
    %eq3A_20 = arith.cmpi eq, %arg0, %eq3A : i32
    %jit3A = arith.constant 90 : i32
    %jit3A_21 = arith.constant 70 : i32
    %select_n3A = arith.select %eq3A_20, %jit3A, %jit3A_21 : i32
    %eq3A_22 = arith.constant 0 : i32
    %eq3A_23 = arith.cmpi eq, %arg0, %eq3A_22 : i32
    %jit3A_24 = arith.constant 0 : i32
    %jit3A_25 = arith.constant 184320 : i32
    %select_n3A_26 = arith.select %eq3A_23, %jit3A_24, %jit3A_25 : i32
    %add3A = arith.constant 0 : i32
    %add3A_27 = arith.addi %select_n3A_26, %add3A : i32
    %dma_start3A_28 = tpu.memref_slice %arg3[%add3A_27] : memref<327680xi32, #tpu.memory_space<hbm>> -> memref<1024xi32, #tpu.memory_space<hbm>>
    %dma_start3A_29 = tpu.memref_slice %arg3[%add3A_27] : memref<327680xi32, #tpu.memory_space<hbm>> -> memref<1024xi32, #tpu.memory_space<hbm>>
    tpu.enqueue_dma source(%dma_start3A_29 : memref<1024xi32, #tpu.memory_space<hbm>>) target(%arg8 : memref<1024xi32, #tpu.memory_space<vmem>>) target_semaphore(%arg12 : memref<!tpu.dma_semaphore, #tpu.memory_space<semaphore_mem>>)
    %add3A_30 = arith.constant 0 : i32
    %add3A_31 = arith.addi %select_n3A_26, %add3A_30 : i32
    %dma_start3A_32 = tpu.memref_slice %arg4[%add3A_31] : memref<327680xi32, #tpu.memory_space<hbm>> -> memref<1024xi32, #tpu.memory_space<hbm>>
    %dma_start3A_33 = tpu.memref_slice %arg4[%add3A_31] : memref<327680xi32, #tpu.memory_space<hbm>> -> memref<1024xi32, #tpu.memory_space<hbm>>
    tpu.enqueue_dma source(%dma_start3A_33 : memref<1024xi32, #tpu.memory_space<hbm>>) target(%arg9 : memref<1024xi32, #tpu.memory_space<vmem>>) target_semaphore(%arg12 : memref<!tpu.dma_semaphore, #tpu.memory_space<semaphore_mem>>)
    %while3A = arith.constant 0 : i32
    %while3A_34 = arith.constant 0 : i32
    %while3A_35 = arith.subi %select_n3A, %while3A_34 : i32
    %while3A_36 = arith.addi %while3A_34, %while3A_35 : i32
    %while3A_37 = arith.constant 1 : i32
    %while3A_38 = arith.divsi %while3A_35, %while3A_37 : i32
    %while3A_39 = arith.muli %while3A_38, %while3A_37 : i32
    %while3A_40 = arith.addi %while3A_34, %while3A_39 : i32
    %while3A_41 = arith.constant 1 : i32
    scf.for %while3A_45 = %while3A_34 to %while3A_40 step %while3A_41  : i32 {
      %mul3A_46 = arith.constant 2 : i32
      %mul3A_47 = arith.muli %while3A_45, %mul3A_46 : i32
      %mul3A_48 = arith.constant 1024 : i32
      %mul3A_49 = arith.muli %mul3A_47, %mul3A_48 : i32
      %add3A_50 = arith.constant 1024 : i32
      %add3A_51 = arith.addi %mul3A_49, %add3A_50 : i32
      %add3A_52 = arith.addi %select_n3A_26, %add3A_51 : i32
      %dma_start3A_53 = tpu.memref_slice %arg3[%add3A_52] : memref<327680xi32, #tpu.memory_space<hbm>> -> memref<1024xi32, #tpu.memory_space<hbm>>
      %dma_start3A_54 = tpu.memref_slice %arg3[%add3A_52] : memref<327680xi32, #tpu.memory_space<hbm>> -> memref<1024xi32, #tpu.memory_space<hbm>>
      tpu.enqueue_dma source(%dma_start3A_54 : memref<1024xi32, #tpu.memory_space<hbm>>) target(%arg10 : memref<1024xi32, #tpu.memory_space<vmem>>) target_semaphore(%arg13 : memref<!tpu.dma_semaphore, #tpu.memory_space<semaphore_mem>>)
      %add3A_55 = arith.addi %select_n3A_26, %add3A_51 : i32
      %dma_start3A_56 = tpu.memref_slice %arg4[%add3A_55] : memref<327680xi32, #tpu.memory_space<hbm>> -> memref<1024xi32, #tpu.memory_space<hbm>>
      %dma_start3A_57 = tpu.memref_slice %arg4[%add3A_55] : memref<327680xi32, #tpu.memory_space<hbm>> -> memref<1024xi32, #tpu.memory_space<hbm>>
      tpu.enqueue_dma source(%dma_start3A_57 : memref<1024xi32, #tpu.memory_space<hbm>>) target(%arg11 : memref<1024xi32, #tpu.memory_space<vmem>>) target_semaphore(%arg13 : memref<!tpu.dma_semaphore, #tpu.memory_space<semaphore_mem>>)
      %add3A_58 = arith.addi %select_n3A_26, %mul3A_49 : i32
      %dma_wait3A_59 = tpu.memref_slice %arg3[%add3A_58] : memref<327680xi32, #tpu.memory_space<hbm>> -> memref<1024xi32, #tpu.memory_space<hbm>>
      %dma_wait3A_60 = tpu.memref_slice %arg3[%add3A_58] : memref<327680xi32, #tpu.memory_space<hbm>> -> memref<1024xi32, #tpu.memory_space<hbm>>
      tpu.wait_dma2 semaphore(%arg12 : memref<!tpu.dma_semaphore, #tpu.memory_space<semaphore_mem>>) src(%dma_wait3A_60 : memref<1024xi32, #tpu.memory_space<hbm>>) dst(%arg8 : memref<1024xi32, #tpu.memory_space<vmem>>)
      %add3A_61 = arith.addi %select_n3A_26, %mul3A_49 : i32
      %dma_wait3A_62 = tpu.memref_slice %arg4[%add3A_61] : memref<327680xi32, #tpu.memory_space<hbm>> -> memref<1024xi32, #tpu.memory_space<hbm>>
      %dma_wait3A_63 = tpu.memref_slice %arg4[%add3A_61] : memref<327680xi32, #tpu.memory_space<hbm>> -> memref<1024xi32, #tpu.memory_space<hbm>>
      tpu.wait_dma2 semaphore(%arg12 : memref<!tpu.dma_semaphore, #tpu.memory_space<semaphore_mem>>) src(%dma_wait3A_63 : memref<1024xi32, #tpu.memory_space<hbm>>) dst(%arg9 : memref<1024xi32, #tpu.memory_space<vmem>>)
      %parallel_loop3A_64 = arith.constant 0 : i32
      %parallel_loop3A_65 = arith.constant 64 : i32
      %parallel_loop3A_66 = arith.constant 1 : i32
      scf.for %parallel_loop3A_80 = %parallel_loop3A_64 to %parallel_loop3A_65 step %parallel_loop3A_66  : i32 {
        %parallel_loop3A_81 = arith.constant 16 : i32
        %parallel_loop3A_82 = arith.muli %parallel_loop3A_80, %parallel_loop3A_81 : i32
        %parallel_loop3A_83 = arith.index_cast %parallel_loop3A_82 : i32 to index
        %parallel_loop3A_84 = tpu.vector_load %arg8[%parallel_loop3A_83] {strides = array<i32>} : memref<1024xi32, #tpu.memory_space<vmem>>, vector<16xi32>,
        %parallel_loop3A_85 = arith.constant 16 : i32
        %parallel_loop3A_86 = arith.muli %parallel_loop3A_80, %parallel_loop3A_85 : i32
        %parallel_loop3A_87 = arith.index_cast %parallel_loop3A_86 : i32 to index
        %parallel_loop3A_88 = tpu.vector_load %arg9[%parallel_loop3A_87] {strides = array<i32>} : memref<1024xi32, #tpu.memory_space<vmem>>, vector<16xi32>,
        %parallel_loop3A_89 = tpu.vector_load_idx %arg6[%broadcast_in_dim3A_13, %parallel_loop3A_84] : memref<4x10240xf32, #tpu.memory_space<vmem>>[vector<16xi32>, vector<16xi32>], vector<16xf32>,
        tpu.vector_store_idx %arg7[%broadcast_in_dim3A_13, %parallel_loop3A_88], %parallel_loop3A_89 {add = true} : memref<4x10240xf32, #tpu.memory_space<vmem>>[vector<16xi32>, vector<16xi32>], vector<16xf32>,
        %parallel_loop3A_90 = tpu.vector_load_idx %arg6[%broadcast_in_dim3A_15, %parallel_loop3A_84] : memref<4x10240xf32, #tpu.memory_space<vmem>>[vector<16xi32>, vector<16xi32>], vector<16xf32>,
        tpu.vector_store_idx %arg7[%broadcast_in_dim3A_15, %parallel_loop3A_88], %parallel_loop3A_90 {add = true} : memref<4x10240xf32, #tpu.memory_space<vmem>>[vector<16xi32>, vector<16xi32>], vector<16xf32>,
        %parallel_loop3A_91 = tpu.vector_load_idx %arg6[%broadcast_in_dim3A_17, %parallel_loop3A_84] : memref<4x10240xf32, #tpu.memory_space<vmem>>[vector<16xi32>, vector<16xi32>], vector<16xf32>,
        tpu.vector_store_idx %arg7[%broadcast_in_dim3A_17, %parallel_loop3A_88], %parallel_loop3A_91 {add = true} : memref<4x10240xf32, #tpu.memory_space<vmem>>[vector<16xi32>, vector<16xi32>], vector<16xf32>,
        %parallel_loop3A_92 = tpu.vector_load_idx %arg6[%broadcast_in_dim3A_19, %parallel_loop3A_84] : memref<4x10240xf32, #tpu.memory_space<vmem>>[vector<16xi32>, vector<16xi32>], vector<16xf32>,
        tpu.vector_store_idx %arg7[%broadcast_in_dim3A_19, %parallel_loop3A_88], %parallel_loop3A_92 {add = true} : memref<4x10240xf32, #tpu.memory_space<vmem>>[vector<16xi32>, vector<16xi32>], vector<16xf32>,
      } {sc.loop_unroll_factor = 4 : i64, sc.parallel_access}
      %sub3A = arith.constant 1 : i32
      %sub3A_67 = arith.subi %select_n3A, %sub3A : i32
      %lt3A = arith.cmpi slt, %while3A_45, %sub3A_67 : i32
      %convert_element_type3A = arith.extui %lt3A : i1 to i32
      %cond3A = arith.constant 0 : i32
      %cond3A_68 = arith.cmpi ne, %convert_element_type3A, %cond3A : i32
      scf.if %cond3A_68 {
        %add3A_80 = arith.constant 2048 : i32
        %add3A_81 = arith.addi %mul3A_49, %add3A_80 : i32
        %add3A_82 = arith.addi %select_n3A_26, %add3A_81 : i32
        %dma_start3A_83 = tpu.memref_slice %arg3[%add3A_82] : memref<327680xi32, #tpu.memory_space<hbm>> -> memref<1024xi32, #tpu.memory_space<hbm>>
        %dma_start3A_84 = tpu.memref_slice %arg3[%add3A_82] : memref<327680xi32, #tpu.memory_space<hbm>> -> memref<1024xi32, #tpu.memory_space<hbm>>
        tpu.enqueue_dma source(%dma_start3A_84 : memref<1024xi32, #tpu.memory_space<hbm>>) target(%arg8 : memref<1024xi32, #tpu.memory_space<vmem>>) target_semaphore(%arg12 : memref<!tpu.dma_semaphore, #tpu.memory_space<semaphore_mem>>)
        %add3A_85 = arith.addi %select_n3A_26, %add3A_81 : i32
        %dma_start3A_86 = tpu.memref_slice %arg4[%add3A_85] : memref<327680xi32, #tpu.memory_space<hbm>> -> memref<1024xi32, #tpu.memory_space<hbm>>
        %dma_start3A_87 = tpu.memref_slice %arg4[%add3A_85] : memref<327680xi32, #tpu.memory_space<hbm>> -> memref<1024xi32, #tpu.memory_space<hbm>>
        tpu.enqueue_dma source(%dma_start3A_87 : memref<1024xi32, #tpu.memory_space<hbm>>) target(%arg9 : memref<1024xi32, #tpu.memory_space<vmem>>) target_semaphore(%arg12 : memref<!tpu.dma_semaphore, #tpu.memory_space<semaphore_mem>>)
      } else {
      }
      %add3A_69 = arith.constant 1024 : i32
      %add3A_70 = arith.addi %mul3A_49, %add3A_69 : i32
      %add3A_71 = arith.addi %select_n3A_26, %add3A_70 : i32
      %dma_wait3A_72 = tpu.memref_slice %arg3[%add3A_71] : memref<327680xi32, #tpu.memory_space<hbm>> -> memref<1024xi32, #tpu.memory_space<hbm>>
      %dma_wait3A_73 = tpu.memref_slice %arg3[%add3A_71] : memref<327680xi32, #tpu.memory_space<hbm>> -> memref<1024xi32, #tpu.memory_space<hbm>>
      tpu.wait_dma2 semaphore(%arg13 : memref<!tpu.dma_semaphore, #tpu.memory_space<semaphore_mem>>) src(%dma_wait3A_73 : memref<1024xi32, #tpu.memory_space<hbm>>) dst(%arg10 : memref<1024xi32, #tpu.memory_space<vmem>>)
      %add3A_74 = arith.addi %select_n3A_26, %add3A_70 : i32
      %dma_wait3A_75 = tpu.memref_slice %arg4[%add3A_74] : memref<327680xi32, #tpu.memory_space<hbm>> -> memref<1024xi32, #tpu.memory_space<hbm>>
      %dma_wait3A_76 = tpu.memref_slice %arg4[%add3A_74] : memref<327680xi32, #tpu.memory_space<hbm>> -> memref<1024xi32, #tpu.memory_space<hbm>>
      tpu.wait_dma2 semaphore(%arg13 : memref<!tpu.dma_semaphore, #tpu.memory_space<semaphore_mem>>) src(%dma_wait3A_76 : memref<1024xi32, #tpu.memory_space<hbm>>) dst(%arg11 : memref<1024xi32, #tpu.memory_space<vmem>>)
      %parallel_loop3A_77 = arith.constant 0 : i32
      %parallel_loop3A_78 = arith.constant 64 : i32
      %parallel_loop3A_79 = arith.constant 1 : i32
      scf.for %parallel_loop3A_80 = %parallel_loop3A_77 to %parallel_loop3A_78 step %parallel_loop3A_79  : i32 {
        %parallel_loop3A_81 = arith.constant 16 : i32
        %parallel_loop3A_82 = arith.muli %parallel_loop3A_80, %parallel_loop3A_81 : i32
        %parallel_loop3A_83 = arith.index_cast %parallel_loop3A_82 : i32 to index
        %parallel_loop3A_84 = tpu.vector_load %arg10[%parallel_loop3A_83] {strides = array<i32>} : memref<1024xi32, #tpu.memory_space<vmem>>, vector<16xi32>,
        %parallel_loop3A_85 = arith.constant 16 : i32
        %parallel_loop3A_86 = arith.muli %parallel_loop3A_80, %parallel_loop3A_85 : i32
        %parallel_loop3A_87 = arith.index_cast %parallel_loop3A_86 : i32 to index
        %parallel_loop3A_88 = tpu.vector_load %arg11[%parallel_loop3A_87] {strides = array<i32>} : memref<1024xi32, #tpu.memory_space<vmem>>, vector<16xi32>,
        %parallel_loop3A_89 = tpu.vector_load_idx %arg6[%broadcast_in_dim3A_13, %parallel_loop3A_84] : memref<4x10240xf32, #tpu.memory_space<vmem>>[vector<16xi32>, vector<16xi32>], vector<16xf32>,
        tpu.vector_store_idx %arg7[%broadcast_in_dim3A_13, %parallel_loop3A_88], %parallel_loop3A_89 {add = true} : memref<4x10240xf32, #tpu.memory_space<vmem>>[vector<16xi32>, vector<16xi32>], vector<16xf32>,
        %parallel_loop3A_90 = tpu.vector_load_idx %arg6[%broadcast_in_dim3A_15, %parallel_loop3A_84] : memref<4x10240xf32, #tpu.memory_space<vmem>>[vector<16xi32>, vector<16xi32>], vector<16xf32>,
        tpu.vector_store_idx %arg7[%broadcast_in_dim3A_15, %parallel_loop3A_88], %parallel_loop3A_90 {add = true} : memref<4x10240xf32, #tpu.memory_space<vmem>>[vector<16xi32>, vector<16xi32>], vector<16xf32>,
        %parallel_loop3A_91 = tpu.vector_load_idx %arg6[%broadcast_in_dim3A_17, %parallel_loop3A_84] : memref<4x10240xf32, #tpu.memory_space<vmem>>[vector<16xi32>, vector<16xi32>], vector<16xf32>,
        tpu.vector_store_idx %arg7[%broadcast_in_dim3A_17, %parallel_loop3A_88], %parallel_loop3A_91 {add = true} : memref<4x10240xf32, #tpu.memory_space<vmem>>[vector<16xi32>, vector<16xi32>], vector<16xf32>,
        %parallel_loop3A_92 = tpu.vector_load_idx %arg6[%broadcast_in_dim3A_19, %parallel_loop3A_84] : memref<4x10240xf32, #tpu.memory_space<vmem>>[vector<16xi32>, vector<16xi32>], vector<16xf32>,
        tpu.vector_store_idx %arg7[%broadcast_in_dim3A_19, %parallel_loop3A_88], %parallel_loop3A_92 {add = true} : memref<4x10240xf32, #tpu.memory_space<vmem>>[vector<16xi32>, vector<16xi32>], vector<16xf32>,
      } {sc.loop_unroll_factor = 4 : i64, sc.parallel_access}
    }
    %while3A_42 = arith.constant 1 : i32
    scf.for %while3A_45 = %while3A_40 to %while3A_36 step %while3A_42  : i32 {
      %mul3A_46 = arith.constant 2 : i32
      %mul3A_47 = arith.muli %while3A_45, %mul3A_46 : i32
      %mul3A_48 = arith.constant 1024 : i32
      %mul3A_49 = arith.muli %mul3A_47, %mul3A_48 : i32
      %add3A_50 = arith.constant 1024 : i32
      %add3A_51 = arith.addi %mul3A_49, %add3A_50 : i32
      %add3A_52 = arith.addi %select_n3A_26, %add3A_51 : i32
      %dma_start3A_53 = tpu.memref_slice %arg3[%add3A_52] : memref<327680xi32, #tpu.memory_space<hbm>> -> memref<1024xi32, #tpu.memory_space<hbm>>
      %dma_start3A_54 = tpu.memref_slice %arg3[%add3A_52] : memref<327680xi32, #tpu.memory_space<hbm>> -> memref<1024xi32, #tpu.memory_space<hbm>>
      tpu.enqueue_dma source(%dma_start3A_54 : memref<1024xi32, #tpu.memory_space<hbm>>) target(%arg10 : memref<1024xi32, #tpu.memory_space<vmem>>) target_semaphore(%arg13 : memref<!tpu.dma_semaphore, #tpu.memory_space<semaphore_mem>>)
      %add3A_55 = arith.addi %select_n3A_26, %add3A_51 : i32
      %dma_start3A_56 = tpu.memref_slice %arg4[%add3A_55] : memref<327680xi32, #tpu.memory_space<hbm>> -> memref<1024xi32, #tpu.memory_space<hbm>>
      %dma_start3A_57 = tpu.memref_slice %arg4[%add3A_55] : memref<327680xi32, #tpu.memory_space<hbm>> -> memref<1024xi32, #tpu.memory_space<hbm>>
      tpu.enqueue_dma source(%dma_start3A_57 : memref<1024xi32, #tpu.memory_space<hbm>>) target(%arg11 : memref<1024xi32, #tpu.memory_space<vmem>>) target_semaphore(%arg13 : memref<!tpu.dma_semaphore, #tpu.memory_space<semaphore_mem>>)
      %add3A_58 = arith.addi %select_n3A_26, %mul3A_49 : i32
      %dma_wait3A_59 = tpu.memref_slice %arg3[%add3A_58] : memref<327680xi32, #tpu.memory_space<hbm>> -> memref<1024xi32, #tpu.memory_space<hbm>>
      %dma_wait3A_60 = tpu.memref_slice %arg3[%add3A_58] : memref<327680xi32, #tpu.memory_space<hbm>> -> memref<1024xi32, #tpu.memory_space<hbm>>
      tpu.wait_dma2 semaphore(%arg12 : memref<!tpu.dma_semaphore, #tpu.memory_space<semaphore_mem>>) src(%dma_wait3A_60 : memref<1024xi32, #tpu.memory_space<hbm>>) dst(%arg8 : memref<1024xi32, #tpu.memory_space<vmem>>)
      %add3A_61 = arith.addi %select_n3A_26, %mul3A_49 : i32
      %dma_wait3A_62 = tpu.memref_slice %arg4[%add3A_61] : memref<327680xi32, #tpu.memory_space<hbm>> -> memref<1024xi32, #tpu.memory_space<hbm>>
      %dma_wait3A_63 = tpu.memref_slice %arg4[%add3A_61] : memref<327680xi32, #tpu.memory_space<hbm>> -> memref<1024xi32, #tpu.memory_space<hbm>>
      tpu.wait_dma2 semaphore(%arg12 : memref<!tpu.dma_semaphore, #tpu.memory_space<semaphore_mem>>) src(%dma_wait3A_63 : memref<1024xi32, #tpu.memory_space<hbm>>) dst(%arg9 : memref<1024xi32, #tpu.memory_space<vmem>>)
      %parallel_loop3A_64 = arith.constant 0 : i32
      %parallel_loop3A_65 = arith.constant 64 : i32
      %parallel_loop3A_66 = arith.constant 1 : i32
      scf.for %parallel_loop3A_80 = %parallel_loop3A_64 to %parallel_loop3A_65 step %parallel_loop3A_66  : i32 {
        %parallel_loop3A_81 = arith.constant 16 : i32
        %parallel_loop3A_82 = arith.muli %parallel_loop3A_80, %parallel_loop3A_81 : i32
        %parallel_loop3A_83 = arith.index_cast %parallel_loop3A_82 : i32 to index
        %parallel_loop3A_84 = tpu.vector_load %arg8[%parallel_loop3A_83] {strides = array<i32>} : memref<1024xi32, #tpu.memory_space<vmem>>, vector<16xi32>,
        %parallel_loop3A_85 = arith.constant 16 : i32
        %parallel_loop3A_86 = arith.muli %parallel_loop3A_80, %parallel_loop3A_85 : i32
        %parallel_loop3A_87 = arith.index_cast %parallel_loop3A_86 : i32 to index
        %parallel_loop3A_88 = tpu.vector_load %arg9[%parallel_loop3A_87] {strides = array<i32>} : memref<1024xi32, #tpu.memory_space<vmem>>, vector<16xi32>,
        %parallel_loop3A_89 = tpu.vector_load_idx %arg6[%broadcast_in_dim3A_13, %parallel_loop3A_84] : memref<4x10240xf32, #tpu.memory_space<vmem>>[vector<16xi32>, vector<16xi32>], vector<16xf32>,
        tpu.vector_store_idx %arg7[%broadcast_in_dim3A_13, %parallel_loop3A_88], %parallel_loop3A_89 {add = true} : memref<4x10240xf32, #tpu.memory_space<vmem>>[vector<16xi32>, vector<16xi32>], vector<16xf32>,
        %parallel_loop3A_90 = tpu.vector_load_idx %arg6[%broadcast_in_dim3A_15, %parallel_loop3A_84] : memref<4x10240xf32, #tpu.memory_space<vmem>>[vector<16xi32>, vector<16xi32>], vector<16xf32>,
        tpu.vector_store_idx %arg7[%broadcast_in_dim3A_15, %parallel_loop3A_88], %parallel_loop3A_90 {add = true} : memref<4x10240xf32, #tpu.memory_space<vmem>>[vector<16xi32>, vector<16xi32>], vector<16xf32>,
        %parallel_loop3A_91 = tpu.vector_load_idx %arg6[%broadcast_in_dim3A_17, %parallel_loop3A_84] : memref<4x10240xf32, #tpu.memory_space<vmem>>[vector<16xi32>, vector<16xi32>], vector<16xf32>,
        tpu.vector_store_idx %arg7[%broadcast_in_dim3A_17, %parallel_loop3A_88], %parallel_loop3A_91 {add = true} : memref<4x10240xf32, #tpu.memory_space<vmem>>[vector<16xi32>, vector<16xi32>], vector<16xf32>,
        %parallel_loop3A_92 = tpu.vector_load_idx %arg6[%broadcast_in_dim3A_19, %parallel_loop3A_84] : memref<4x10240xf32, #tpu.memory_space<vmem>>[vector<16xi32>, vector<16xi32>], vector<16xf32>,
        tpu.vector_store_idx %arg7[%broadcast_in_dim3A_19, %parallel_loop3A_88], %parallel_loop3A_92 {add = true} : memref<4x10240xf32, #tpu.memory_space<vmem>>[vector<16xi32>, vector<16xi32>], vector<16xf32>,
      } {sc.loop_unroll_factor = 4 : i64, sc.parallel_access}
      %sub3A = arith.constant 1 : i32
      %sub3A_67 = arith.subi %select_n3A, %sub3A : i32
      %lt3A = arith.cmpi slt, %while3A_45, %sub3A_67 : i32
      %convert_element_type3A = arith.extui %lt3A : i1 to i32
      %cond3A = arith.constant 0 : i32
      %cond3A_68 = arith.cmpi ne, %convert_element_type3A, %cond3A : i32
      scf.if %cond3A_68 {
        %add3A_80 = arith.constant 2048 : i32
        %add3A_81 = arith.addi %mul3A_49, %add3A_80 : i32
        %add3A_82 = arith.addi %select_n3A_26, %add3A_81 : i32
        %dma_start3A_83 = tpu.memref_slice %arg3[%add3A_82] : memref<327680xi32, #tpu.memory_space<hbm>> -> memref<1024xi32, #tpu.memory_space<hbm>>
        %dma_start3A_84 = tpu.memref_slice %arg3[%add3A_82] : memref<327680xi32, #tpu.memory_space<hbm>> -> memref<1024xi32, #tpu.memory_space<hbm>>
        tpu.enqueue_dma source(%dma_start3A_84 : memref<1024xi32, #tpu.memory_space<hbm>>) target(%arg8 : memref<1024xi32, #tpu.memory_space<vmem>>) target_semaphore(%arg12 : memref<!tpu.dma_semaphore, #tpu.memory_space<semaphore_mem>>)
        %add3A_85 = arith.addi %select_n3A_26, %add3A_81 : i32
        %dma_start3A_86 = tpu.memref_slice %arg4[%add3A_85] : memref<327680xi32, #tpu.memory_space<hbm>> -> memref<1024xi32, #tpu.memory_space<hbm>>
        %dma_start3A_87 = tpu.memref_slice %arg4[%add3A_85] : memref<327680xi32, #tpu.memory_space<hbm>> -> memref<1024xi32, #tpu.memory_space<hbm>>
        tpu.enqueue_dma source(%dma_start3A_87 : memref<1024xi32, #tpu.memory_space<hbm>>) target(%arg9 : memref<1024xi32, #tpu.memory_space<vmem>>) target_semaphore(%arg12 : memref<!tpu.dma_semaphore, #tpu.memory_space<semaphore_mem>>)
      } else {
      }
      %add3A_69 = arith.constant 1024 : i32
      %add3A_70 = arith.addi %mul3A_49, %add3A_69 : i32
      %add3A_71 = arith.addi %select_n3A_26, %add3A_70 : i32
      %dma_wait3A_72 = tpu.memref_slice %arg3[%add3A_71] : memref<327680xi32, #tpu.memory_space<hbm>> -> memref<1024xi32, #tpu.memory_space<hbm>>
      %dma_wait3A_73 = tpu.memref_slice %arg3[%add3A_71] : memref<327680xi32, #tpu.memory_space<hbm>> -> memref<1024xi32, #tpu.memory_space<hbm>>
      tpu.wait_dma2 semaphore(%arg13 : memref<!tpu.dma_semaphore, #tpu.memory_space<semaphore_mem>>) src(%dma_wait3A_73 : memref<1024xi32, #tpu.memory_space<hbm>>) dst(%arg10 : memref<1024xi32, #tpu.memory_space<vmem>>)
      %add3A_74 = arith.addi %select_n3A_26, %add3A_70 : i32
      %dma_wait3A_75 = tpu.memref_slice %arg4[%add3A_74] : memref<327680xi32, #tpu.memory_space<hbm>> -> memref<1024xi32, #tpu.memory_space<hbm>>
      %dma_wait3A_76 = tpu.memref_slice %arg4[%add3A_74] : memref<327680xi32, #tpu.memory_space<hbm>> -> memref<1024xi32, #tpu.memory_space<hbm>>
      tpu.wait_dma2 semaphore(%arg13 : memref<!tpu.dma_semaphore, #tpu.memory_space<semaphore_mem>>) src(%dma_wait3A_76 : memref<1024xi32, #tpu.memory_space<hbm>>) dst(%arg11 : memref<1024xi32, #tpu.memory_space<vmem>>)
      %parallel_loop3A_77 = arith.constant 0 : i32
      %parallel_loop3A_78 = arith.constant 64 : i32
      %parallel_loop3A_79 = arith.constant 1 : i32
      scf.for %parallel_loop3A_80 = %parallel_loop3A_77 to %parallel_loop3A_78 step %parallel_loop3A_79  : i32 {
        %parallel_loop3A_81 = arith.constant 16 : i32
        %parallel_loop3A_82 = arith.muli %parallel_loop3A_80, %parallel_loop3A_81 : i32
        %parallel_loop3A_83 = arith.index_cast %parallel_loop3A_82 : i32 to index
        %parallel_loop3A_84 = tpu.vector_load %arg10[%parallel_loop3A_83] {strides = array<i32>} : memref<1024xi32, #tpu.memory_space<vmem>>, vector<16xi32>,
        %parallel_loop3A_85 = arith.constant 16 : i32
        %parallel_loop3A_86 = arith.muli %parallel_loop3A_80, %parallel_loop3A_85 : i32
        %parallel_loop3A_87 = arith.index_cast %parallel_loop3A_86 : i32 to index
        %parallel_loop3A_88 = tpu.vector_load %arg11[%parallel_loop3A_87] {strides = array<i32>} : memref<1024xi32, #tpu.memory_space<vmem>>, vector<16xi32>,
        %parallel_loop3A_89 = tpu.vector_load_idx %arg6[%broadcast_in_dim3A_13, %parallel_loop3A_84] : memref<4x10240xf32, #tpu.memory_space<vmem>>[vector<16xi32>, vector<16xi32>], vector<16xf32>,
        tpu.vector_store_idx %arg7[%broadcast_in_dim3A_13, %parallel_loop3A_88], %parallel_loop3A_89 {add = true} : memref<4x10240xf32, #tpu.memory_space<vmem>>[vector<16xi32>, vector<16xi32>], vector<16xf32>,
        %parallel_loop3A_90 = tpu.vector_load_idx %arg6[%broadcast_in_dim3A_15, %parallel_loop3A_84] : memref<4x10240xf32, #tpu.memory_space<vmem>>[vector<16xi32>, vector<16xi32>], vector<16xf32>,
        tpu.vector_store_idx %arg7[%broadcast_in_dim3A_15, %parallel_loop3A_88], %parallel_loop3A_90 {add = true} : memref<4x10240xf32, #tpu.memory_space<vmem>>[vector<16xi32>, vector<16xi32>], vector<16xf32>,
        %parallel_loop3A_91 = tpu.vector_load_idx %arg6[%broadcast_in_dim3A_17, %parallel_loop3A_84] : memref<4x10240xf32, #tpu.memory_space<vmem>>[vector<16xi32>, vector<16xi32>], vector<16xf32>,
        tpu.vector_store_idx %arg7[%broadcast_in_dim3A_17, %parallel_loop3A_88], %parallel_loop3A_91 {add = true} : memref<4x10240xf32, #tpu.memory_space<vmem>>[vector<16xi32>, vector<16xi32>], vector<16xf32>,
        %parallel_loop3A_92 = tpu.vector_load_idx %arg6[%broadcast_in_dim3A_19, %parallel_loop3A_84] : memref<4x10240xf32, #tpu.memory_space<vmem>>[vector<16xi32>, vector<16xi32>], vector<16xf32>,
        tpu.vector_store_idx %arg7[%broadcast_in_dim3A_19, %parallel_loop3A_88], %parallel_loop3A_92 {add = true} : memref<4x10240xf32, #tpu.memory_space<vmem>>[vector<16xi32>, vector<16xi32>], vector<16xf32>,
      } {sc.loop_unroll_factor = 4 : i64, sc.parallel_access}
    }
    %mul3A_43 = arith.constant 4 : i32
    %mul3A_44 = arith.muli %arg1, %mul3A_43 : i32
    "tpu.region"() ({
      %run_scoped3A = tpu.sem_alloc : memref<!tpu.dma_semaphore, #tpu.memory_space<semaphore_mem>>
      %dma_start3A_45 = arith.constant 0 : i32
      %dma_start3A_46 = tpu.memref_slice %arg5[%arg0, %mul3A_44, %dma_start3A_45] : memref<2x64x10240xf32, #tpu.memory_space<hbm>> -> memref<1x4x10240xf32, #tpu.memory_space<hbm>>
      %dma_start3A_47 = tpu.memref_squeeze %dma_start3A_46 : memref<1x4x10240xf32, #tpu.memory_space<hbm>> -> memref<4x10240xf32, #tpu.memory_space<hbm>>
      %dma_start3A_48 = arith.constant 0 : i32
      %dma_start3A_49 = tpu.memref_slice %arg5[%arg0, %mul3A_44, %dma_start3A_48] : memref<2x64x10240xf32, #tpu.memory_space<hbm>> -> memref<1x4x10240xf32, #tpu.memory_space<hbm>>
      %dma_start3A_50 = tpu.memref_squeeze %dma_start3A_49 : memref<1x4x10240xf32, #tpu.memory_space<hbm>> -> memref<4x10240xf32, #tpu.memory_space<hbm>>
      tpu.enqueue_dma source(%arg7 : memref<4x10240xf32, #tpu.memory_space<vmem>>) target(%dma_start3A_50 : memref<4x10240xf32, #tpu.memory_space<hbm>>) target_semaphore(%run_scoped3A : memref<!tpu.dma_semaphore, #tpu.memory_space<semaphore_mem>>)
      %dma_wait3A_51 = arith.constant 0 : i32
      %dma_wait3A_52 = tpu.memref_slice %arg5[%arg0, %mul3A_44, %dma_wait3A_51] : memref<2x64x10240xf32, #tpu.memory_space<hbm>> -> memref<1x4x10240xf32, #tpu.memory_space<hbm>>
      %dma_wait3A_53 = tpu.memref_squeeze %dma_wait3A_52 : memref<1x4x10240xf32, #tpu.memory_space<hbm>> -> memref<4x10240xf32, #tpu.memory_space<hbm>>
      %dma_wait3A_54 = arith.constant 0 : i32
      %dma_wait3A_55 = tpu.memref_slice %arg5[%arg0, %mul3A_44, %dma_wait3A_54] : memref<2x64x10240xf32, #tpu.memory_space<hbm>> -> memref<1x4x10240xf32, #tpu.memory_space<hbm>>
      %dma_wait3A_56 = tpu.memref_squeeze %dma_wait3A_55 : memref<1x4x10240xf32, #tpu.memory_space<hbm>> -> memref<4x10240xf32, #tpu.memory_space<hbm>>
      tpu.wait_dma2 semaphore(%run_scoped3A : memref<!tpu.dma_semaphore, #tpu.memory_space<semaphore_mem>>) src(%arg7 : memref<4x10240xf32, #tpu.memory_space<vmem>>) dst(%dma_wait3A_56 : memref<4x10240xf32, #tpu.memory_space<hbm>>)
      tpu.yield
    }) : () -> ()
    return
  }
}

#map = affine_map<(d0, d1) -> (0, 0)>
#map1 = affine_map<(d0, d1) -> (0)>
#map2 = affine_map<(d0, d1) -> (0, 0, 0)>
module attributes {stable_mosaic.version = 14 : i64} {
  func.func @_sc_layer_reg(%arg0: i32, %arg1: i32, %arg2: memref<64x10240xf32, #tpu.memory_space<hbm>>, %arg3: memref<327680xi32, #tpu.memory_space<hbm>>, %arg4: memref<327680xi32, #tpu.memory_space<hbm>>, %arg5: memref<2x64x10240xf32, #tpu.memory_space<hbm>>, %arg6: memref<4x10240xf32, #tpu.memory_space<vmem>>, %arg7: memref<4x10240xf32, #tpu.memory_space<vmem>>, %arg8: memref<1024xi32, #tpu.memory_space<vmem>>, %arg9: memref<1024xi32, #tpu.memory_space<vmem>>, %arg10: memref<1024xi32, #tpu.memory_space<vmem>>, %arg11: memref<1024xi32, #tpu.memory_space<vmem>>, %arg12: memref<!tpu.dma_semaphore, #tpu.memory_space<semaphore_mem>>, %arg13: memref<!tpu.dma_semaphore, #tpu.memory_space<semaphore_mem>>) attributes {dimension_semantics = [#tpu.dimension_semantics<core_parallel>, #tpu.dimension_semantics<subcore_parallel>], iteration_bounds = array<i64: 2, 16>, scalar_prefetch = 0 : i64, scratch_operands = 8 : i64, tpu.core_type = #tpu.core_type<sc_vector_subcore>, window_params = [{transform_indices = #map}, {transform_indices = #map1}, {transform_indices = #map1}, {transform_indices = #map2}]} {
    %mul3A = arith.constant 4 : i32
    %mul3A_0 = arith.muli %arg1, %mul3A : i32
    %dma_start3A = arith.constant 0 : i32
    %dma_start3A_1 = tpu.memref_slice %arg2[%mul3A_0, %dma_start3A] : memref<64x10240xf32, #tpu.memory_space<hbm>> -> memref<4x10240xf32, #tpu.memory_space<hbm>>
    %dma_start3A_2 = arith.constant 0 : i32
    %dma_start3A_3 = tpu.memref_slice %arg2[%mul3A_0, %dma_start3A_2] : memref<64x10240xf32, #tpu.memory_space<hbm>> -> memref<4x10240xf32, #tpu.memory_space<hbm>>
    tpu.enqueue_dma source(%dma_start3A_3 : memref<4x10240xf32, #tpu.memory_space<hbm>>) target(%arg6 : memref<4x10240xf32, #tpu.memory_space<vmem>>) target_semaphore(%arg13 : memref<!tpu.dma_semaphore, #tpu.memory_space<semaphore_mem>>)
    %broadcast_in_dim3A = arith.constant 0.000000e+00 : f32
    %broadcast_in_dim3A_4 = vector.broadcast %broadcast_in_dim3A : f32 to vector<16xf32>
    %parallel_loop3A = arith.constant 0 : i32
    %parallel_loop3A_5 = arith.constant 640 : i32
    %parallel_loop3A_6 = arith.constant 1 : i32
    scf.for %parallel_loop3A_45 = %parallel_loop3A to %parallel_loop3A_5 step %parallel_loop3A_6  : i32 {
      %parallel_loop3A_46 = arith.constant 16 : i32
      %parallel_loop3A_47 = arith.muli %parallel_loop3A_45, %parallel_loop3A_46 : i32
      %parallel_loop3A_48 = arith.constant 0 : i32
      %parallel_loop3A_49 = arith.index_cast %parallel_loop3A_48 : i32 to index
      %parallel_loop3A_50 = arith.index_cast %parallel_loop3A_47 : i32 to index
      %parallel_loop3A_51 = tpu.vector_load %arg7[%parallel_loop3A_49, %parallel_loop3A_50] {strides = array<i32>} : memref<4x10240xf32, #tpu.memory_space<vmem>>, vector<16xf32>,
      tpu.vector_store %arg7[%parallel_loop3A_49, %parallel_loop3A_50], %broadcast_in_dim3A_4 {strides = array<i32>} : memref<4x10240xf32, #tpu.memory_space<vmem>>, vector<16xf32>,
      %parallel_loop3A_52 = arith.constant 16 : i32
      %parallel_loop3A_53 = arith.muli %parallel_loop3A_45, %parallel_loop3A_52 : i32
      %parallel_loop3A_54 = arith.constant 1 : i32
      %parallel_loop3A_55 = arith.index_cast %parallel_loop3A_54 : i32 to index
      %parallel_loop3A_56 = arith.index_cast %parallel_loop3A_53 : i32 to index
      %parallel_loop3A_57 = tpu.vector_load %arg7[%parallel_loop3A_55, %parallel_loop3A_56] {strides = array<i32>} : memref<4x10240xf32, #tpu.memory_space<vmem>>, vector<16xf32>,
      tpu.vector_store %arg7[%parallel_loop3A_55, %parallel_loop3A_56], %broadcast_in_dim3A_4 {strides = array<i32>} : memref<4x10240xf32, #tpu.memory_space<vmem>>, vector<16xf32>,
      %parallel_loop3A_58 = arith.constant 16 : i32
      %parallel_loop3A_59 = arith.muli %parallel_loop3A_45, %parallel_loop3A_58 : i32
      %parallel_loop3A_60 = arith.constant 2 : i32
      %parallel_loop3A_61 = arith.index_cast %parallel_loop3A_60 : i32 to index
      %parallel_loop3A_62 = arith.index_cast %parallel_loop3A_59 : i32 to index
      %parallel_loop3A_63 = tpu.vector_load %arg7[%parallel_loop3A_61, %parallel_loop3A_62] {strides = array<i32>} : memref<4x10240xf32, #tpu.memory_space<vmem>>, vector<16xf32>,
      tpu.vector_store %arg7[%parallel_loop3A_61, %parallel_loop3A_62], %broadcast_in_dim3A_4 {strides = array<i32>} : memref<4x10240xf32, #tpu.memory_space<vmem>>, vector<16xf32>,
      %parallel_loop3A_64 = arith.constant 16 : i32
      %parallel_loop3A_65 = arith.muli %parallel_loop3A_45, %parallel_loop3A_64 : i32
      %parallel_loop3A_66 = arith.constant 3 : i32
      %parallel_loop3A_67 = arith.index_cast %parallel_loop3A_66 : i32 to index
      %parallel_loop3A_68 = arith.index_cast %parallel_loop3A_65 : i32 to index
      %parallel_loop3A_69 = tpu.vector_load %arg7[%parallel_loop3A_67, %parallel_loop3A_68] {strides = array<i32>} : memref<4x10240xf32, #tpu.memory_space<vmem>>, vector<16xf32>,
      tpu.vector_store %arg7[%parallel_loop3A_67, %parallel_loop3A_68], %broadcast_in_dim3A_4 {strides = array<i32>} : memref<4x10240xf32, #tpu.memory_space<vmem>>, vector<16xf32>,
    } {sc.loop_unroll_factor = 8 : i64, sc.parallel_access}
    %mul3A_7 = arith.constant 4 : i32
    %mul3A_8 = arith.muli %arg1, %mul3A_7 : i32
    %dma_wait3A = arith.constant 0 : i32
    %dma_wait3A_9 = tpu.memref_slice %arg2[%mul3A_8, %dma_wait3A] : memref<64x10240xf32, #tpu.memory_space<hbm>> -> memref<4x10240xf32, #tpu.memory_space<hbm>>
    %dma_wait3A_10 = arith.constant 0 : i32
    %dma_wait3A_11 = tpu.memref_slice %arg2[%mul3A_8, %dma_wait3A_10] : memref<64x10240xf32, #tpu.memory_space<hbm>> -> memref<4x10240xf32, #tpu.memory_space<hbm>>
    tpu.wait_dma2 semaphore(%arg13 : memref<!tpu.dma_semaphore, #tpu.memory_space<semaphore_mem>>) src(%dma_wait3A_11 : memref<4x10240xf32, #tpu.memory_space<hbm>>) dst(%arg6 : memref<4x10240xf32, #tpu.memory_space<vmem>>)
    %broadcast_in_dim3A_12 = arith.constant 0 : i32
    %broadcast_in_dim3A_13 = vector.broadcast %broadcast_in_dim3A_12 : i32 to vector<16xi32>
    %broadcast_in_dim3A_14 = arith.constant 1 : i32
    %broadcast_in_dim3A_15 = vector.broadcast %broadcast_in_dim3A_14 : i32 to vector<16xi32>
    %broadcast_in_dim3A_16 = arith.constant 2 : i32
    %broadcast_in_dim3A_17 = vector.broadcast %broadcast_in_dim3A_16 : i32 to vector<16xi32>
    %broadcast_in_dim3A_18 = arith.constant 3 : i32
    %broadcast_in_dim3A_19 = vector.broadcast %broadcast_in_dim3A_18 : i32 to vector<16xi32>
    %eq3A = arith.constant 0 : i32
    %eq3A_20 = arith.cmpi eq, %arg0, %eq3A : i32
    %jit3A = arith.constant 90 : i32
    %jit3A_21 = arith.constant 70 : i32
    %select_n3A = arith.select %eq3A_20, %jit3A, %jit3A_21 : i32
    %eq3A_22 = arith.constant 0 : i32
    %eq3A_23 = arith.cmpi eq, %arg0, %eq3A_22 : i32
    %jit3A_24 = arith.constant 0 : i32
    %jit3A_25 = arith.constant 184320 : i32
    %select_n3A_26 = arith.select %eq3A_23, %jit3A_24, %jit3A_25 : i32
    %add3A = arith.constant 0 : i32
    %add3A_27 = arith.addi %select_n3A_26, %add3A : i32
    %dma_start3A_28 = tpu.memref_slice %arg3[%add3A_27] : memref<327680xi32, #tpu.memory_space<hbm>> -> memref<1024xi32, #tpu.memory_space<hbm>>
    %dma_start3A_29 = tpu.memref_slice %arg3[%add3A_27] : memref<327680xi32, #tpu.memory_space<hbm>> -> memref<1024xi32, #tpu.memory_space<hbm>>
    tpu.enqueue_dma source(%dma_start3A_29 : memref<1024xi32, #tpu.memory_space<hbm>>) target(%arg8 : memref<1024xi32, #tpu.memory_space<vmem>>) target_semaphore(%arg12 : memref<!tpu.dma_semaphore, #tpu.memory_space<semaphore_mem>>)
    %add3A_30 = arith.constant 0 : i32
    %add3A_31 = arith.addi %select_n3A_26, %add3A_30 : i32
    %dma_start3A_32 = tpu.memref_slice %arg4[%add3A_31] : memref<327680xi32, #tpu.memory_space<hbm>> -> memref<1024xi32, #tpu.memory_space<hbm>>
    %dma_start3A_33 = tpu.memref_slice %arg4[%add3A_31] : memref<327680xi32, #tpu.memory_space<hbm>> -> memref<1024xi32, #tpu.memory_space<hbm>>
    tpu.enqueue_dma source(%dma_start3A_33 : memref<1024xi32, #tpu.memory_space<hbm>>) target(%arg9 : memref<1024xi32, #tpu.memory_space<vmem>>) target_semaphore(%arg12 : memref<!tpu.dma_semaphore, #tpu.memory_space<semaphore_mem>>)
    %while3A = arith.constant 0 : i32
    %while3A_34 = arith.constant 0 : i32
    %while3A_35 = arith.subi %select_n3A, %while3A_34 : i32
    %while3A_36 = arith.addi %while3A_34, %while3A_35 : i32
    %while3A_37 = arith.constant 1 : i32
    %while3A_38 = arith.divsi %while3A_35, %while3A_37 : i32
    %while3A_39 = arith.muli %while3A_38, %while3A_37 : i32
    %while3A_40 = arith.addi %while3A_34, %while3A_39 : i32
    %while3A_41 = arith.constant 1 : i32
    scf.for %while3A_45 = %while3A_34 to %while3A_40 step %while3A_41  : i32 {
      %mul3A_46 = arith.constant 2 : i32
      %mul3A_47 = arith.muli %while3A_45, %mul3A_46 : i32
      %mul3A_48 = arith.constant 1024 : i32
      %mul3A_49 = arith.muli %mul3A_47, %mul3A_48 : i32
      %add3A_50 = arith.constant 1024 : i32
      %add3A_51 = arith.addi %mul3A_49, %add3A_50 : i32
      %add3A_52 = arith.addi %select_n3A_26, %add3A_51 : i32
      %dma_start3A_53 = tpu.memref_slice %arg3[%add3A_52] : memref<327680xi32, #tpu.memory_space<hbm>> -> memref<1024xi32, #tpu.memory_space<hbm>>
      %dma_start3A_54 = tpu.memref_slice %arg3[%add3A_52] : memref<327680xi32, #tpu.memory_space<hbm>> -> memref<1024xi32, #tpu.memory_space<hbm>>
      tpu.enqueue_dma source(%dma_start3A_54 : memref<1024xi32, #tpu.memory_space<hbm>>) target(%arg10 : memref<1024xi32, #tpu.memory_space<vmem>>) target_semaphore(%arg13 : memref<!tpu.dma_semaphore, #tpu.memory_space<semaphore_mem>>)
      %add3A_55 = arith.addi %select_n3A_26, %add3A_51 : i32
      %dma_start3A_56 = tpu.memref_slice %arg4[%add3A_55] : memref<327680xi32, #tpu.memory_space<hbm>> -> memref<1024xi32, #tpu.memory_space<hbm>>
      %dma_start3A_57 = tpu.memref_slice %arg4[%add3A_55] : memref<327680xi32, #tpu.memory_space<hbm>> -> memref<1024xi32, #tpu.memory_space<hbm>>
      tpu.enqueue_dma source(%dma_start3A_57 : memref<1024xi32, #tpu.memory_space<hbm>>) target(%arg11 : memref<1024xi32, #tpu.memory_space<vmem>>) target_semaphore(%arg13 : memref<!tpu.dma_semaphore, #tpu.memory_space<semaphore_mem>>)
      %add3A_58 = arith.addi %select_n3A_26, %mul3A_49 : i32
      %dma_wait3A_59 = tpu.memref_slice %arg3[%add3A_58] : memref<327680xi32, #tpu.memory_space<hbm>> -> memref<1024xi32, #tpu.memory_space<hbm>>
      %dma_wait3A_60 = tpu.memref_slice %arg3[%add3A_58] : memref<327680xi32, #tpu.memory_space<hbm>> -> memref<1024xi32, #tpu.memory_space<hbm>>
      tpu.wait_dma2 semaphore(%arg12 : memref<!tpu.dma_semaphore, #tpu.memory_space<semaphore_mem>>) src(%dma_wait3A_60 : memref<1024xi32, #tpu.memory_space<hbm>>) dst(%arg8 : memref<1024xi32, #tpu.memory_space<vmem>>)
      %add3A_61 = arith.addi %select_n3A_26, %mul3A_49 : i32
      %dma_wait3A_62 = tpu.memref_slice %arg4[%add3A_61] : memref<327680xi32, #tpu.memory_space<hbm>> -> memref<1024xi32, #tpu.memory_space<hbm>>
      %dma_wait3A_63 = tpu.memref_slice %arg4[%add3A_61] : memref<327680xi32, #tpu.memory_space<hbm>> -> memref<1024xi32, #tpu.memory_space<hbm>>
      tpu.wait_dma2 semaphore(%arg12 : memref<!tpu.dma_semaphore, #tpu.memory_space<semaphore_mem>>) src(%dma_wait3A_63 : memref<1024xi32, #tpu.memory_space<hbm>>) dst(%arg9 : memref<1024xi32, #tpu.memory_space<vmem>>)
      %parallel_loop3A_64 = arith.constant 0 : i32
      %parallel_loop3A_65 = arith.constant 64 : i32
      %parallel_loop3A_66 = arith.constant 1 : i32
      scf.for %parallel_loop3A_80 = %parallel_loop3A_64 to %parallel_loop3A_65 step %parallel_loop3A_66  : i32 {
        %parallel_loop3A_81 = arith.constant 16 : i32
        %parallel_loop3A_82 = arith.muli %parallel_loop3A_80, %parallel_loop3A_81 : i32
        %parallel_loop3A_83 = arith.index_cast %parallel_loop3A_82 : i32 to index
        %parallel_loop3A_84 = tpu.vector_load %arg8[%parallel_loop3A_83] {strides = array<i32>} : memref<1024xi32, #tpu.memory_space<vmem>>, vector<16xi32>,
        %parallel_loop3A_85 = arith.constant 16 : i32
        %parallel_loop3A_86 = arith.muli %parallel_loop3A_80, %parallel_loop3A_85 : i32
        %parallel_loop3A_87 = arith.index_cast %parallel_loop3A_86 : i32 to index
        %parallel_loop3A_88 = tpu.vector_load %arg9[%parallel_loop3A_87] {strides = array<i32>} : memref<1024xi32, #tpu.memory_space<vmem>>, vector<16xi32>,
        %parallel_loop3A_89 = tpu.vector_load_idx %arg6[%broadcast_in_dim3A_13, %parallel_loop3A_84] : memref<4x10240xf32, #tpu.memory_space<vmem>>[vector<16xi32>, vector<16xi32>], vector<16xf32>,
        tpu.vector_store_idx %arg7[%broadcast_in_dim3A_13, %parallel_loop3A_88], %parallel_loop3A_89 {add = true} : memref<4x10240xf32, #tpu.memory_space<vmem>>[vector<16xi32>, vector<16xi32>], vector<16xf32>,
        %parallel_loop3A_90 = tpu.vector_load_idx %arg6[%broadcast_in_dim3A_15, %parallel_loop3A_84] : memref<4x10240xf32, #tpu.memory_space<vmem>>[vector<16xi32>, vector<16xi32>], vector<16xf32>,
        tpu.vector_store_idx %arg7[%broadcast_in_dim3A_15, %parallel_loop3A_88], %parallel_loop3A_90 {add = true} : memref<4x10240xf32, #tpu.memory_space<vmem>>[vector<16xi32>, vector<16xi32>], vector<16xf32>,
        %parallel_loop3A_91 = tpu.vector_load_idx %arg6[%broadcast_in_dim3A_17, %parallel_loop3A_84] : memref<4x10240xf32, #tpu.memory_space<vmem>>[vector<16xi32>, vector<16xi32>], vector<16xf32>,
        tpu.vector_store_idx %arg7[%broadcast_in_dim3A_17, %parallel_loop3A_88], %parallel_loop3A_91 {add = true} : memref<4x10240xf32, #tpu.memory_space<vmem>>[vector<16xi32>, vector<16xi32>], vector<16xf32>,
        %parallel_loop3A_92 = tpu.vector_load_idx %arg6[%broadcast_in_dim3A_19, %parallel_loop3A_84] : memref<4x10240xf32, #tpu.memory_space<vmem>>[vector<16xi32>, vector<16xi32>], vector<16xf32>,
        tpu.vector_store_idx %arg7[%broadcast_in_dim3A_19, %parallel_loop3A_88], %parallel_loop3A_92 {add = true} : memref<4x10240xf32, #tpu.memory_space<vmem>>[vector<16xi32>, vector<16xi32>], vector<16xf32>,
      } {sc.loop_unroll_factor = 4 : i64, sc.parallel_access}
      %sub3A = arith.constant 1 : i32
      %sub3A_67 = arith.subi %select_n3A, %sub3A : i32
      %lt3A = arith.cmpi slt, %while3A_45, %sub3A_67 : i32
      %convert_element_type3A = arith.extui %lt3A : i1 to i32
      %cond3A = arith.constant 0 : i32
      %cond3A_68 = arith.cmpi ne, %convert_element_type3A, %cond3A : i32
      scf.if %cond3A_68 {
        %add3A_80 = arith.constant 2048 : i32
        %add3A_81 = arith.addi %mul3A_49, %add3A_80 : i32
        %add3A_82 = arith.addi %select_n3A_26, %add3A_81 : i32
        %dma_start3A_83 = tpu.memref_slice %arg3[%add3A_82] : memref<327680xi32, #tpu.memory_space<hbm>> -> memref<1024xi32, #tpu.memory_space<hbm>>
        %dma_start3A_84 = tpu.memref_slice %arg3[%add3A_82] : memref<327680xi32, #tpu.memory_space<hbm>> -> memref<1024xi32, #tpu.memory_space<hbm>>
        tpu.enqueue_dma source(%dma_start3A_84 : memref<1024xi32, #tpu.memory_space<hbm>>) target(%arg8 : memref<1024xi32, #tpu.memory_space<vmem>>) target_semaphore(%arg12 : memref<!tpu.dma_semaphore, #tpu.memory_space<semaphore_mem>>)
        %add3A_85 = arith.addi %select_n3A_26, %add3A_81 : i32
        %dma_start3A_86 = tpu.memref_slice %arg4[%add3A_85] : memref<327680xi32, #tpu.memory_space<hbm>> -> memref<1024xi32, #tpu.memory_space<hbm>>
        %dma_start3A_87 = tpu.memref_slice %arg4[%add3A_85] : memref<327680xi32, #tpu.memory_space<hbm>> -> memref<1024xi32, #tpu.memory_space<hbm>>
        tpu.enqueue_dma source(%dma_start3A_87 : memref<1024xi32, #tpu.memory_space<hbm>>) target(%arg9 : memref<1024xi32, #tpu.memory_space<vmem>>) target_semaphore(%arg12 : memref<!tpu.dma_semaphore, #tpu.memory_space<semaphore_mem>>)
      } else {
      }
      %add3A_69 = arith.constant 1024 : i32
      %add3A_70 = arith.addi %mul3A_49, %add3A_69 : i32
      %add3A_71 = arith.addi %select_n3A_26, %add3A_70 : i32
      %dma_wait3A_72 = tpu.memref_slice %arg3[%add3A_71] : memref<327680xi32, #tpu.memory_space<hbm>> -> memref<1024xi32, #tpu.memory_space<hbm>>
      %dma_wait3A_73 = tpu.memref_slice %arg3[%add3A_71] : memref<327680xi32, #tpu.memory_space<hbm>> -> memref<1024xi32, #tpu.memory_space<hbm>>
      tpu.wait_dma2 semaphore(%arg13 : memref<!tpu.dma_semaphore, #tpu.memory_space<semaphore_mem>>) src(%dma_wait3A_73 : memref<1024xi32, #tpu.memory_space<hbm>>) dst(%arg10 : memref<1024xi32, #tpu.memory_space<vmem>>)
      %add3A_74 = arith.addi %select_n3A_26, %add3A_70 : i32
      %dma_wait3A_75 = tpu.memref_slice %arg4[%add3A_74] : memref<327680xi32, #tpu.memory_space<hbm>> -> memref<1024xi32, #tpu.memory_space<hbm>>
      %dma_wait3A_76 = tpu.memref_slice %arg4[%add3A_74] : memref<327680xi32, #tpu.memory_space<hbm>> -> memref<1024xi32, #tpu.memory_space<hbm>>
      tpu.wait_dma2 semaphore(%arg13 : memref<!tpu.dma_semaphore, #tpu.memory_space<semaphore_mem>>) src(%dma_wait3A_76 : memref<1024xi32, #tpu.memory_space<hbm>>) dst(%arg11 : memref<1024xi32, #tpu.memory_space<vmem>>)
      %parallel_loop3A_77 = arith.constant 0 : i32
      %parallel_loop3A_78 = arith.constant 64 : i32
      %parallel_loop3A_79 = arith.constant 1 : i32
      scf.for %parallel_loop3A_80 = %parallel_loop3A_77 to %parallel_loop3A_78 step %parallel_loop3A_79  : i32 {
        %parallel_loop3A_81 = arith.constant 16 : i32
        %parallel_loop3A_82 = arith.muli %parallel_loop3A_80, %parallel_loop3A_81 : i32
        %parallel_loop3A_83 = arith.index_cast %parallel_loop3A_82 : i32 to index
        %parallel_loop3A_84 = tpu.vector_load %arg10[%parallel_loop3A_83] {strides = array<i32>} : memref<1024xi32, #tpu.memory_space<vmem>>, vector<16xi32>,
        %parallel_loop3A_85 = arith.constant 16 : i32
        %parallel_loop3A_86 = arith.muli %parallel_loop3A_80, %parallel_loop3A_85 : i32
        %parallel_loop3A_87 = arith.index_cast %parallel_loop3A_86 : i32 to index
        %parallel_loop3A_88 = tpu.vector_load %arg11[%parallel_loop3A_87] {strides = array<i32>} : memref<1024xi32, #tpu.memory_space<vmem>>, vector<16xi32>,
        %parallel_loop3A_89 = tpu.vector_load_idx %arg6[%broadcast_in_dim3A_13, %parallel_loop3A_84] : memref<4x10240xf32, #tpu.memory_space<vmem>>[vector<16xi32>, vector<16xi32>], vector<16xf32>,
        tpu.vector_store_idx %arg7[%broadcast_in_dim3A_13, %parallel_loop3A_88], %parallel_loop3A_89 {add = true} : memref<4x10240xf32, #tpu.memory_space<vmem>>[vector<16xi32>, vector<16xi32>], vector<16xf32>,
        %parallel_loop3A_90 = tpu.vector_load_idx %arg6[%broadcast_in_dim3A_15, %parallel_loop3A_84] : memref<4x10240xf32, #tpu.memory_space<vmem>>[vector<16xi32>, vector<16xi32>], vector<16xf32>,
        tpu.vector_store_idx %arg7[%broadcast_in_dim3A_15, %parallel_loop3A_88], %parallel_loop3A_90 {add = true} : memref<4x10240xf32, #tpu.memory_space<vmem>>[vector<16xi32>, vector<16xi32>], vector<16xf32>,
        %parallel_loop3A_91 = tpu.vector_load_idx %arg6[%broadcast_in_dim3A_17, %parallel_loop3A_84] : memref<4x10240xf32, #tpu.memory_space<vmem>>[vector<16xi32>, vector<16xi32>], vector<16xf32>,
        tpu.vector_store_idx %arg7[%broadcast_in_dim3A_17, %parallel_loop3A_88], %parallel_loop3A_91 {add = true} : memref<4x10240xf32, #tpu.memory_space<vmem>>[vector<16xi32>, vector<16xi32>], vector<16xf32>,
        %parallel_loop3A_92 = tpu.vector_load_idx %arg6[%broadcast_in_dim3A_19, %parallel_loop3A_84] : memref<4x10240xf32, #tpu.memory_space<vmem>>[vector<16xi32>, vector<16xi32>], vector<16xf32>,
        tpu.vector_store_idx %arg7[%broadcast_in_dim3A_19, %parallel_loop3A_88], %parallel_loop3A_92 {add = true} : memref<4x10240xf32, #tpu.memory_space<vmem>>[vector<16xi32>, vector<16xi32>], vector<16xf32>,
      } {sc.loop_unroll_factor = 4 : i64, sc.parallel_access}
    }
    %while3A_42 = arith.constant 1 : i32
    scf.for %while3A_45 = %while3A_40 to %while3A_36 step %while3A_42  : i32 {
      %mul3A_46 = arith.constant 2 : i32
      %mul3A_47 = arith.muli %while3A_45, %mul3A_46 : i32
      %mul3A_48 = arith.constant 1024 : i32
      %mul3A_49 = arith.muli %mul3A_47, %mul3A_48 : i32
      %add3A_50 = arith.constant 1024 : i32
      %add3A_51 = arith.addi %mul3A_49, %add3A_50 : i32
      %add3A_52 = arith.addi %select_n3A_26, %add3A_51 : i32
      %dma_start3A_53 = tpu.memref_slice %arg3[%add3A_52] : memref<327680xi32, #tpu.memory_space<hbm>> -> memref<1024xi32, #tpu.memory_space<hbm>>
      %dma_start3A_54 = tpu.memref_slice %arg3[%add3A_52] : memref<327680xi32, #tpu.memory_space<hbm>> -> memref<1024xi32, #tpu.memory_space<hbm>>
      tpu.enqueue_dma source(%dma_start3A_54 : memref<1024xi32, #tpu.memory_space<hbm>>) target(%arg10 : memref<1024xi32, #tpu.memory_space<vmem>>) target_semaphore(%arg13 : memref<!tpu.dma_semaphore, #tpu.memory_space<semaphore_mem>>)
      %add3A_55 = arith.addi %select_n3A_26, %add3A_51 : i32
      %dma_start3A_56 = tpu.memref_slice %arg4[%add3A_55] : memref<327680xi32, #tpu.memory_space<hbm>> -> memref<1024xi32, #tpu.memory_space<hbm>>
      %dma_start3A_57 = tpu.memref_slice %arg4[%add3A_55] : memref<327680xi32, #tpu.memory_space<hbm>> -> memref<1024xi32, #tpu.memory_space<hbm>>
      tpu.enqueue_dma source(%dma_start3A_57 : memref<1024xi32, #tpu.memory_space<hbm>>) target(%arg11 : memref<1024xi32, #tpu.memory_space<vmem>>) target_semaphore(%arg13 : memref<!tpu.dma_semaphore, #tpu.memory_space<semaphore_mem>>)
      %add3A_58 = arith.addi %select_n3A_26, %mul3A_49 : i32
      %dma_wait3A_59 = tpu.memref_slice %arg3[%add3A_58] : memref<327680xi32, #tpu.memory_space<hbm>> -> memref<1024xi32, #tpu.memory_space<hbm>>
      %dma_wait3A_60 = tpu.memref_slice %arg3[%add3A_58] : memref<327680xi32, #tpu.memory_space<hbm>> -> memref<1024xi32, #tpu.memory_space<hbm>>
      tpu.wait_dma2 semaphore(%arg12 : memref<!tpu.dma_semaphore, #tpu.memory_space<semaphore_mem>>) src(%dma_wait3A_60 : memref<1024xi32, #tpu.memory_space<hbm>>) dst(%arg8 : memref<1024xi32, #tpu.memory_space<vmem>>)
      %add3A_61 = arith.addi %select_n3A_26, %mul3A_49 : i32
      %dma_wait3A_62 = tpu.memref_slice %arg4[%add3A_61] : memref<327680xi32, #tpu.memory_space<hbm>> -> memref<1024xi32, #tpu.memory_space<hbm>>
      %dma_wait3A_63 = tpu.memref_slice %arg4[%add3A_61] : memref<327680xi32, #tpu.memory_space<hbm>> -> memref<1024xi32, #tpu.memory_space<hbm>>
      tpu.wait_dma2 semaphore(%arg12 : memref<!tpu.dma_semaphore, #tpu.memory_space<semaphore_mem>>) src(%dma_wait3A_63 : memref<1024xi32, #tpu.memory_space<hbm>>) dst(%arg9 : memref<1024xi32, #tpu.memory_space<vmem>>)
      %parallel_loop3A_64 = arith.constant 0 : i32
      %parallel_loop3A_65 = arith.constant 64 : i32
      %parallel_loop3A_66 = arith.constant 1 : i32
      scf.for %parallel_loop3A_80 = %parallel_loop3A_64 to %parallel_loop3A_65 step %parallel_loop3A_66  : i32 {
        %parallel_loop3A_81 = arith.constant 16 : i32
        %parallel_loop3A_82 = arith.muli %parallel_loop3A_80, %parallel_loop3A_81 : i32
        %parallel_loop3A_83 = arith.index_cast %parallel_loop3A_82 : i32 to index
        %parallel_loop3A_84 = tpu.vector_load %arg8[%parallel_loop3A_83] {strides = array<i32>} : memref<1024xi32, #tpu.memory_space<vmem>>, vector<16xi32>,
        %parallel_loop3A_85 = arith.constant 16 : i32
        %parallel_loop3A_86 = arith.muli %parallel_loop3A_80, %parallel_loop3A_85 : i32
        %parallel_loop3A_87 = arith.index_cast %parallel_loop3A_86 : i32 to index
        %parallel_loop3A_88 = tpu.vector_load %arg9[%parallel_loop3A_87] {strides = array<i32>} : memref<1024xi32, #tpu.memory_space<vmem>>, vector<16xi32>,
        %parallel_loop3A_89 = tpu.vector_load_idx %arg6[%broadcast_in_dim3A_13, %parallel_loop3A_84] : memref<4x10240xf32, #tpu.memory_space<vmem>>[vector<16xi32>, vector<16xi32>], vector<16xf32>,
        tpu.vector_store_idx %arg7[%broadcast_in_dim3A_13, %parallel_loop3A_88], %parallel_loop3A_89 {add = true} : memref<4x10240xf32, #tpu.memory_space<vmem>>[vector<16xi32>, vector<16xi32>], vector<16xf32>,
        %parallel_loop3A_90 = tpu.vector_load_idx %arg6[%broadcast_in_dim3A_15, %parallel_loop3A_84] : memref<4x10240xf32, #tpu.memory_space<vmem>>[vector<16xi32>, vector<16xi32>], vector<16xf32>,
        tpu.vector_store_idx %arg7[%broadcast_in_dim3A_15, %parallel_loop3A_88], %parallel_loop3A_90 {add = true} : memref<4x10240xf32, #tpu.memory_space<vmem>>[vector<16xi32>, vector<16xi32>], vector<16xf32>,
        %parallel_loop3A_91 = tpu.vector_load_idx %arg6[%broadcast_in_dim3A_17, %parallel_loop3A_84] : memref<4x10240xf32, #tpu.memory_space<vmem>>[vector<16xi32>, vector<16xi32>], vector<16xf32>,
        tpu.vector_store_idx %arg7[%broadcast_in_dim3A_17, %parallel_loop3A_88], %parallel_loop3A_91 {add = true} : memref<4x10240xf32, #tpu.memory_space<vmem>>[vector<16xi32>, vector<16xi32>], vector<16xf32>,
        %parallel_loop3A_92 = tpu.vector_load_idx %arg6[%broadcast_in_dim3A_19, %parallel_loop3A_84] : memref<4x10240xf32, #tpu.memory_space<vmem>>[vector<16xi32>, vector<16xi32>], vector<16xf32>,
        tpu.vector_store_idx %arg7[%broadcast_in_dim3A_19, %parallel_loop3A_88], %parallel_loop3A_92 {add = true} : memref<4x10240xf32, #tpu.memory_space<vmem>>[vector<16xi32>, vector<16xi32>], vector<16xf32>,
      } {sc.loop_unroll_factor = 4 : i64, sc.parallel_access}
      %sub3A = arith.constant 1 : i32
      %sub3A_67 = arith.subi %select_n3A, %sub3A : i32
      %lt3A = arith.cmpi slt, %while3A_45, %sub3A_67 : i32
      %convert_element_type3A = arith.extui %lt3A : i1 to i32
      %cond3A = arith.constant 0 : i32
      %cond3A_68 = arith.cmpi ne, %convert_element_type3A, %cond3A : i32
      scf.if %cond3A_68 {
        %add3A_80 = arith.constant 2048 : i32
        %add3A_81 = arith.addi %mul3A_49, %add3A_80 : i32
        %add3A_82 = arith.addi %select_n3A_26, %add3A_81 : i32
        %dma_start3A_83 = tpu.memref_slice %arg3[%add3A_82] : memref<327680xi32, #tpu.memory_space<hbm>> -> memref<1024xi32, #tpu.memory_space<hbm>>
        %dma_start3A_84 = tpu.memref_slice %arg3[%add3A_82] : memref<327680xi32, #tpu.memory_space<hbm>> -> memref<1024xi32, #tpu.memory_space<hbm>>
        tpu.enqueue_dma source(%dma_start3A_84 : memref<1024xi32, #tpu.memory_space<hbm>>) target(%arg8 : memref<1024xi32, #tpu.memory_space<vmem>>) target_semaphore(%arg12 : memref<!tpu.dma_semaphore, #tpu.memory_space<semaphore_mem>>)
        %add3A_85 = arith.addi %select_n3A_26, %add3A_81 : i32
        %dma_start3A_86 = tpu.memref_slice %arg4[%add3A_85] : memref<327680xi32, #tpu.memory_space<hbm>> -> memref<1024xi32, #tpu.memory_space<hbm>>
        %dma_start3A_87 = tpu.memref_slice %arg4[%add3A_85] : memref<327680xi32, #tpu.memory_space<hbm>> -> memref<1024xi32, #tpu.memory_space<hbm>>
        tpu.enqueue_dma source(%dma_start3A_87 : memref<1024xi32, #tpu.memory_space<hbm>>) target(%arg9 : memref<1024xi32, #tpu.memory_space<vmem>>) target_semaphore(%arg12 : memref<!tpu.dma_semaphore, #tpu.memory_space<semaphore_mem>>)
      } else {
      }
      %add3A_69 = arith.constant 1024 : i32
      %add3A_70 = arith.addi %mul3A_49, %add3A_69 : i32
      %add3A_71 = arith.addi %select_n3A_26, %add3A_70 : i32
      %dma_wait3A_72 = tpu.memref_slice %arg3[%add3A_71] : memref<327680xi32, #tpu.memory_space<hbm>> -> memref<1024xi32, #tpu.memory_space<hbm>>
      %dma_wait3A_73 = tpu.memref_slice %arg3[%add3A_71] : memref<327680xi32, #tpu.memory_space<hbm>> -> memref<1024xi32, #tpu.memory_space<hbm>>
      tpu.wait_dma2 semaphore(%arg13 : memref<!tpu.dma_semaphore, #tpu.memory_space<semaphore_mem>>) src(%dma_wait3A_73 : memref<1024xi32, #tpu.memory_space<hbm>>) dst(%arg10 : memref<1024xi32, #tpu.memory_space<vmem>>)
      %add3A_74 = arith.addi %select_n3A_26, %add3A_70 : i32
      %dma_wait3A_75 = tpu.memref_slice %arg4[%add3A_74] : memref<327680xi32, #tpu.memory_space<hbm>> -> memref<1024xi32, #tpu.memory_space<hbm>>
      %dma_wait3A_76 = tpu.memref_slice %arg4[%add3A_74] : memref<327680xi32, #tpu.memory_space<hbm>> -> memref<1024xi32, #tpu.memory_space<hbm>>
      tpu.wait_dma2 semaphore(%arg13 : memref<!tpu.dma_semaphore, #tpu.memory_space<semaphore_mem>>) src(%dma_wait3A_76 : memref<1024xi32, #tpu.memory_space<hbm>>) dst(%arg11 : memref<1024xi32, #tpu.memory_space<vmem>>)
      %parallel_loop3A_77 = arith.constant 0 : i32
      %parallel_loop3A_78 = arith.constant 64 : i32
      %parallel_loop3A_79 = arith.constant 1 : i32
      scf.for %parallel_loop3A_80 = %parallel_loop3A_77 to %parallel_loop3A_78 step %parallel_loop3A_79  : i32 {
        %parallel_loop3A_81 = arith.constant 16 : i32
        %parallel_loop3A_82 = arith.muli %parallel_loop3A_80, %parallel_loop3A_81 : i32
        %parallel_loop3A_83 = arith.index_cast %parallel_loop3A_82 : i32 to index
        %parallel_loop3A_84 = tpu.vector_load %arg10[%parallel_loop3A_83] {strides = array<i32>} : memref<1024xi32, #tpu.memory_space<vmem>>, vector<16xi32>,
        %parallel_loop3A_85 = arith.constant 16 : i32
        %parallel_loop3A_86 = arith.muli %parallel_loop3A_80, %parallel_loop3A_85 : i32
        %parallel_loop3A_87 = arith.index_cast %parallel_loop3A_86 : i32 to index
        %parallel_loop3A_88 = tpu.vector_load %arg11[%parallel_loop3A_87] {strides = array<i32>} : memref<1024xi32, #tpu.memory_space<vmem>>, vector<16xi32>,
        %parallel_loop3A_89 = tpu.vector_load_idx %arg6[%broadcast_in_dim3A_13, %parallel_loop3A_84] : memref<4x10240xf32, #tpu.memory_space<vmem>>[vector<16xi32>, vector<16xi32>], vector<16xf32>,
        tpu.vector_store_idx %arg7[%broadcast_in_dim3A_13, %parallel_loop3A_88], %parallel_loop3A_89 {add = true} : memref<4x10240xf32, #tpu.memory_space<vmem>>[vector<16xi32>, vector<16xi32>], vector<16xf32>,
        %parallel_loop3A_90 = tpu.vector_load_idx %arg6[%broadcast_in_dim3A_15, %parallel_loop3A_84] : memref<4x10240xf32, #tpu.memory_space<vmem>>[vector<16xi32>, vector<16xi32>], vector<16xf32>,
        tpu.vector_store_idx %arg7[%broadcast_in_dim3A_15, %parallel_loop3A_88], %parallel_loop3A_90 {add = true} : memref<4x10240xf32, #tpu.memory_space<vmem>>[vector<16xi32>, vector<16xi32>], vector<16xf32>,
        %parallel_loop3A_91 = tpu.vector_load_idx %arg6[%broadcast_in_dim3A_17, %parallel_loop3A_84] : memref<4x10240xf32, #tpu.memory_space<vmem>>[vector<16xi32>, vector<16xi32>], vector<16xf32>,
        tpu.vector_store_idx %arg7[%broadcast_in_dim3A_17, %parallel_loop3A_88], %parallel_loop3A_91 {add = true} : memref<4x10240xf32, #tpu.memory_space<vmem>>[vector<16xi32>, vector<16xi32>], vector<16xf32>,
        %parallel_loop3A_92 = tpu.vector_load_idx %arg6[%broadcast_in_dim3A_19, %parallel_loop3A_84] : memref<4x10240xf32, #tpu.memory_space<vmem>>[vector<16xi32>, vector<16xi32>], vector<16xf32>,
        tpu.vector_store_idx %arg7[%broadcast_in_dim3A_19, %parallel_loop3A_88], %parallel_loop3A_92 {add = true} : memref<4x10240xf32, #tpu.memory_space<vmem>>[vector<16xi32>, vector<16xi32>], vector<16xf32>,
      } {sc.loop_unroll_factor = 4 : i64, sc.parallel_access}
    }
    %mul3A_43 = arith.constant 4 : i32
    %mul3A_44 = arith.muli %arg1, %mul3A_43 : i32
    "tpu.region"() ({
      %run_scoped3A = tpu.sem_alloc : memref<!tpu.dma_semaphore, #tpu.memory_space<semaphore_mem>>
      %dma_start3A_45 = arith.constant 0 : i32
      %dma_start3A_46 = tpu.memref_slice %arg5[%arg0, %mul3A_44, %dma_start3A_45] : memref<2x64x10240xf32, #tpu.memory_space<hbm>> -> memref<1x4x10240xf32, #tpu.memory_space<hbm>>
      %dma_start3A_47 = tpu.memref_squeeze %dma_start3A_46 : memref<1x4x10240xf32, #tpu.memory_space<hbm>> -> memref<4x10240xf32, #tpu.memory_space<hbm>>
      %dma_start3A_48 = arith.constant 0 : i32
      %dma_start3A_49 = tpu.memref_slice %arg5[%arg0, %mul3A_44, %dma_start3A_48] : memref<2x64x10240xf32, #tpu.memory_space<hbm>> -> memref<1x4x10240xf32, #tpu.memory_space<hbm>>
      %dma_start3A_50 = tpu.memref_squeeze %dma_start3A_49 : memref<1x4x10240xf32, #tpu.memory_space<hbm>> -> memref<4x10240xf32, #tpu.memory_space<hbm>>
      tpu.enqueue_dma source(%arg7 : memref<4x10240xf32, #tpu.memory_space<vmem>>) target(%dma_start3A_50 : memref<4x10240xf32, #tpu.memory_space<hbm>>) target_semaphore(%run_scoped3A : memref<!tpu.dma_semaphore, #tpu.memory_space<semaphore_mem>>)
      %dma_wait3A_51 = arith.constant 0 : i32
      %dma_wait3A_52 = tpu.memref_slice %arg5[%arg0, %mul3A_44, %dma_wait3A_51] : memref<2x64x10240xf32, #tpu.memory_space<hbm>> -> memref<1x4x10240xf32, #tpu.memory_space<hbm>>
      %dma_wait3A_53 = tpu.memref_squeeze %dma_wait3A_52 : memref<1x4x10240xf32, #tpu.memory_space<hbm>> -> memref<4x10240xf32, #tpu.memory_space<hbm>>
      %dma_wait3A_54 = arith.constant 0 : i32
      %dma_wait3A_55 = tpu.memref_slice %arg5[%arg0, %mul3A_44, %dma_wait3A_54] : memref<2x64x10240xf32, #tpu.memory_space<hbm>> -> memref<1x4x10240xf32, #tpu.memory_space<hbm>>
      %dma_wait3A_56 = tpu.memref_squeeze %dma_wait3A_55 : memref<1x4x10240xf32, #tpu.memory_space<hbm>> -> memref<4x10240xf32, #tpu.memory_space<hbm>>
      tpu.wait_dma2 semaphore(%run_scoped3A : memref<!tpu.dma_semaphore, #tpu.memory_space<semaphore_mem>>) src(%arg7 : memref<4x10240xf32, #tpu.memory_space<vmem>>) dst(%dma_wait3A_56 : memref<4x10240xf32, #tpu.memory_space<hbm>>)
      tpu.yield
    }) : () -> ()
    return
  }
}

#map = affine_map<(d0, d1) -> (0, 0)>
#map1 = affine_map<(d0, d1) -> (0)>
#map2 = affine_map<(d0, d1) -> (0, 0, 0)>
module attributes {stable_mosaic.version = 14 : i64} {
  func.func @_sc_layer_reg(%arg0: i32, %arg1: i32, %arg2: memref<64x10240xf32, #tpu.memory_space<hbm>>, %arg3: memref<327680xi32, #tpu.memory_space<hbm>>, %arg4: memref<327680xi32, #tpu.memory_space<hbm>>, %arg5: memref<2x64x10240xf32, #tpu.memory_space<hbm>>, %arg6: memref<4x10240xf32, #tpu.memory_space<vmem>>, %arg7: memref<4x10240xf32, #tpu.memory_space<vmem>>, %arg8: memref<1024xi32, #tpu.memory_space<vmem>>, %arg9: memref<1024xi32, #tpu.memory_space<vmem>>, %arg10: memref<1024xi32, #tpu.memory_space<vmem>>, %arg11: memref<1024xi32, #tpu.memory_space<vmem>>, %arg12: memref<!tpu.dma_semaphore, #tpu.memory_space<semaphore_mem>>, %arg13: memref<!tpu.dma_semaphore, #tpu.memory_space<semaphore_mem>>) attributes {dimension_semantics = [#tpu.dimension_semantics<core_parallel>, #tpu.dimension_semantics<subcore_parallel>], iteration_bounds = array<i64: 2, 16>, scalar_prefetch = 0 : i64, scratch_operands = 8 : i64, tpu.core_type = #tpu.core_type<sc_vector_subcore>, window_params = [{transform_indices = #map}, {transform_indices = #map1}, {transform_indices = #map1}, {transform_indices = #map2}]} {
    %mul3A = arith.constant 4 : i32
    %mul3A_0 = arith.muli %arg1, %mul3A : i32
    %dma_start3A = arith.constant 0 : i32
    %dma_start3A_1 = tpu.memref_slice %arg2[%mul3A_0, %dma_start3A] : memref<64x10240xf32, #tpu.memory_space<hbm>> -> memref<4x10240xf32, #tpu.memory_space<hbm>>
    %dma_start3A_2 = arith.constant 0 : i32
    %dma_start3A_3 = tpu.memref_slice %arg2[%mul3A_0, %dma_start3A_2] : memref<64x10240xf32, #tpu.memory_space<hbm>> -> memref<4x10240xf32, #tpu.memory_space<hbm>>
    tpu.enqueue_dma source(%dma_start3A_3 : memref<4x10240xf32, #tpu.memory_space<hbm>>) target(%arg6 : memref<4x10240xf32, #tpu.memory_space<vmem>>) target_semaphore(%arg13 : memref<!tpu.dma_semaphore, #tpu.memory_space<semaphore_mem>>)
    %broadcast_in_dim3A = arith.constant 0.000000e+00 : f32
    %broadcast_in_dim3A_4 = vector.broadcast %broadcast_in_dim3A : f32 to vector<16xf32>
    %parallel_loop3A = arith.constant 0 : i32
    %parallel_loop3A_5 = arith.constant 640 : i32
    %parallel_loop3A_6 = arith.constant 1 : i32
    scf.for %parallel_loop3A_45 = %parallel_loop3A to %parallel_loop3A_5 step %parallel_loop3A_6  : i32 {
      %parallel_loop3A_46 = arith.constant 16 : i32
      %parallel_loop3A_47 = arith.muli %parallel_loop3A_45, %parallel_loop3A_46 : i32
      %parallel_loop3A_48 = arith.constant 0 : i32
      %parallel_loop3A_49 = arith.index_cast %parallel_loop3A_48 : i32 to index
      %parallel_loop3A_50 = arith.index_cast %parallel_loop3A_47 : i32 to index
      %parallel_loop3A_51 = tpu.vector_load %arg7[%parallel_loop3A_49, %parallel_loop3A_50] {strides = array<i32>} : memref<4x10240xf32, #tpu.memory_space<vmem>>, vector<16xf32>,
      tpu.vector_store %arg7[%parallel_loop3A_49, %parallel_loop3A_50], %broadcast_in_dim3A_4 {strides = array<i32>} : memref<4x10240xf32, #tpu.memory_space<vmem>>, vector<16xf32>,
      %parallel_loop3A_52 = arith.constant 16 : i32
      %parallel_loop3A_53 = arith.muli %parallel_loop3A_45, %parallel_loop3A_52 : i32
      %parallel_loop3A_54 = arith.constant 1 : i32
      %parallel_loop3A_55 = arith.index_cast %parallel_loop3A_54 : i32 to index
      %parallel_loop3A_56 = arith.index_cast %parallel_loop3A_53 : i32 to index
      %parallel_loop3A_57 = tpu.vector_load %arg7[%parallel_loop3A_55, %parallel_loop3A_56] {strides = array<i32>} : memref<4x10240xf32, #tpu.memory_space<vmem>>, vector<16xf32>,
      tpu.vector_store %arg7[%parallel_loop3A_55, %parallel_loop3A_56], %broadcast_in_dim3A_4 {strides = array<i32>} : memref<4x10240xf32, #tpu.memory_space<vmem>>, vector<16xf32>,
      %parallel_loop3A_58 = arith.constant 16 : i32
      %parallel_loop3A_59 = arith.muli %parallel_loop3A_45, %parallel_loop3A_58 : i32
      %parallel_loop3A_60 = arith.constant 2 : i32
      %parallel_loop3A_61 = arith.index_cast %parallel_loop3A_60 : i32 to index
      %parallel_loop3A_62 = arith.index_cast %parallel_loop3A_59 : i32 to index
      %parallel_loop3A_63 = tpu.vector_load %arg7[%parallel_loop3A_61, %parallel_loop3A_62] {strides = array<i32>} : memref<4x10240xf32, #tpu.memory_space<vmem>>, vector<16xf32>,
      tpu.vector_store %arg7[%parallel_loop3A_61, %parallel_loop3A_62], %broadcast_in_dim3A_4 {strides = array<i32>} : memref<4x10240xf32, #tpu.memory_space<vmem>>, vector<16xf32>,
      %parallel_loop3A_64 = arith.constant 16 : i32
      %parallel_loop3A_65 = arith.muli %parallel_loop3A_45, %parallel_loop3A_64 : i32
      %parallel_loop3A_66 = arith.constant 3 : i32
      %parallel_loop3A_67 = arith.index_cast %parallel_loop3A_66 : i32 to index
      %parallel_loop3A_68 = arith.index_cast %parallel_loop3A_65 : i32 to index
      %parallel_loop3A_69 = tpu.vector_load %arg7[%parallel_loop3A_67, %parallel_loop3A_68] {strides = array<i32>} : memref<4x10240xf32, #tpu.memory_space<vmem>>, vector<16xf32>,
      tpu.vector_store %arg7[%parallel_loop3A_67, %parallel_loop3A_68], %broadcast_in_dim3A_4 {strides = array<i32>} : memref<4x10240xf32, #tpu.memory_space<vmem>>, vector<16xf32>,
    } {sc.loop_unroll_factor = 8 : i64, sc.parallel_access}
    %mul3A_7 = arith.constant 4 : i32
    %mul3A_8 = arith.muli %arg1, %mul3A_7 : i32
    %dma_wait3A = arith.constant 0 : i32
    %dma_wait3A_9 = tpu.memref_slice %arg2[%mul3A_8, %dma_wait3A] : memref<64x10240xf32, #tpu.memory_space<hbm>> -> memref<4x10240xf32, #tpu.memory_space<hbm>>
    %dma_wait3A_10 = arith.constant 0 : i32
    %dma_wait3A_11 = tpu.memref_slice %arg2[%mul3A_8, %dma_wait3A_10] : memref<64x10240xf32, #tpu.memory_space<hbm>> -> memref<4x10240xf32, #tpu.memory_space<hbm>>
    tpu.wait_dma2 semaphore(%arg13 : memref<!tpu.dma_semaphore, #tpu.memory_space<semaphore_mem>>) src(%dma_wait3A_11 : memref<4x10240xf32, #tpu.memory_space<hbm>>) dst(%arg6 : memref<4x10240xf32, #tpu.memory_space<vmem>>)
    %broadcast_in_dim3A_12 = arith.constant 0 : i32
    %broadcast_in_dim3A_13 = vector.broadcast %broadcast_in_dim3A_12 : i32 to vector<16xi32>
    %broadcast_in_dim3A_14 = arith.constant 1 : i32
    %broadcast_in_dim3A_15 = vector.broadcast %broadcast_in_dim3A_14 : i32 to vector<16xi32>
    %broadcast_in_dim3A_16 = arith.constant 2 : i32
    %broadcast_in_dim3A_17 = vector.broadcast %broadcast_in_dim3A_16 : i32 to vector<16xi32>
    %broadcast_in_dim3A_18 = arith.constant 3 : i32
    %broadcast_in_dim3A_19 = vector.broadcast %broadcast_in_dim3A_18 : i32 to vector<16xi32>
    %eq3A = arith.constant 0 : i32
    %eq3A_20 = arith.cmpi eq, %arg0, %eq3A : i32
    %jit3A = arith.constant 90 : i32
    %jit3A_21 = arith.constant 70 : i32
    %select_n3A = arith.select %eq3A_20, %jit3A, %jit3A_21 : i32
    %eq3A_22 = arith.constant 0 : i32
    %eq3A_23 = arith.cmpi eq, %arg0, %eq3A_22 : i32
    %jit3A_24 = arith.constant 0 : i32
    %jit3A_25 = arith.constant 184320 : i32
    %select_n3A_26 = arith.select %eq3A_23, %jit3A_24, %jit3A_25 : i32
    %add3A = arith.constant 0 : i32
    %add3A_27 = arith.addi %select_n3A_26, %add3A : i32
    %dma_start3A_28 = tpu.memref_slice %arg3[%add3A_27] : memref<327680xi32, #tpu.memory_space<hbm>> -> memref<1024xi32, #tpu.memory_space<hbm>>
    %dma_start3A_29 = tpu.memref_slice %arg3[%add3A_27] : memref<327680xi32, #tpu.memory_space<hbm>> -> memref<1024xi32, #tpu.memory_space<hbm>>
    tpu.enqueue_dma source(%dma_start3A_29 : memref<1024xi32, #tpu.memory_space<hbm>>) target(%arg8 : memref<1024xi32, #tpu.memory_space<vmem>>) target_semaphore(%arg12 : memref<!tpu.dma_semaphore, #tpu.memory_space<semaphore_mem>>)
    %add3A_30 = arith.constant 0 : i32
    %add3A_31 = arith.addi %select_n3A_26, %add3A_30 : i32
    %dma_start3A_32 = tpu.memref_slice %arg4[%add3A_31] : memref<327680xi32, #tpu.memory_space<hbm>> -> memref<1024xi32, #tpu.memory_space<hbm>>
    %dma_start3A_33 = tpu.memref_slice %arg4[%add3A_31] : memref<327680xi32, #tpu.memory_space<hbm>> -> memref<1024xi32, #tpu.memory_space<hbm>>
    tpu.enqueue_dma source(%dma_start3A_33 : memref<1024xi32, #tpu.memory_space<hbm>>) target(%arg9 : memref<1024xi32, #tpu.memory_space<vmem>>) target_semaphore(%arg12 : memref<!tpu.dma_semaphore, #tpu.memory_space<semaphore_mem>>)
    %while3A = arith.constant 0 : i32
    %while3A_34 = arith.constant 0 : i32
    %while3A_35 = arith.subi %select_n3A, %while3A_34 : i32
    %while3A_36 = arith.addi %while3A_34, %while3A_35 : i32
    %while3A_37 = arith.constant 1 : i32
    %while3A_38 = arith.divsi %while3A_35, %while3A_37 : i32
    %while3A_39 = arith.muli %while3A_38, %while3A_37 : i32
    %while3A_40 = arith.addi %while3A_34, %while3A_39 : i32
    %while3A_41 = arith.constant 1 : i32
    scf.for %while3A_45 = %while3A_34 to %while3A_40 step %while3A_41  : i32 {
      %mul3A_46 = arith.constant 2 : i32
      %mul3A_47 = arith.muli %while3A_45, %mul3A_46 : i32
      %mul3A_48 = arith.constant 1024 : i32
      %mul3A_49 = arith.muli %mul3A_47, %mul3A_48 : i32
      %add3A_50 = arith.constant 1024 : i32
      %add3A_51 = arith.addi %mul3A_49, %add3A_50 : i32
      %add3A_52 = arith.addi %select_n3A_26, %add3A_51 : i32
      %dma_start3A_53 = tpu.memref_slice %arg3[%add3A_52] : memref<327680xi32, #tpu.memory_space<hbm>> -> memref<1024xi32, #tpu.memory_space<hbm>>
      %dma_start3A_54 = tpu.memref_slice %arg3[%add3A_52] : memref<327680xi32, #tpu.memory_space<hbm>> -> memref<1024xi32, #tpu.memory_space<hbm>>
      tpu.enqueue_dma source(%dma_start3A_54 : memref<1024xi32, #tpu.memory_space<hbm>>) target(%arg10 : memref<1024xi32, #tpu.memory_space<vmem>>) target_semaphore(%arg13 : memref<!tpu.dma_semaphore, #tpu.memory_space<semaphore_mem>>)
      %add3A_55 = arith.addi %select_n3A_26, %add3A_51 : i32
      %dma_start3A_56 = tpu.memref_slice %arg4[%add3A_55] : memref<327680xi32, #tpu.memory_space<hbm>> -> memref<1024xi32, #tpu.memory_space<hbm>>
      %dma_start3A_57 = tpu.memref_slice %arg4[%add3A_55] : memref<327680xi32, #tpu.memory_space<hbm>> -> memref<1024xi32, #tpu.memory_space<hbm>>
      tpu.enqueue_dma source(%dma_start3A_57 : memref<1024xi32, #tpu.memory_space<hbm>>) target(%arg11 : memref<1024xi32, #tpu.memory_space<vmem>>) target_semaphore(%arg13 : memref<!tpu.dma_semaphore, #tpu.memory_space<semaphore_mem>>)
      %add3A_58 = arith.addi %select_n3A_26, %mul3A_49 : i32
      %dma_wait3A_59 = tpu.memref_slice %arg3[%add3A_58] : memref<327680xi32, #tpu.memory_space<hbm>> -> memref<1024xi32, #tpu.memory_space<hbm>>
      %dma_wait3A_60 = tpu.memref_slice %arg3[%add3A_58] : memref<327680xi32, #tpu.memory_space<hbm>> -> memref<1024xi32, #tpu.memory_space<hbm>>
      tpu.wait_dma2 semaphore(%arg12 : memref<!tpu.dma_semaphore, #tpu.memory_space<semaphore_mem>>) src(%dma_wait3A_60 : memref<1024xi32, #tpu.memory_space<hbm>>) dst(%arg8 : memref<1024xi32, #tpu.memory_space<vmem>>)
      %add3A_61 = arith.addi %select_n3A_26, %mul3A_49 : i32
      %dma_wait3A_62 = tpu.memref_slice %arg4[%add3A_61] : memref<327680xi32, #tpu.memory_space<hbm>> -> memref<1024xi32, #tpu.memory_space<hbm>>
      %dma_wait3A_63 = tpu.memref_slice %arg4[%add3A_61] : memref<327680xi32, #tpu.memory_space<hbm>> -> memref<1024xi32, #tpu.memory_space<hbm>>
      tpu.wait_dma2 semaphore(%arg12 : memref<!tpu.dma_semaphore, #tpu.memory_space<semaphore_mem>>) src(%dma_wait3A_63 : memref<1024xi32, #tpu.memory_space<hbm>>) dst(%arg9 : memref<1024xi32, #tpu.memory_space<vmem>>)
      %parallel_loop3A_64 = arith.constant 0 : i32
      %parallel_loop3A_65 = arith.constant 64 : i32
      %parallel_loop3A_66 = arith.constant 1 : i32
      scf.for %parallel_loop3A_80 = %parallel_loop3A_64 to %parallel_loop3A_65 step %parallel_loop3A_66  : i32 {
        %parallel_loop3A_81 = arith.constant 16 : i32
        %parallel_loop3A_82 = arith.muli %parallel_loop3A_80, %parallel_loop3A_81 : i32
        %parallel_loop3A_83 = arith.index_cast %parallel_loop3A_82 : i32 to index
        %parallel_loop3A_84 = tpu.vector_load %arg8[%parallel_loop3A_83] {strides = array<i32>} : memref<1024xi32, #tpu.memory_space<vmem>>, vector<16xi32>,
        %parallel_loop3A_85 = arith.constant 16 : i32
        %parallel_loop3A_86 = arith.muli %parallel_loop3A_80, %parallel_loop3A_85 : i32
        %parallel_loop3A_87 = arith.index_cast %parallel_loop3A_86 : i32 to index
        %parallel_loop3A_88 = tpu.vector_load %arg9[%parallel_loop3A_87] {strides = array<i32>} : memref<1024xi32, #tpu.memory_space<vmem>>, vector<16xi32>,
        %parallel_loop3A_89 = tpu.vector_load_idx %arg6[%broadcast_in_dim3A_13, %parallel_loop3A_84] : memref<4x10240xf32, #tpu.memory_space<vmem>>[vector<16xi32>, vector<16xi32>], vector<16xf32>,
        tpu.vector_store_idx %arg7[%broadcast_in_dim3A_13, %parallel_loop3A_88], %parallel_loop3A_89 {add = true} : memref<4x10240xf32, #tpu.memory_space<vmem>>[vector<16xi32>, vector<16xi32>], vector<16xf32>,
        %parallel_loop3A_90 = tpu.vector_load_idx %arg6[%broadcast_in_dim3A_15, %parallel_loop3A_84] : memref<4x10240xf32, #tpu.memory_space<vmem>>[vector<16xi32>, vector<16xi32>], vector<16xf32>,
        tpu.vector_store_idx %arg7[%broadcast_in_dim3A_15, %parallel_loop3A_88], %parallel_loop3A_90 {add = true} : memref<4x10240xf32, #tpu.memory_space<vmem>>[vector<16xi32>, vector<16xi32>], vector<16xf32>,
        %parallel_loop3A_91 = tpu.vector_load_idx %arg6[%broadcast_in_dim3A_17, %parallel_loop3A_84] : memref<4x10240xf32, #tpu.memory_space<vmem>>[vector<16xi32>, vector<16xi32>], vector<16xf32>,
        tpu.vector_store_idx %arg7[%broadcast_in_dim3A_17, %parallel_loop3A_88], %parallel_loop3A_91 {add = true} : memref<4x10240xf32, #tpu.memory_space<vmem>>[vector<16xi32>, vector<16xi32>], vector<16xf32>,
        %parallel_loop3A_92 = tpu.vector_load_idx %arg6[%broadcast_in_dim3A_19, %parallel_loop3A_84] : memref<4x10240xf32, #tpu.memory_space<vmem>>[vector<16xi32>, vector<16xi32>], vector<16xf32>,
        tpu.vector_store_idx %arg7[%broadcast_in_dim3A_19, %parallel_loop3A_88], %parallel_loop3A_92 {add = true} : memref<4x10240xf32, #tpu.memory_space<vmem>>[vector<16xi32>, vector<16xi32>], vector<16xf32>,
      } {sc.loop_unroll_factor = 4 : i64, sc.parallel_access}
      %sub3A = arith.constant 1 : i32
      %sub3A_67 = arith.subi %select_n3A, %sub3A : i32
      %lt3A = arith.cmpi slt, %while3A_45, %sub3A_67 : i32
      %convert_element_type3A = arith.extui %lt3A : i1 to i32
      %cond3A = arith.constant 0 : i32
      %cond3A_68 = arith.cmpi ne, %convert_element_type3A, %cond3A : i32
      scf.if %cond3A_68 {
        %add3A_80 = arith.constant 2048 : i32
        %add3A_81 = arith.addi %mul3A_49, %add3A_80 : i32
        %add3A_82 = arith.addi %select_n3A_26, %add3A_81 : i32
        %dma_start3A_83 = tpu.memref_slice %arg3[%add3A_82] : memref<327680xi32, #tpu.memory_space<hbm>> -> memref<1024xi32, #tpu.memory_space<hbm>>
        %dma_start3A_84 = tpu.memref_slice %arg3[%add3A_82] : memref<327680xi32, #tpu.memory_space<hbm>> -> memref<1024xi32, #tpu.memory_space<hbm>>
        tpu.enqueue_dma source(%dma_start3A_84 : memref<1024xi32, #tpu.memory_space<hbm>>) target(%arg8 : memref<1024xi32, #tpu.memory_space<vmem>>) target_semaphore(%arg12 : memref<!tpu.dma_semaphore, #tpu.memory_space<semaphore_mem>>)
        %add3A_85 = arith.addi %select_n3A_26, %add3A_81 : i32
        %dma_start3A_86 = tpu.memref_slice %arg4[%add3A_85] : memref<327680xi32, #tpu.memory_space<hbm>> -> memref<1024xi32, #tpu.memory_space<hbm>>
        %dma_start3A_87 = tpu.memref_slice %arg4[%add3A_85] : memref<327680xi32, #tpu.memory_space<hbm>> -> memref<1024xi32, #tpu.memory_space<hbm>>
        tpu.enqueue_dma source(%dma_start3A_87 : memref<1024xi32, #tpu.memory_space<hbm>>) target(%arg9 : memref<1024xi32, #tpu.memory_space<vmem>>) target_semaphore(%arg12 : memref<!tpu.dma_semaphore, #tpu.memory_space<semaphore_mem>>)
      } else {
      }
      %add3A_69 = arith.constant 1024 : i32
      %add3A_70 = arith.addi %mul3A_49, %add3A_69 : i32
      %add3A_71 = arith.addi %select_n3A_26, %add3A_70 : i32
      %dma_wait3A_72 = tpu.memref_slice %arg3[%add3A_71] : memref<327680xi32, #tpu.memory_space<hbm>> -> memref<1024xi32, #tpu.memory_space<hbm>>
      %dma_wait3A_73 = tpu.memref_slice %arg3[%add3A_71] : memref<327680xi32, #tpu.memory_space<hbm>> -> memref<1024xi32, #tpu.memory_space<hbm>>
      tpu.wait_dma2 semaphore(%arg13 : memref<!tpu.dma_semaphore, #tpu.memory_space<semaphore_mem>>) src(%dma_wait3A_73 : memref<1024xi32, #tpu.memory_space<hbm>>) dst(%arg10 : memref<1024xi32, #tpu.memory_space<vmem>>)
      %add3A_74 = arith.addi %select_n3A_26, %add3A_70 : i32
      %dma_wait3A_75 = tpu.memref_slice %arg4[%add3A_74] : memref<327680xi32, #tpu.memory_space<hbm>> -> memref<1024xi32, #tpu.memory_space<hbm>>
      %dma_wait3A_76 = tpu.memref_slice %arg4[%add3A_74] : memref<327680xi32, #tpu.memory_space<hbm>> -> memref<1024xi32, #tpu.memory_space<hbm>>
      tpu.wait_dma2 semaphore(%arg13 : memref<!tpu.dma_semaphore, #tpu.memory_space<semaphore_mem>>) src(%dma_wait3A_76 : memref<1024xi32, #tpu.memory_space<hbm>>) dst(%arg11 : memref<1024xi32, #tpu.memory_space<vmem>>)
      %parallel_loop3A_77 = arith.constant 0 : i32
      %parallel_loop3A_78 = arith.constant 64 : i32
      %parallel_loop3A_79 = arith.constant 1 : i32
      scf.for %parallel_loop3A_80 = %parallel_loop3A_77 to %parallel_loop3A_78 step %parallel_loop3A_79  : i32 {
        %parallel_loop3A_81 = arith.constant 16 : i32
        %parallel_loop3A_82 = arith.muli %parallel_loop3A_80, %parallel_loop3A_81 : i32
        %parallel_loop3A_83 = arith.index_cast %parallel_loop3A_82 : i32 to index
        %parallel_loop3A_84 = tpu.vector_load %arg10[%parallel_loop3A_83] {strides = array<i32>} : memref<1024xi32, #tpu.memory_space<vmem>>, vector<16xi32>,
        %parallel_loop3A_85 = arith.constant 16 : i32
        %parallel_loop3A_86 = arith.muli %parallel_loop3A_80, %parallel_loop3A_85 : i32
        %parallel_loop3A_87 = arith.index_cast %parallel_loop3A_86 : i32 to index
        %parallel_loop3A_88 = tpu.vector_load %arg11[%parallel_loop3A_87] {strides = array<i32>} : memref<1024xi32, #tpu.memory_space<vmem>>, vector<16xi32>,
        %parallel_loop3A_89 = tpu.vector_load_idx %arg6[%broadcast_in_dim3A_13, %parallel_loop3A_84] : memref<4x10240xf32, #tpu.memory_space<vmem>>[vector<16xi32>, vector<16xi32>], vector<16xf32>,
        tpu.vector_store_idx %arg7[%broadcast_in_dim3A_13, %parallel_loop3A_88], %parallel_loop3A_89 {add = true} : memref<4x10240xf32, #tpu.memory_space<vmem>>[vector<16xi32>, vector<16xi32>], vector<16xf32>,
        %parallel_loop3A_90 = tpu.vector_load_idx %arg6[%broadcast_in_dim3A_15, %parallel_loop3A_84] : memref<4x10240xf32, #tpu.memory_space<vmem>>[vector<16xi32>, vector<16xi32>], vector<16xf32>,
        tpu.vector_store_idx %arg7[%broadcast_in_dim3A_15, %parallel_loop3A_88], %parallel_loop3A_90 {add = true} : memref<4x10240xf32, #tpu.memory_space<vmem>>[vector<16xi32>, vector<16xi32>], vector<16xf32>,
        %parallel_loop3A_91 = tpu.vector_load_idx %arg6[%broadcast_in_dim3A_17, %parallel_loop3A_84] : memref<4x10240xf32, #tpu.memory_space<vmem>>[vector<16xi32>, vector<16xi32>], vector<16xf32>,
        tpu.vector_store_idx %arg7[%broadcast_in_dim3A_17, %parallel_loop3A_88], %parallel_loop3A_91 {add = true} : memref<4x10240xf32, #tpu.memory_space<vmem>>[vector<16xi32>, vector<16xi32>], vector<16xf32>,
        %parallel_loop3A_92 = tpu.vector_load_idx %arg6[%broadcast_in_dim3A_19, %parallel_loop3A_84] : memref<4x10240xf32, #tpu.memory_space<vmem>>[vector<16xi32>, vector<16xi32>], vector<16xf32>,
        tpu.vector_store_idx %arg7[%broadcast_in_dim3A_19, %parallel_loop3A_88], %parallel_loop3A_92 {add = true} : memref<4x10240xf32, #tpu.memory_space<vmem>>[vector<16xi32>, vector<16xi32>], vector<16xf32>,
      } {sc.loop_unroll_factor = 4 : i64, sc.parallel_access}
    }
    %while3A_42 = arith.constant 1 : i32
    scf.for %while3A_45 = %while3A_40 to %while3A_36 step %while3A_42  : i32 {
      %mul3A_46 = arith.constant 2 : i32
      %mul3A_47 = arith.muli %while3A_45, %mul3A_46 : i32
      %mul3A_48 = arith.constant 1024 : i32
      %mul3A_49 = arith.muli %mul3A_47, %mul3A_48 : i32
      %add3A_50 = arith.constant 1024 : i32
      %add3A_51 = arith.addi %mul3A_49, %add3A_50 : i32
      %add3A_52 = arith.addi %select_n3A_26, %add3A_51 : i32
      %dma_start3A_53 = tpu.memref_slice %arg3[%add3A_52] : memref<327680xi32, #tpu.memory_space<hbm>> -> memref<1024xi32, #tpu.memory_space<hbm>>
      %dma_start3A_54 = tpu.memref_slice %arg3[%add3A_52] : memref<327680xi32, #tpu.memory_space<hbm>> -> memref<1024xi32, #tpu.memory_space<hbm>>
      tpu.enqueue_dma source(%dma_start3A_54 : memref<1024xi32, #tpu.memory_space<hbm>>) target(%arg10 : memref<1024xi32, #tpu.memory_space<vmem>>) target_semaphore(%arg13 : memref<!tpu.dma_semaphore, #tpu.memory_space<semaphore_mem>>)
      %add3A_55 = arith.addi %select_n3A_26, %add3A_51 : i32
      %dma_start3A_56 = tpu.memref_slice %arg4[%add3A_55] : memref<327680xi32, #tpu.memory_space<hbm>> -> memref<1024xi32, #tpu.memory_space<hbm>>
      %dma_start3A_57 = tpu.memref_slice %arg4[%add3A_55] : memref<327680xi32, #tpu.memory_space<hbm>> -> memref<1024xi32, #tpu.memory_space<hbm>>
      tpu.enqueue_dma source(%dma_start3A_57 : memref<1024xi32, #tpu.memory_space<hbm>>) target(%arg11 : memref<1024xi32, #tpu.memory_space<vmem>>) target_semaphore(%arg13 : memref<!tpu.dma_semaphore, #tpu.memory_space<semaphore_mem>>)
      %add3A_58 = arith.addi %select_n3A_26, %mul3A_49 : i32
      %dma_wait3A_59 = tpu.memref_slice %arg3[%add3A_58] : memref<327680xi32, #tpu.memory_space<hbm>> -> memref<1024xi32, #tpu.memory_space<hbm>>
      %dma_wait3A_60 = tpu.memref_slice %arg3[%add3A_58] : memref<327680xi32, #tpu.memory_space<hbm>> -> memref<1024xi32, #tpu.memory_space<hbm>>
      tpu.wait_dma2 semaphore(%arg12 : memref<!tpu.dma_semaphore, #tpu.memory_space<semaphore_mem>>) src(%dma_wait3A_60 : memref<1024xi32, #tpu.memory_space<hbm>>) dst(%arg8 : memref<1024xi32, #tpu.memory_space<vmem>>)
      %add3A_61 = arith.addi %select_n3A_26, %mul3A_49 : i32
      %dma_wait3A_62 = tpu.memref_slice %arg4[%add3A_61] : memref<327680xi32, #tpu.memory_space<hbm>> -> memref<1024xi32, #tpu.memory_space<hbm>>
      %dma_wait3A_63 = tpu.memref_slice %arg4[%add3A_61] : memref<327680xi32, #tpu.memory_space<hbm>> -> memref<1024xi32, #tpu.memory_space<hbm>>
      tpu.wait_dma2 semaphore(%arg12 : memref<!tpu.dma_semaphore, #tpu.memory_space<semaphore_mem>>) src(%dma_wait3A_63 : memref<1024xi32, #tpu.memory_space<hbm>>) dst(%arg9 : memref<1024xi32, #tpu.memory_space<vmem>>)
      %parallel_loop3A_64 = arith.constant 0 : i32
      %parallel_loop3A_65 = arith.constant 64 : i32
      %parallel_loop3A_66 = arith.constant 1 : i32
      scf.for %parallel_loop3A_80 = %parallel_loop3A_64 to %parallel_loop3A_65 step %parallel_loop3A_66  : i32 {
        %parallel_loop3A_81 = arith.constant 16 : i32
        %parallel_loop3A_82 = arith.muli %parallel_loop3A_80, %parallel_loop3A_81 : i32
        %parallel_loop3A_83 = arith.index_cast %parallel_loop3A_82 : i32 to index
        %parallel_loop3A_84 = tpu.vector_load %arg8[%parallel_loop3A_83] {strides = array<i32>} : memref<1024xi32, #tpu.memory_space<vmem>>, vector<16xi32>,
        %parallel_loop3A_85 = arith.constant 16 : i32
        %parallel_loop3A_86 = arith.muli %parallel_loop3A_80, %parallel_loop3A_85 : i32
        %parallel_loop3A_87 = arith.index_cast %parallel_loop3A_86 : i32 to index
        %parallel_loop3A_88 = tpu.vector_load %arg9[%parallel_loop3A_87] {strides = array<i32>} : memref<1024xi32, #tpu.memory_space<vmem>>, vector<16xi32>,
        %parallel_loop3A_89 = tpu.vector_load_idx %arg6[%broadcast_in_dim3A_13, %parallel_loop3A_84] : memref<4x10240xf32, #tpu.memory_space<vmem>>[vector<16xi32>, vector<16xi32>], vector<16xf32>,
        tpu.vector_store_idx %arg7[%broadcast_in_dim3A_13, %parallel_loop3A_88], %parallel_loop3A_89 {add = true} : memref<4x10240xf32, #tpu.memory_space<vmem>>[vector<16xi32>, vector<16xi32>], vector<16xf32>,
        %parallel_loop3A_90 = tpu.vector_load_idx %arg6[%broadcast_in_dim3A_15, %parallel_loop3A_84] : memref<4x10240xf32, #tpu.memory_space<vmem>>[vector<16xi32>, vector<16xi32>], vector<16xf32>,
        tpu.vector_store_idx %arg7[%broadcast_in_dim3A_15, %parallel_loop3A_88], %parallel_loop3A_90 {add = true} : memref<4x10240xf32, #tpu.memory_space<vmem>>[vector<16xi32>, vector<16xi32>], vector<16xf32>,
        %parallel_loop3A_91 = tpu.vector_load_idx %arg6[%broadcast_in_dim3A_17, %parallel_loop3A_84] : memref<4x10240xf32, #tpu.memory_space<vmem>>[vector<16xi32>, vector<16xi32>], vector<16xf32>,
        tpu.vector_store_idx %arg7[%broadcast_in_dim3A_17, %parallel_loop3A_88], %parallel_loop3A_91 {add = true} : memref<4x10240xf32, #tpu.memory_space<vmem>>[vector<16xi32>, vector<16xi32>], vector<16xf32>,
        %parallel_loop3A_92 = tpu.vector_load_idx %arg6[%broadcast_in_dim3A_19, %parallel_loop3A_84] : memref<4x10240xf32, #tpu.memory_space<vmem>>[vector<16xi32>, vector<16xi32>], vector<16xf32>,
        tpu.vector_store_idx %arg7[%broadcast_in_dim3A_19, %parallel_loop3A_88], %parallel_loop3A_92 {add = true} : memref<4x10240xf32, #tpu.memory_space<vmem>>[vector<16xi32>, vector<16xi32>], vector<16xf32>,
      } {sc.loop_unroll_factor = 4 : i64, sc.parallel_access}
      %sub3A = arith.constant 1 : i32
      %sub3A_67 = arith.subi %select_n3A, %sub3A : i32
      %lt3A = arith.cmpi slt, %while3A_45, %sub3A_67 : i32
      %convert_element_type3A = arith.extui %lt3A : i1 to i32
      %cond3A = arith.constant 0 : i32
      %cond3A_68 = arith.cmpi ne, %convert_element_type3A, %cond3A : i32
      scf.if %cond3A_68 {
        %add3A_80 = arith.constant 2048 : i32
        %add3A_81 = arith.addi %mul3A_49, %add3A_80 : i32
        %add3A_82 = arith.addi %select_n3A_26, %add3A_81 : i32
        %dma_start3A_83 = tpu.memref_slice %arg3[%add3A_82] : memref<327680xi32, #tpu.memory_space<hbm>> -> memref<1024xi32, #tpu.memory_space<hbm>>
        %dma_start3A_84 = tpu.memref_slice %arg3[%add3A_82] : memref<327680xi32, #tpu.memory_space<hbm>> -> memref<1024xi32, #tpu.memory_space<hbm>>
        tpu.enqueue_dma source(%dma_start3A_84 : memref<1024xi32, #tpu.memory_space<hbm>>) target(%arg8 : memref<1024xi32, #tpu.memory_space<vmem>>) target_semaphore(%arg12 : memref<!tpu.dma_semaphore, #tpu.memory_space<semaphore_mem>>)
        %add3A_85 = arith.addi %select_n3A_26, %add3A_81 : i32
        %dma_start3A_86 = tpu.memref_slice %arg4[%add3A_85] : memref<327680xi32, #tpu.memory_space<hbm>> -> memref<1024xi32, #tpu.memory_space<hbm>>
        %dma_start3A_87 = tpu.memref_slice %arg4[%add3A_85] : memref<327680xi32, #tpu.memory_space<hbm>> -> memref<1024xi32, #tpu.memory_space<hbm>>
        tpu.enqueue_dma source(%dma_start3A_87 : memref<1024xi32, #tpu.memory_space<hbm>>) target(%arg9 : memref<1024xi32, #tpu.memory_space<vmem>>) target_semaphore(%arg12 : memref<!tpu.dma_semaphore, #tpu.memory_space<semaphore_mem>>)
      } else {
      }
      %add3A_69 = arith.constant 1024 : i32
      %add3A_70 = arith.addi %mul3A_49, %add3A_69 : i32
      %add3A_71 = arith.addi %select_n3A_26, %add3A_70 : i32
      %dma_wait3A_72 = tpu.memref_slice %arg3[%add3A_71] : memref<327680xi32, #tpu.memory_space<hbm>> -> memref<1024xi32, #tpu.memory_space<hbm>>
      %dma_wait3A_73 = tpu.memref_slice %arg3[%add3A_71] : memref<327680xi32, #tpu.memory_space<hbm>> -> memref<1024xi32, #tpu.memory_space<hbm>>
      tpu.wait_dma2 semaphore(%arg13 : memref<!tpu.dma_semaphore, #tpu.memory_space<semaphore_mem>>) src(%dma_wait3A_73 : memref<1024xi32, #tpu.memory_space<hbm>>) dst(%arg10 : memref<1024xi32, #tpu.memory_space<vmem>>)
      %add3A_74 = arith.addi %select_n3A_26, %add3A_70 : i32
      %dma_wait3A_75 = tpu.memref_slice %arg4[%add3A_74] : memref<327680xi32, #tpu.memory_space<hbm>> -> memref<1024xi32, #tpu.memory_space<hbm>>
      %dma_wait3A_76 = tpu.memref_slice %arg4[%add3A_74] : memref<327680xi32, #tpu.memory_space<hbm>> -> memref<1024xi32, #tpu.memory_space<hbm>>
      tpu.wait_dma2 semaphore(%arg13 : memref<!tpu.dma_semaphore, #tpu.memory_space<semaphore_mem>>) src(%dma_wait3A_76 : memref<1024xi32, #tpu.memory_space<hbm>>) dst(%arg11 : memref<1024xi32, #tpu.memory_space<vmem>>)
      %parallel_loop3A_77 = arith.constant 0 : i32
      %parallel_loop3A_78 = arith.constant 64 : i32
      %parallel_loop3A_79 = arith.constant 1 : i32
      scf.for %parallel_loop3A_80 = %parallel_loop3A_77 to %parallel_loop3A_78 step %parallel_loop3A_79  : i32 {
        %parallel_loop3A_81 = arith.constant 16 : i32
        %parallel_loop3A_82 = arith.muli %parallel_loop3A_80, %parallel_loop3A_81 : i32
        %parallel_loop3A_83 = arith.index_cast %parallel_loop3A_82 : i32 to index
        %parallel_loop3A_84 = tpu.vector_load %arg10[%parallel_loop3A_83] {strides = array<i32>} : memref<1024xi32, #tpu.memory_space<vmem>>, vector<16xi32>,
        %parallel_loop3A_85 = arith.constant 16 : i32
        %parallel_loop3A_86 = arith.muli %parallel_loop3A_80, %parallel_loop3A_85 : i32
        %parallel_loop3A_87 = arith.index_cast %parallel_loop3A_86 : i32 to index
        %parallel_loop3A_88 = tpu.vector_load %arg11[%parallel_loop3A_87] {strides = array<i32>} : memref<1024xi32, #tpu.memory_space<vmem>>, vector<16xi32>,
        %parallel_loop3A_89 = tpu.vector_load_idx %arg6[%broadcast_in_dim3A_13, %parallel_loop3A_84] : memref<4x10240xf32, #tpu.memory_space<vmem>>[vector<16xi32>, vector<16xi32>], vector<16xf32>,
        tpu.vector_store_idx %arg7[%broadcast_in_dim3A_13, %parallel_loop3A_88], %parallel_loop3A_89 {add = true} : memref<4x10240xf32, #tpu.memory_space<vmem>>[vector<16xi32>, vector<16xi32>], vector<16xf32>,
        %parallel_loop3A_90 = tpu.vector_load_idx %arg6[%broadcast_in_dim3A_15, %parallel_loop3A_84] : memref<4x10240xf32, #tpu.memory_space<vmem>>[vector<16xi32>, vector<16xi32>], vector<16xf32>,
        tpu.vector_store_idx %arg7[%broadcast_in_dim3A_15, %parallel_loop3A_88], %parallel_loop3A_90 {add = true} : memref<4x10240xf32, #tpu.memory_space<vmem>>[vector<16xi32>, vector<16xi32>], vector<16xf32>,
        %parallel_loop3A_91 = tpu.vector_load_idx %arg6[%broadcast_in_dim3A_17, %parallel_loop3A_84] : memref<4x10240xf32, #tpu.memory_space<vmem>>[vector<16xi32>, vector<16xi32>], vector<16xf32>,
        tpu.vector_store_idx %arg7[%broadcast_in_dim3A_17, %parallel_loop3A_88], %parallel_loop3A_91 {add = true} : memref<4x10240xf32, #tpu.memory_space<vmem>>[vector<16xi32>, vector<16xi32>], vector<16xf32>,
        %parallel_loop3A_92 = tpu.vector_load_idx %arg6[%broadcast_in_dim3A_19, %parallel_loop3A_84] : memref<4x10240xf32, #tpu.memory_space<vmem>>[vector<16xi32>, vector<16xi32>], vector<16xf32>,
        tpu.vector_store_idx %arg7[%broadcast_in_dim3A_19, %parallel_loop3A_88], %parallel_loop3A_92 {add = true} : memref<4x10240xf32, #tpu.memory_space<vmem>>[vector<16xi32>, vector<16xi32>], vector<16xf32>,
      } {sc.loop_unroll_factor = 4 : i64, sc.parallel_access}
    }
    %mul3A_43 = arith.constant 4 : i32
    %mul3A_44 = arith.muli %arg1, %mul3A_43 : i32
    "tpu.region"() ({
      %run_scoped3A = tpu.sem_alloc : memref<!tpu.dma_semaphore, #tpu.memory_space<semaphore_mem>>
      %dma_start3A_45 = arith.constant 0 : i32
      %dma_start3A_46 = tpu.memref_slice %arg5[%arg0, %mul3A_44, %dma_start3A_45] : memref<2x64x10240xf32, #tpu.memory_space<hbm>> -> memref<1x4x10240xf32, #tpu.memory_space<hbm>>
      %dma_start3A_47 = tpu.memref_squeeze %dma_start3A_46 : memref<1x4x10240xf32, #tpu.memory_space<hbm>> -> memref<4x10240xf32, #tpu.memory_space<hbm>>
      %dma_start3A_48 = arith.constant 0 : i32
      %dma_start3A_49 = tpu.memref_slice %arg5[%arg0, %mul3A_44, %dma_start3A_48] : memref<2x64x10240xf32, #tpu.memory_space<hbm>> -> memref<1x4x10240xf32, #tpu.memory_space<hbm>>
      %dma_start3A_50 = tpu.memref_squeeze %dma_start3A_49 : memref<1x4x10240xf32, #tpu.memory_space<hbm>> -> memref<4x10240xf32, #tpu.memory_space<hbm>>
      tpu.enqueue_dma source(%arg7 : memref<4x10240xf32, #tpu.memory_space<vmem>>) target(%dma_start3A_50 : memref<4x10240xf32, #tpu.memory_space<hbm>>) target_semaphore(%run_scoped3A : memref<!tpu.dma_semaphore, #tpu.memory_space<semaphore_mem>>)
      %dma_wait3A_51 = arith.constant 0 : i32
      %dma_wait3A_52 = tpu.memref_slice %arg5[%arg0, %mul3A_44, %dma_wait3A_51] : memref<2x64x10240xf32, #tpu.memory_space<hbm>> -> memref<1x4x10240xf32, #tpu.memory_space<hbm>>
      %dma_wait3A_53 = tpu.memref_squeeze %dma_wait3A_52 : memref<1x4x10240xf32, #tpu.memory_space<hbm>> -> memref<4x10240xf32, #tpu.memory_space<hbm>>
      %dma_wait3A_54 = arith.constant 0 : i32
      %dma_wait3A_55 = tpu.memref_slice %arg5[%arg0, %mul3A_44, %dma_wait3A_54] : memref<2x64x10240xf32, #tpu.memory_space<hbm>> -> memref<1x4x10240xf32, #tpu.memory_space<hbm>>
      %dma_wait3A_56 = tpu.memref_squeeze %dma_wait3A_55 : memref<1x4x10240xf32, #tpu.memory_space<hbm>> -> memref<4x10240xf32, #tpu.memory_space<hbm>>
      tpu.wait_dma2 semaphore(%run_scoped3A : memref<!tpu.dma_semaphore, #tpu.memory_space<semaphore_mem>>) src(%arg7 : memref<4x10240xf32, #tpu.memory_space<vmem>>) dst(%dma_wait3A_56 : memref<4x10240xf32, #tpu.memory_space<hbm>>)
      tpu.yield
    }) : () -> ()
    return
  }
}

module attributes {stable_mosaic.version = 14 : i64} {
  func.func @_tc_pre_body(%arg0: memref<32x10240xf32, #tpu.memory_space<vmem>>, %arg1: memref<10240x128xf32, #tpu.memory_space<vmem>>, %arg2: memref<128x64xf32, #tpu.memory_space<vmem>>, %arg3: memref<1x10240xf32, #tpu.memory_space<vmem>>, %arg4: memref<64x10240xf32, #tpu.memory_space<vmem>>) attributes {dimension_semantics = [], scalar_prefetch = 0 : i64, scratch_operands = 0 : i64, tpu.core_type = #tpu.core_type<tc>} {
    %get3A = arith.constant 0 : index
    %get3A_0 = arith.constant 0 : index
    %get3A_1 = vector.load %arg0[%get3A, %get3A_0] : memref<32x10240xf32, #tpu.memory_space<vmem>>, vector<32x10240xf32>
    %reduce_sum3A = arith.constant dense<0.000000e+00> : vector<10240xf32>
    %reduce_sum3A_2 = vector.multi_reduction <add>, %get3A_1, %reduce_sum3A [0] : vector<32x10240xf32> to vector<10240xf32>
    %broadcast_in_dim3A = vector.shape_cast %reduce_sum3A_2 : vector<10240xf32> to vector<1x10240xf32>
    %add3A = arith.constant 1.000000e+00 : f32
    %add3A_3 = vector.broadcast %add3A : f32 to vector<1x10240xf32>
    %add3A_4 = arith.addf %broadcast_in_dim3A, %add3A_3 : vector<1x10240xf32>
    %rsqrt3A = math.rsqrt %add3A_4 : vector<1x10240xf32>
    %swap3A = arith.constant 0 : index
    %swap3A_5 = arith.constant 0 : index
    %swap3A_6 = vector.load %arg3[%swap3A, %swap3A_5] : memref<1x10240xf32, #tpu.memory_space<vmem>>, vector<1x10240xf32>
    tpu.vector_store %arg3[%swap3A, %swap3A_5], %rsqrt3A {strides = array<i32>} : memref<1x10240xf32, #tpu.memory_space<vmem>>, vector<1x10240xf32>,
    %get3A_7 = arith.constant 0 : index
    %get3A_8 = arith.constant 0 : index
    %get3A_9 = vector.load %arg2[%get3A_7, %get3A_8] : memref<128x64xf32, #tpu.memory_space<vmem>>, vector<128x64xf32>
    %get3A_10 = arith.constant 0 : index
    %get3A_11 = arith.constant 0 : index
    %get3A_12 = vector.load %arg1[%get3A_10, %get3A_11] : memref<10240x128xf32, #tpu.memory_space<vmem>>, vector<10240x128xf32>
    %dot_general3A = arith.constant dense<0.000000e+00> : vector<64x10240xf32>
    %dot_general3A_13 = tpu.matmul %get3A_9, %get3A_12, %dot_general3A {dimension_numbers = #tpu.dot_dimension_numbers<[0], [1], [1], [0], [0, 1, 1, 0], [], []>, transpose_lhs_hint = false} : vector<128x64xf32>, vector<10240x128xf32>, vector<64x10240xf32> -> vector<64x10240xf32>
    %mul3A = vector.broadcast %rsqrt3A : vector<1x10240xf32> to vector<64x10240xf32>
    %mul3A_14 = arith.mulf %dot_general3A_13, %mul3A : vector<64x10240xf32>
    %swap3A_15 = arith.constant 0 : index
    %swap3A_16 = arith.constant 0 : index
    %swap3A_17 = vector.load %arg4[%swap3A_15, %swap3A_16] : memref<64x10240xf32, #tpu.memory_space<vmem>>, vector<64x10240xf32>
    tpu.vector_store %arg4[%swap3A_15, %swap3A_16], %mul3A_14 {strides = array<i32>} : memref<64x10240xf32, #tpu.memory_space<vmem>>, vector<64x10240xf32>,
    return
  }
}

module attributes {stable_mosaic.version = 14 : i64} {
  func.func @_tc_mid_body(%arg0: memref<2x64x10240xf32, #tpu.memory_space<vmem>>, %arg1: memref<64x10240xf32, #tpu.memory_space<vmem>>, %arg2: memref<1x10240xf32, #tpu.memory_space<vmem>>, %arg3: memref<64x1xf32, #tpu.memory_space<vmem>>, %arg4: memref<64x64xf32, #tpu.memory_space<vmem>>, %arg5: memref<64x10240xf32, #tpu.memory_space<vmem>>) attributes {dimension_semantics = [], scalar_prefetch = 0 : i64, scratch_operands = 0 : i64, tpu.core_type = #tpu.core_type<tc>} {
    %get3A = arith.constant 0 : index
    %get3A_0 = arith.constant 0 : index
    %get3A_1 = arith.constant 0 : index
    %get3A_2 = vector.load %arg0[%get3A, %get3A_0, %get3A_1] : memref<2x64x10240xf32, #tpu.memory_space<vmem>>, vector<1x64x10240xf32>
    %get3A_3 = vector.shape_cast %get3A_2 : vector<1x64x10240xf32> to vector<64x10240xf32>
    %get3A_4 = arith.constant 1 : index
    %get3A_5 = arith.constant 0 : index
    %get3A_6 = arith.constant 0 : index
    %get3A_7 = vector.load %arg0[%get3A_4, %get3A_5, %get3A_6] : memref<2x64x10240xf32, #tpu.memory_space<vmem>>, vector<1x64x10240xf32>
    %get3A_8 = vector.shape_cast %get3A_7 : vector<1x64x10240xf32> to vector<64x10240xf32>
    %add3A = arith.addf %get3A_3, %get3A_8 : vector<64x10240xf32>
    %get3A_9 = arith.constant 0 : index
    %get3A_10 = arith.constant 0 : index
    %get3A_11 = vector.load %arg1[%get3A_9, %get3A_10] : memref<64x10240xf32, #tpu.memory_space<vmem>>, vector<64x10240xf32>
    %add3A_12 = arith.addf %add3A, %get3A_11 : vector<64x10240xf32>
    %get3A_13 = arith.constant 0 : index
    %get3A_14 = arith.constant 0 : index
    %get3A_15 = vector.load %arg2[%get3A_13, %get3A_14] : memref<1x10240xf32, #tpu.memory_space<vmem>>, vector<1x10240xf32>
    %mul3A = vector.broadcast %get3A_15 : vector<1x10240xf32> to vector<64x10240xf32>
    %mul3A_16 = arith.mulf %add3A_12, %mul3A : vector<64x10240xf32>
    %get3A_17 = arith.constant 0 : index
    %get3A_18 = arith.constant 0 : index
    %get3A_19 = vector.load %arg3[%get3A_17, %get3A_18] : memref<64x1xf32, #tpu.memory_space<vmem>>, vector<64x1xf32>
    %add3A_20 = vector.broadcast %get3A_19 : vector<64x1xf32> to vector<64x10240xf32>
    %add3A_21 = arith.addf %mul3A_16, %add3A_20 : vector<64x10240xf32>
    %max3A = arith.constant 0.000000e+00 : f32
    %max3A_22 = vector.broadcast %max3A : f32 to vector<64x10240xf32>
    %max3A_23 = arith.maximumf %add3A_21, %max3A_22 : vector<64x10240xf32>
    %get3A_24 = arith.constant 0 : index
    %get3A_25 = arith.constant 0 : index
    %get3A_26 = vector.load %arg4[%get3A_24, %get3A_25] : memref<64x64xf32, #tpu.memory_space<vmem>>, vector<64x64xf32>
    %dot_general3A = arith.constant dense<0.000000e+00> : vector<64x10240xf32>
    %dot_general3A_27 = tpu.matmul %get3A_26, %max3A_23, %dot_general3A {dimension_numbers = #tpu.dot_dimension_numbers<[1], [0], [0], [1], [0, 0, 1, 1], [], []>, transpose_lhs_hint = false} : vector<64x64xf32>, vector<64x10240xf32>, vector<64x10240xf32> -> vector<64x10240xf32>
    %mul3A_28 = vector.broadcast %get3A_15 : vector<1x10240xf32> to vector<64x10240xf32>
    %mul3A_29 = arith.mulf %dot_general3A_27, %mul3A_28 : vector<64x10240xf32>
    %swap3A = arith.constant 0 : index
    %swap3A_30 = arith.constant 0 : index
    %swap3A_31 = vector.load %arg5[%swap3A, %swap3A_30] : memref<64x10240xf32, #tpu.memory_space<vmem>>, vector<64x10240xf32>
    tpu.vector_store %arg5[%swap3A, %swap3A_30], %mul3A_29 {strides = array<i32>} : memref<64x10240xf32, #tpu.memory_space<vmem>>, vector<64x10240xf32>,
    return
  }
}

module attributes {stable_mosaic.version = 14 : i64} {
  func.func @_tc_final_body(%arg0: memref<2x64x10240xf32, #tpu.memory_space<vmem>>, %arg1: memref<64x10240xf32, #tpu.memory_space<vmem>>, %arg2: memref<1x10240xf32, #tpu.memory_space<vmem>>, %arg3: memref<64x1xf32, #tpu.memory_space<vmem>>, %arg4: memref<10000x1xi32, #tpu.memory_space<vmem>>, %arg5: memref<64x10xf32, #tpu.memory_space<vmem>>, %arg6: memref<1x10xf32, #tpu.memory_space<vmem>>, %arg7: memref<64x10xf32, #tpu.memory_space<vmem>>, %arg8: memref<64x64xf32, #tpu.memory_space<vmem>>) attributes {dimension_semantics = [], scalar_prefetch = 0 : i64, scratch_operands = 0 : i64, tpu.core_type = #tpu.core_type<tc>} {
    %get3A = arith.constant 0 : index
    %get3A_0 = arith.constant 0 : index
    %get3A_1 = arith.constant 0 : index
    %get3A_2 = vector.load %arg0[%get3A, %get3A_0, %get3A_1] : memref<2x64x10240xf32, #tpu.memory_space<vmem>>, vector<1x64x10240xf32>
    %get3A_3 = vector.shape_cast %get3A_2 : vector<1x64x10240xf32> to vector<64x10240xf32>
    %get3A_4 = arith.constant 1 : index
    %get3A_5 = arith.constant 0 : index
    %get3A_6 = arith.constant 0 : index
    %get3A_7 = vector.load %arg0[%get3A_4, %get3A_5, %get3A_6] : memref<2x64x10240xf32, #tpu.memory_space<vmem>>, vector<1x64x10240xf32>
    %get3A_8 = vector.shape_cast %get3A_7 : vector<1x64x10240xf32> to vector<64x10240xf32>
    %add3A = arith.addf %get3A_3, %get3A_8 : vector<64x10240xf32>
    %get3A_9 = arith.constant 0 : index
    %get3A_10 = arith.constant 0 : index
    %get3A_11 = vector.load %arg1[%get3A_9, %get3A_10] : memref<64x10240xf32, #tpu.memory_space<vmem>>, vector<64x10240xf32>
    %add3A_12 = arith.addf %add3A, %get3A_11 : vector<64x10240xf32>
    %get3A_13 = arith.constant 0 : index
    %get3A_14 = arith.constant 0 : index
    %get3A_15 = vector.load %arg2[%get3A_13, %get3A_14] : memref<1x10240xf32, #tpu.memory_space<vmem>>, vector<1x10240xf32>
    %mul3A = vector.broadcast %get3A_15 : vector<1x10240xf32> to vector<64x10240xf32>
    %mul3A_16 = arith.mulf %add3A_12, %mul3A : vector<64x10240xf32>
    %get3A_17 = arith.constant 0 : index
    %get3A_18 = arith.constant 0 : index
    %get3A_19 = vector.load %arg3[%get3A_17, %get3A_18] : memref<64x1xf32, #tpu.memory_space<vmem>>, vector<64x1xf32>
    %add3A_20 = vector.broadcast %get3A_19 : vector<64x1xf32> to vector<64x10240xf32>
    %add3A_21 = arith.addf %mul3A_16, %add3A_20 : vector<64x10240xf32>
    %slice3A = vector.extract_strided_slice %add3A_21 {offsets = [0, 0], sizes = [64, 10000], strides = [1, 1]} : vector<64x10240xf32> to vector<64x10000xf32>
    %iota3A = tpu.iota {dimensions = array<i32: 1>} : vector<10000x64xi32>
    %get3A_22 = arith.constant 0 : index
    %get3A_23 = arith.constant 0 : index
    %get3A_24 = vector.load %arg4[%get3A_22, %get3A_23] : memref<10000x1xi32, #tpu.memory_space<vmem>>, vector<10000x1xi32>
    %eq3A = vector.broadcast %get3A_24 : vector<10000x1xi32> to vector<10000x64xi32>
    %eq3A_25 = arith.cmpi eq, %eq3A, %iota3A : vector<10000x64xi32>
    %convert_element_type3A = arith.extui %eq3A_25 : vector<10000x64xi1> to vector<10000x64xi32>
    %convert_element_type3A_26 = arith.sitofp %convert_element_type3A : vector<10000x64xi32> to vector<10000x64xf32>
    %dot_general3A = arith.constant dense<0.000000e+00> : vector<64x64xf32>
    %dot_general3A_27 = tpu.matmul %slice3A, %convert_element_type3A_26, %dot_general3A {dimension_numbers = #tpu.dot_dimension_numbers<[1], [0], [0], [1], [0, 0, 1, 1], [], []>, transpose_lhs_hint = false} : vector<64x10000xf32>, vector<10000x64xf32>, vector<64x64xf32> -> vector<64x64xf32>
    %reduce_sum3A = arith.constant dense<0.000000e+00> : vector<64xf32>
    %reduce_sum3A_28 = vector.multi_reduction <add>, %convert_element_type3A_26, %reduce_sum3A [0] : vector<10000x64xf32> to vector<64xf32>
    %broadcast_in_dim3A = vector.shape_cast %reduce_sum3A_28 : vector<64xf32> to vector<1x64xf32>
    %max3A = arith.constant 1.000000e+00 : f32
    %max3A_29 = vector.broadcast %max3A : f32 to vector<1x64xf32>
    %max3A_30 = arith.maximumf %broadcast_in_dim3A, %max3A_29 : vector<1x64xf32>
    %div3A = vector.broadcast %max3A_30 : vector<1x64xf32> to vector<64x64xf32>
    %div3A_31 = arith.divf %dot_general3A_27, %div3A : vector<64x64xf32>
    %iota3A_32 = tpu.iota {dimensions = array<i32: 0>} : vector<64x64xi32>
    %iota3A_33 = tpu.iota {dimensions = array<i32: 1>} : vector<64x64xi32>
    %eq3A_34 = arith.cmpi eq, %iota3A_32, %iota3A_33 : vector<64x64xi32>
    %convert_element_type3A_35 = arith.extui %eq3A_34 : vector<64x64xi1> to vector<64x64xi32>
    %convert_element_type3A_36 = arith.sitofp %convert_element_type3A_35 : vector<64x64xi32> to vector<64x64xf32>
    %dot_general3A_37 = arith.constant dense<0.000000e+00> : vector<64x64xf32>
    %dot_general3A_38 = tpu.matmul %div3A_31, %convert_element_type3A_36, %dot_general3A_37 {dimension_numbers = #tpu.dot_dimension_numbers<[0], [0], [1], [1], [0, 1, 1, 1], [], []>, transpose_lhs_hint = false} : vector<64x64xf32>, vector<64x64xf32>, vector<64x64xf32> -> vector<64x64xf32>
    %swap3A = arith.constant 0 : index
    %swap3A_39 = arith.constant 0 : index
    %swap3A_40 = vector.load %arg8[%swap3A, %swap3A_39] : memref<64x64xf32, #tpu.memory_space<vmem>>, vector<64x64xf32>
    tpu.vector_store %arg8[%swap3A, %swap3A_39], %dot_general3A_38 {strides = array<i32>} : memref<64x64xf32, #tpu.memory_space<vmem>>, vector<64x64xf32>,
    %get3A_41 = arith.constant 0 : index
    %get3A_42 = arith.constant 0 : index
    %get3A_43 = vector.load %arg5[%get3A_41, %get3A_42] : memref<64x10xf32, #tpu.memory_space<vmem>>, vector<64x10xf32>
    %dot_general3A_44 = arith.constant dense<0.000000e+00> : vector<64x10xf32>
    %dot_general3A_45 = tpu.matmul %div3A_31, %get3A_43, %dot_general3A_44 {dimension_numbers = #tpu.dot_dimension_numbers<[0], [0], [1], [1], [0, 1, 1, 1], [], []>, transpose_lhs_hint = false} : vector<64x64xf32>, vector<64x10xf32>, vector<64x10xf32> -> vector<64x10xf32>
    %get3A_46 = arith.constant 0 : index
    %get3A_47 = arith.constant 0 : index
    %get3A_48 = vector.load %arg6[%get3A_46, %get3A_47] : memref<1x10xf32, #tpu.memory_space<vmem>>, vector<1x10xf32>
    %add3A_49 = vector.broadcast %get3A_48 : vector<1x10xf32> to vector<64x10xf32>
    %add3A_50 = arith.addf %dot_general3A_45, %add3A_49 : vector<64x10xf32>
    %swap3A_51 = arith.constant 0 : index
    %swap3A_52 = arith.constant 0 : index
    %swap3A_53 = vector.load %arg7[%swap3A_51, %swap3A_52] : memref<64x10xf32, #tpu.memory_space<vmem>>, vector<64x10xf32>
    tpu.vector_store %arg7[%swap3A_51, %swap3A_52], %add3A_50 {strides = array<i32>} : memref<64x10xf32, #tpu.memory_space<vmem>>, vector<64x10xf32>,
    return
  }
}

</mosaic_0001>

<sc_bundles>
// kernel: kernel.10.cloned.1.call-start
scs
__scs_entry_jumppad:
0x0: {  	(pc) =	sbr.rel $0x88, $3  }
0x1: {  	(tag) =	ssettag $0x0;
	lr =	simm.s32 $0x1  }
0x2: {  	[smem:$0x3F96] =	sst lr;
	_ =	strace $0xD0000000  }
0x3: {  	_ = 	snop  }
0x4: {  	_ = 	snop  }
0x5: {  	_ = 	snop  }
0x6: {  	_ = 	snop  }
0x7: {  	_ = 	snop  }
__scs_overlays_trampoline_lowered:
0x8: {  	[smem:$0x3FA5] =	sst s0  }
0x9: {  	[smem:$0x3FA6] =	sst s1  }
0xa: {  	[smem:$0x3FA7] =	sst s2  }
0xb: {  	[smem:$0x3FA8] =	sst s3  }
0xc: {  	[smem:$0x3FA9] =	sst s4  }
0xd: {  	[smem:$0x3FAA] =	sst s5  }
0xe: {  	[smem:$0x3FAB] =	sst s6  }
0xf: {  	[smem:$0x3FAC] =	sst s7  }
0x10: {  	[smem:$0x3FAD] =	sst s8  }
0x11: {  	[smem:$0x3FAE] =	sst s9;
	s0 =	simm.s32 @!p0 $0x0  }
0x12: {  	s1 =	sld [smem:$0x3F94];
	s0 =	simm.s32 @p0 $0x1  }
0x13: {  	[smem:$0x3FAF] =	sst s0;
	s0 =	simm.s32 @!p1 $0x0  }
0x14: {  	s2 =	sld [smem:$0x3F93];
	s0 =	simm.s32 @p1 $0x1  }
0x15: {  	[smem:$0x3FB0] =	sst s0;
	s0 =	simm.s32 @!p2 $0x0  }
0x16: {  	s3 =	sld [smem:$0x3FDB];
	s0 =	simm.s32 @p2 $0x1  }
0x17: {  	s4 =	simm.s32 $0x1BF5;
	[smem:$0x3FB2] =	sst s0  }
0x18: {  	s0 =	sld [smem:$0x3F95];
	_ =	swait.ge [sflag:s4], $0x0  }
0x19: {  	s7 =	sld [smem:$0x3F96]  }
0x1a: {  	s8 =	sadd.s32 $0xFFFFE003, lr  }
0x1b: {  	s9 =	sadd.s32 $0xFFFFFEF7, lr;
	s5 =	simm.s32 $0xFFFFFFFF;
	p2 =	slt.u32 s8, $0xFFFFF086  }
0x1c: {  	p1 =	slt.u32 s9, $0xF7A;
	s5 =	simm.s32 @!p2 $0x0  }
0x1d: {  	s5 =	simm.s32 @p1 $0x1;
	p0 =	seq.s32 s7, s2  }
0x1e: {  	s7 =	smul.u32 @!p0 $0xF7A, s2;
	p2 =	seq.s32 @!p0 s5, $0x0  }
0x1f: {  	s9 =	smul.u32 $0xF7A, s1;
	s8 =	simm.s32 @!p0 $0x1BF5;
	p2 =	por !p2, p0  }
0x20: {  	[sflag:s8] =	ssyncset.s32 @!p0 $0xFFFFF086;
	s6 =	sadd.s32 @!p0 s3, s7;
	s7 =	simm.s32 @!p0 $0x108  }
0x21: {  	s3 =	sadd.s32 s3, s9;
	s6 =	sadd.s32 @!p0 $0x88, s6;
	s7 =	simm.s32 @p2 $0x1082  }
0x22: {  	[simem:s7], [sflag:s8] =	dma.local @!p0 [hbm:s6], $0xF7A  }
0x23: {  	s9 =	sor.u32 $0xD0000000, s2;
	s6 =	simm.s32 $0x108;
	_ =	swait.ge @!p0 [sflag:s8], $0x0  }
0x24: {  	s3 =	sadd.s32 $0x88, s3;
	s6 =	simm.s32 @!p1 $0x1082;
	[sflag:s4] =	ssyncset.s32 $0xFFFFF086  }
0x25: {  	[simem:s6], [sflag:s4] =	dma.local [hbm:s3], $0xF7A  }
0x26: {  	[smem:$0x3F96] =	sst s1;
	(tag) =	ssettag s2;
	_ =	strace s9  }
0x27: {  	s1 =	sld [smem:$0x3FA6]  }
0x28: {  	s2 =	sld [smem:$0x3FA7]  }
0x29: {  	s4 =	sld [smem:$0x3FA9]  }
0x2a: {  	p0 =	seq.s32 s5, $0x0;
	s5 =	sld [smem:$0x3FAA]  }
0x2b: {  	s6 =	sld [smem:$0x3FAB]  }
0x2c: {  	s7 =	sld [smem:$0x3FAC]  }
0x2d: {  	s3 =	simm.s32 $0x108;
	s8 =	sld [smem:$0x3FAD]  }
0x2e: {  	s3 =	simm.s32 @!p0 $0x1082;
	s9 =	sld [smem:$0x3FAE]  }
0x2f: {  	lr =	sadd.s32 s0, s3;
	s0 =	sld [smem:$0x3FA5]  }
0x30: {  	s3 =	sld [smem:$0x3FA8]  }
0x31: {  	[smem:$0x3FB1] =	sst s10  }
0x32: {  	s10 =	sld [smem:$0x3FAF];
	_ =	sdelay $0x3  }
0x33: {  	p0 =	seq.s32 s10, $0x1;
	s10 =	sld [smem:$0x3FB1];
	_ =	sdelay $0x3  }
0x34: {  	[smem:$0x3FB1] =	sst s10  }
0x35: {  	s10 =	sld [smem:$0x3FB0];
	_ =	sdelay $0x3  }
0x36: {  	p1 =	seq.s32 s10, $0x1;
	s10 =	sld [smem:$0x3FB1];
	_ =	sdelay $0x3  }
0x37: {  	[smem:$0x3FB1] =	sst s10  }
0x38: {  	s10 =	sld [smem:$0x3FB2]  }
0x39: {  	_ = 	snop;
	(pc) =	sbr.ind lr, $3  }
0x3a: {  	_ = 	snop  }
0x3b: {  	_ = 	snop  }
0x3c: {  	p2 =	seq.s32 s10, $0x1;
	s10 =	sld [smem:$0x3FB1]  }
0x3d: {  	_ =	shalt  }
0x3e: {  	_ =	shalt  }
0x3f: {  	_ =	shalt  }
0x40: {  	_ =	shalt  }
0x41: {  	_ =	shalt  }
0x42: {  	_ =	shalt  }
0x43: {  	_ =	shalt  }
0x44: {  	_ =	shalt  }
0x45: {  	_ =	shalt  }
0x46: {  	_ =	shalt  }
0x47: {  	_ =	shalt  }
0x48: {  	_ =	shalt  }
0x49: {  	_ =	shalt  }
0x4a: {  	_ =	shalt  }
0x4b: {  	_ =	shalt  }
0x4c: {  	_ =	shalt  }
0x4d: {  	_ =	shalt  }
0x4e: {  	_ =	shalt  }
0x4f: {  	_ =	shalt  }
0x50: {  	_ =	shalt  }
0x51: {  	_ =	shalt  }
0x52: {  	_ =	shalt  }
0x53: {  	_ =	shalt  }
0x54: {  	_ =	shalt  }
0x55: {  	_ =	shalt  }
0x56: {  	_ =	shalt  }
0x57: {  	_ =	shalt  }
0x58: {  	_ =	shalt  }
0x59: {  	_ =	shalt  }
0x5a: {  	_ =	shalt  }
0x5b: {  	_ =	shalt  }
0x5c: {  	_ =	shalt  }
0x5d: {  	_ =	shalt  }
0x5e: {  	_ =	shalt  }
0x5f: {  	_ =	shalt  }
0x60: {  	_ =	shalt  }
0x61: {  	_ =	shalt  }
0x62: {  	_ =	shalt  }
0x63: {  	_ =	shalt  }
0x64: {  	_ =	shalt  }
0x65: {  	_ =	shalt  }
0x66: {  	_ =	shalt  }
0x67: {  	_ =	shalt  }
0x68: {  	_ =	shalt  }
0x69: {  	_ =	shalt  }
0x6a: {  	_ =	shalt  }
0x6b: {  	_ =	shalt  }
0x6c: {  	_ =	shalt  }
0x6d: {  	_ =	shalt  }
0x6e: {  	_ =	shalt  }
0x6f: {  	_ =	shalt  }
0x70: {  	_ =	shalt  }
0x71: {  	_ =	shalt  }
0x72: {  	_ =	shalt  }
0x73: {  	_ =	shalt  }
0x74: {  	_ =	shalt  }
0x75: {  	_ =	shalt  }
0x76: {  	_ =	shalt  }
0x77: {  	_ =	shalt  }
0x78: {  	_ =	shalt  }
0x79: {  	_ =	shalt  }
0x7a: {  	_ =	shalt  }
0x7b: {  	_ =	shalt  }
0x7c: {  	_ =	shalt  }
0x7d: {  	_ =	shalt  }
0x7e: {  	_ =	shalt  }
0x7f: {  	_ =	shalt  }
0x80: {  	_ =	shalt  }
0x81: {  	_ =	shalt  }
0x82: {  	_ =	shalt  }
0x83: {  	_ =	shalt  }
0x84: {  	_ =	shalt  }
0x85: {  	_ =	shalt  }
0x86: {  	_ =	shalt  }
0x87: {  	_ =	shalt  }
.Lfunc_end0:
.L_simem_size_0:
called_computation_lowered:
.L_overlay_start_0:
0x88: {  	s2 =	sld [smem:$0x3FD9]  }
0x89: {  	s3 =	sld [smem:$0x3FFE];
	_ =	sdelay $0x1  }
0x8a: {  	s1 =	srdreg.scid  }
0x8b: {  	s0 =	sand.u32 $0x1, s1  }
0x8c: {  	s16 =	sshll.u32 s0, $0xA;
	s2 =	sadd.s32 s3, s2  }
0x8d: {  	s2 =	sadd.s32 s2, s16  }
0x8e: {  	[smem:$0x3FBD] =	sst s2  }
0x8f: {  	_ = 	snop  }
0x90: {  	(tm) =	ssettm $0x1  }
0x91: {  	s17 =	sld [smem:$0x3FFB];
	_ =	sdelay $0x3  }
0x92: {  	_ =	strace s17  }
0x93: {  	s2 =	sld [smem:$0x3FFC];
	_ =	sdelay $0x3  }
0x94: {  	_ =	strace s2  }
0x95: {  	s2 =	sld [smem:$0x3FFD];
	_ =	sdelay $0x3  }
0x96: {  	_ =	strace s2  }
0x97: {  	_ =	strace $0x8FFFFFFF  }
0x98: {  	s18 =	sld [smem:$0x3FDB];
	_ =	sdelay $0x1  }
0x99: {  	s19 =	simm.s32 $_scs_section_size  }
0x9a: {  	s4 =	simm.s32 $_size__tile_overlayer_lowered;
	s5 =	simm.s32 $_tile_overlayer_lowered  }
0x9b: {  	s22 =	simm.s32 $0x1BFF;
	s21 =	sshll.u32 s5, $0x1;
	s2 =	sadd.s32 s19, s18  }
0x9c: {  	s6 =	simm.s32 $0x0;
	s20 =	sshll.u32 s4, $0x1;
	s4 =	sadd.s32 s21, s2  }
0x9d: {  	[timem:s6], [sflag:s22] =	dma.local [hbm:s4], s20  }
0x9e: {  	_ =	swait.ge [sflag:s22], s20  }
0x9f: {  	s3 =	ssub.s32 $0x0, s20;
	[sflag:s22] =	ssyncset.done $0x0  }
0xa0: {  	[sflag:s22] =	ssyncadd.s32 s3;
	_ =	sdelay $0x1  }
0xa1: {  	s23 =	simm.s32 $0x1B8B  }
0xa2: {  	_ =	swait.ge [sflag:s23], $0x1  }
0xa3: {  	[sflag:s23] =	ssyncset.done $0x0  }
0xa4: {  	s25 =	simm.s32 $0x1B8E;
	s24 =	sld [smem:$0x3FFE];
	[sflag:s23] =	ssyncadd.s32 $0xFFFFFFFF  }
0xa5: {  	s26 =	simm.s32 $execute0_lowered;
	[smem:$0x3FD2] =	sst s25  }
0xa6: {  	s4 =	sshll.u32 s26, $0x1;
	_ =	strace $0x80000046;
	[dreg:$0x1] =	wrdreg $0xFFFFFFFF  }
0xa7: {  	s28 =	simm.s32 $_size_execute0_lowered;
	s2 =	sadd.s32 s2, s4;
	[dreg:$0x0] =	wrdreg $0x0  }
0xa8: {  	s4 =	sshll.u32 s28, $0x1;
	[dreg:$0x2] =	wrdreg s2  }
0xa9: {  	[dreg:$0x3] =	wrdreg s4  }
0xaa: {  	[dreg:$0x4] =	wrdreg $0xC0  }
0xab: {  	_ =	task [dreg:s6], $0x5FFFF  }
0xac: {  	[dreg:$0x1] =	wrdreg $0xFFFFFFFF  }
0xad: {  	[dreg:$0x0] =	wrdreg $0x60  }
0xae: {  	[dreg:$0x2] =	wrdreg s24  }
0xaf: {  	[dreg:$0x3] =	wrdreg $0x9  }
0xb0: {  	_ =	task.clear_ibuf [dreg:s6], $0x4FFFF;
	_ =	strace $0x90000046  }
0xb1: {  	s29 =	simm.s32 $0x9;
	_ =	strace $0x80000048  }
0xb2: {  	_ =	swait.ge [sflag:s29], $0x1  }
0xb3: {  	[sflag:s29] =	ssyncadd.s32 $0xFFFFFFFF  }
0xb4: {  	_ =	strace $0x90000048  }
0xb5: {  	_ =	sfence  }
0xb6: {  	s30 =	sld [smem:$0x0];
	_ =	sdelay $0x2  }
0xb7: {  	s31 =	sshll.u32 s1, $0xD;
	s1 =	sshrl.u32 s1, $0x2  }
0xb8: {  	s3 =	sand.u32 $0x4000, s31;
	s1 =	sadd.s32 s1, s30  }
0xb9: {  	s0 =	sor.u32 s3, s0;
	s1 =	sshll.u32 s1, $0x11  }
0xba: {  	s0 =	sor.u32 s1, s0  }
0xbb: {  	s0 =	sadd.s32 $0x8F2B, s0  }
0xbc: {  	[sflag:s0] =	ssyncadd.remote.s32 $0x1  }
0xbd: {  	_ =	sfence.sel $0xFFFF  }
0xbe: {  	[dreg:$0x0] =	wrdreg $0xFFFFFFFF;
	(pc) =	sbr.abs _section_cstart, $3  }
0xbf: {  	[dreg:$0x1] =	wrdreg $0xFFFFFFFF  }
0xc0: {  	_ =	task.clear_ibuf [dreg:s6], $0x2FFFF;
	_ =	strace $0x9FFFFFFF  }
0xc1: {  	(tm) =	ssettm $0x7FFFFFFF  }
tec
execute0_lowered:
.L_overlay_start_1:
0x0: {  	(tag) =	ssettag $0x1  }
0x1: {  	s0 =	srdreg.scid  }
0x2: {  	s6 =	rddreg [dreg:$0x0];
	s1 =	stileid.u32  }
0x3: {  	s2 =	simm.s32 $0x0;
	s10 =	simm.s32 $0x2C00;
	s4 =	sand.u32 $0x1, s0  }
0x4: {  	s11 =	simm.s32 $0x1;
	s12 =	simm.s32 $0x2;
	s3 =	sshll.u32 s4, $0x4  }
0x5: {  	s13 =	simm.s32 $0x3;
	s14 =	simm.s32 $0x0;
	s3 =	sor.u32 s1, s3  }
0x6: {  	[smem:$0x7FF] =	sst s2;
	s5 =	ssub.s32 $0x2, s4;
	s3 =	smul.u32 $0x2800, s3  }
0x7: {  	s0 =	rddreg [dreg:$0x1];
	_ =	strace $0x80000047;
	s8 =	sshrl.u32 s5, $0x1  }
0x8: {  	s4 =	sadd.s32 $0x2600, s6;
	s8 =	ssub.s32 s5, s8;
	s7 =	sshrl.u32 s3, $0x3  }
0x9: {  	s8 =	smax.u32 s8, $0x1;
	s9 =	sadd.s32 s7, s6;
	s5 =	sadd.s32 s4, s7  }
0xa: {  	v0 =	vimm.f32 $0.0e+00;
	v1 =	vimm.f32 $1.000000000e+00;
	s6 =	sadd.s32 $0x2680, s6;
	s7 =	sadd.s32 $0xC600, s9;
	s9 =	simm.s32 $0x2800  }
.LBB2_1:
0xb: {  	[tilespmem:s9], [sflag:$0x1] =	stream.linear.gather [hbm4b:s5+s2], $0x400, $0x38;
	[tilespmem:$0x3000] =	vst v63  }
0xc: {  	s15 =	simm.s32 $0x40  }
0xd: {  	[tilespmem:s15+$0xFFFFFFC0] =	vst v0  }
0xe: {  	[tilespmem:s15+$0x30] =	vst v0  }
0xf: {  	[tilespmem:s15+$0x20] =	vst v0  }
0x10: {  	[tilespmem:s15+$0x10] =	vst v0  }
0x11: {  	[tilespmem:s15+$0x0] =	vst v0  }
0x12: {  	[tilespmem:s15+$0xFFFFFFF0] =	vst v0  }
0x13: {  	s16 =	simm.s32 $0x0;
	[tilespmem:s15+$0xFFFFFFE0] =	vst v0  }
.LBB2_2:
0x14: {  	s16 =	sadd.s32 $0x8, s16;
	[tilespmem:s15+$0xFFFFFFD0] =	vst v0;
	s15 =	sadd.s32 $0x80, s15  }
0x15: {  	[tilespmem:s15+$0xFFFFFFC0] =	vst v0;
	p0 =	slt.u32 s16, $0x278  }
0x16: {  	[tilespmem:s15+$0x30] =	vst v0  }
.Ltmp0:
0x17: {  	[tilespmem:s15+$0x20] =	vst v0;
	(pc) =	sbr.rel @p0 .LBB2_2-.Ltmp0, $4  }
0x18: {  	[tilespmem:s15+$0x10] =	vst v0  }
0x19: {  	[tilespmem:s15+$0x0] =	vst v0  }
0x1a: {  	[tilespmem:s15+$0xFFFFFFF0] =	vst v0  }
0x1b: {  	[tilespmem:s15+$0xFFFFFFE0] =	vst v0  }
0x1c: {  	[tilespmem:s15+$0xFFFFFFD0] =	vst v0;
	s15 =	simm.s32 $0x0  }
.LBB2_4:
0x1d: {  	s16 =	sshll.u32 s15, $0xB  }
0x1e: {  	s16 =	sadd.s32 s3, s16  }
0x1f: {  	s17 =	sshrl.u32 s16, $0x3  }
0x20: {  	s17 =	sadd.s32 s17, s6  }
0x21: {  	[tilespmem:s10], [sflag:$0x2] =	stream.linear.gather [hbm4b:s17+s2], $0x400, $0x38;
	[tilespmem:$0x3000] =	vst v63  }
0x22: {  	_ =	swait.ge [sflag:s11], $0x400  }
0x23: {  	[sflag:s11] =	ssyncset.done $0x0  }
0x24: {  	s17 =	simm.s32 $0x2840;
	[sflag:s11] =	ssyncadd.s32 $0xFFFFFC00  }
0x25: {  	v3 =	vld [tilespmem:s17+$0xFFFFFFC0]  }
0x26: {  	v4 =	vld [tilespmem:s17+$0x30]  }
0x27: {  	v5 =	vld [tilespmem:s17+$0x20]  }
0x28: {  	v6 =	vld [tilespmem:s17+$0x10]  }
0x29: {  	v7 =	vld [tilespmem:s17+$0x0]  }
0x2a: {  	v8 =	vld [tilespmem:s17+$0xFFFFFFF0]  }
0x2b: {  	v9 =	vld [tilespmem:s17+$0xFFFFFFE0]  }
0x2c: {  	v2 =	vld [tilespmem:s17+$0xFFFFFFD0]  }
0x2d: {  	[tilespmem:v3+s2+$0x0] =	vst.idx.add.f32.msk $0xffff, v1  }
0x2e: {  	[tilespmem:v4+s2+$0x0] =	vst.idx.add.f32.msk $0xffff, v1  }
0x2f: {  	[tilespmem:v5+s2+$0x0] =	vst.idx.add.f32.msk $0xffff, v1  }
0x30: {  	[tilespmem:v6+s2+$0x0] =	vst.idx.add.f32.msk $0xffff, v1  }
0x31: {  	[tilespmem:v7+s2+$0x0] =	vst.idx.add.f32.msk $0xffff, v1  }
0x32: {  	[tilespmem:v8+s2+$0x0] =	vst.idx.add.f32.msk $0xffff, v1  }
0x33: {  	s18 =	simm.s32 $0x0;
	[tilespmem:v9+s2+$0x0] =	vst.idx.add.f32.msk $0xffff, v1  }
.LBB2_5:
0x34: {  	s18 =	sadd.s32 $0x8, s18;
	[tilespmem:v2+s2+$0x0] =	vst.idx.add.f32.msk $0xffff, v1;
	s17 =	sadd.s32 $0x80, s17  }
0x35: {  	v3 =	vld [tilespmem:s17+$0xFFFFFFC0];
	p0 =	slt.u32 s18, $0x38  }
0x36: {  	v4 =	vld [tilespmem:s17+$0x30]  }
0x37: {  	v5 =	vld [tilespmem:s17+$0x20]  }
0x38: {  	v6 =	vld [tilespmem:s17+$0x10]  }
0x39: {  	v7 =	vld [tilespmem:s17+$0x0]  }
0x3a: {  	v8 =	vld [tilespmem:s17+$0xFFFFFFF0]  }
0x3b: {  	v9 =	vld [tilespmem:s17+$0xFFFFFFE0]  }
0x3c: {  	v2 =	vld [tilespmem:s17+$0xFFFFFFD0]  }
0x3d: {  	[tilespmem:v3+s2+$0x0] =	vst.idx.add.f32.msk $0xffff, v1  }
0x3e: {  	[tilespmem:v4+s2+$0x0] =	vst.idx.add.f32.msk $0xffff, v1  }
.Ltmp1:
0x3f: {  	[tilespmem:v5+s2+$0x0] =	vst.idx.add.f32.msk $0xffff, v1;
	(pc) =	sbr.rel @p0 .LBB2_5-.Ltmp1, $4  }
0x40: {  	[tilespmem:v6+s2+$0x0] =	vst.idx.add.f32.msk $0xffff, v1  }
0x41: {  	[tilespmem:v7+s2+$0x0] =	vst.idx.add.f32.msk $0xffff, v1  }
0x42: {  	[tilespmem:v8+s2+$0x0] =	vst.idx.add.f32.msk $0xffff, v1  }
0x43: {  	[tilespmem:v9+s2+$0x0] =	vst.idx.add.f32.msk $0xffff, v1  }
0x44: {  	_ = 	snop  }
0x45: {  	p0 =	seq.s32 s15, $0x4  }
0x46: {  	s16 =	sshrl.u32 @!p0 s16, $0x3  }
0x47: {  	s16 =	sadd.s32 @!p0 s4, s16  }
0x48: {  	[tilespmem:v2+s2+$0x0] =	vst.idx.add.f32.msk $0xffff, v1;
	s17 =	simm.s32 @!p0 $0x0;
	s18 =	simm.s32 @!p0 $0x2800;
	s16 =	sadd.s32 @!p0 $0x100, s16  }
0x49: {  	[tilespmem:s18], [sflag:$0x1] =	stream.linear.gather @!p0 [hbm4b:s16+s17], $0x400, $0x38;
	[tilespmem:$0x3000] =	vst v63  }
0x4a: {  	_ =	swait.ge [sflag:s12], $0x400  }
0x4b: {  	[sflag:s12] =	ssyncset.done $0x0  }
0x4c: {  	s16 =	simm.s32 $0x2C40;
	[sflag:s12] =	ssyncadd.s32 $0xFFFFFC00  }
0x4d: {  	v3 =	vld [tilespmem:s16+$0xFFFFFFC0]  }
0x4e: {  	v4 =	vld [tilespmem:s16+$0x30]  }
0x4f: {  	v5 =	vld [tilespmem:s16+$0x20]  }
0x50: {  	v6 =	vld [tilespmem:s16+$0x10]  }
0x51: {  	v7 =	vld [tilespmem:s16+$0x0]  }
0x52: {  	v8 =	vld [tilespmem:s16+$0xFFFFFFF0]  }
0x53: {  	v9 =	vld [tilespmem:s16+$0xFFFFFFE0]  }
0x54: {  	v2 =	vld [tilespmem:s16+$0xFFFFFFD0]  }
0x55: {  	[tilespmem:v3+s2+$0x0] =	vst.idx.add.f32.msk $0xffff, v1  }
0x56: {  	[tilespmem:v4+s2+$0x0] =	vst.idx.add.f32.msk $0xffff, v1  }
0x57: {  	[tilespmem:v5+s2+$0x0] =	vst.idx.add.f32.msk $0xffff, v1  }
0x58: {  	[tilespmem:v6+s2+$0x0] =	vst.idx.add.f32.msk $0xffff, v1  }
0x59: {  	[tilespmem:v7+s2+$0x0] =	vst.idx.add.f32.msk $0xffff, v1  }
0x5a: {  	[tilespmem:v8+s2+$0x0] =	vst.idx.add.f32.msk $0xffff, v1  }
0x5b: {  	s17 =	simm.s32 $0x0;
	[tilespmem:v9+s2+$0x0] =	vst.idx.add.f32.msk $0xffff, v1  }
.LBB2_7:
0x5c: {  	s17 =	sadd.s32 $0x8, s17;
	[tilespmem:v2+s2+$0x0] =	vst.idx.add.f32.msk $0xffff, v1;
	s16 =	sadd.s32 $0x80, s16  }
0x5d: {  	v3 =	vld [tilespmem:s16+$0xFFFFFFC0];
	p0 =	slt.u32 s17, $0x38  }
0x5e: {  	v4 =	vld [tilespmem:s16+$0x30]  }
0x5f: {  	v5 =	vld [tilespmem:s16+$0x20]  }
0x60: {  	v6 =	vld [tilespmem:s16+$0x10]  }
0x61: {  	v7 =	vld [tilespmem:s16+$0x0]  }
0x62: {  	v8 =	vld [tilespmem:s16+$0xFFFFFFF0]  }
0x63: {  	v9 =	vld [tilespmem:s16+$0xFFFFFFE0]  }
0x64: {  	v2 =	vld [tilespmem:s16+$0xFFFFFFD0]  }
0x65: {  	[tilespmem:v3+s2+$0x0] =	vst.idx.add.f32.msk $0xffff, v1  }
0x66: {  	[tilespmem:v4+s2+$0x0] =	vst.idx.add.f32.msk $0xffff, v1  }
.Ltmp2:
0x67: {  	[tilespmem:v5+s2+$0x0] =	vst.idx.add.f32.msk $0xffff, v1;
	(pc) =	sbr.rel @p0 .LBB2_7-.Ltmp2, $4  }
0x68: {  	[tilespmem:v6+s2+$0x0] =	vst.idx.add.f32.msk $0xffff, v1  }
0x69: {  	[tilespmem:v7+s2+$0x0] =	vst.idx.add.f32.msk $0xffff, v1  }
0x6a: {  	[tilespmem:v8+s2+$0x0] =	vst.idx.add.f32.msk $0xffff, v1  }
0x6b: {  	[tilespmem:v9+s2+$0x0] =	vst.idx.add.f32.msk $0xffff, v1  }
0x6c: {  	s15 =	sadd.s32 $0x1, s15  }
0x6d: {  	p0 =	sne.s32 s15, $0x5  }
.Ltmp3:
0x6e: {  	_ = 	snop;
	(pc) =	sbr.rel @p0 .LBB2_4-.Ltmp3, $2  }
0x6f: {  	_ =	sdelay $0x2  }
0x70: {  	[tilespmem:v2+s2+$0x0] =	vst.idx.add.f32.msk $0xffff, v1  }
0x71: {  	s14 =	sadd.s32 $0x1, s14  }
0x72: {  	p0 =	sne.s32 s14, s8  }
.Ltmp4:
0x73: {  	_ = 	snop;
	(pc) =	sbr.rel @p0 .LBB2_1-.Ltmp4, $4  }
0x74: {  	[hbm4b:s7+s2] =	stream.linear.scatter [tilespmem:s2], [sflag:$0x3], $0x2800, $0x38;
	[tilespmem:$0x3000] =	vst v63  }
0x75: {  	_ =	swait.ge [sflag:s13], $0x2800  }
0x76: {  	[sflag:s13] =	ssyncset.done $0x0  }
0x77: {  	[sflag:s13] =	ssyncadd.s32 $0xFFFFD800  }
0x78: {  	_ =	sfence.sel $0x180000  }
0x79: {  	[bflag:$0x0] =	sbarrier.arrive $0xFFFF  }
0x7a: {  	p0 =	sne.s32 s1, $0x0;
	_ =	strace $0x90000047  }
0x7b: {  	s0 =	sadd.s32 @!p0 $0x100000, s0;
	[bflag:$0x2] =	sbarrier.arrive $0xFFFF  }
0x7c: {  	[sflag:s0] =	ssyncadd.tile.s32 @!p0 $0x1;
	_ =	shalt  }
.Lfunc_end2:
_tile_overlayer_lowered:
.L_overlay_start_2:
0x7d: {  	(tag) =	ssettag $0x2  }
0x7e: {  	s0 =	rddreg [dreg:$0x0];
	s2 =	stileid.u32  }
0x7f: {  	s1 =	rddreg [dreg:$0x1];
	p0 =	sne.s32 s2, $0x0  }
0x80: {  	s3 =	rddreg [dreg:$0x2];
	[bflag:$0x3] =	sbarrier.arrive $0xFFFF;
	s2 =	simm.s32 @!p0 $0x1C03  }
0x81: {  	[timem:s3], [sflag:s2] =	dma.local @!p0 [hbm:s0], s1  }
0x82: {  	s0 =	simm.s32 @!p0 $0x3  }
0x83: {  	_ =	swait.ge @!p0 [sflag:s0], s1  }
0x84: {  	s1 =	ssub.s32 @!p0 $0x0, s1;
	[sflag:s0] =	ssyncset.done @!p0 $0x0  }
0x85: {  	[sflag:s0] =	ssyncadd.s32 @!p0 s1  }
0x86: {  	[bflag:$0x3] =	sbarrier.arrive $0xFFFF  }
0x87: {  	_ =	shalt  }

// kernel: kernel.13.cloned.1.call-start
scs
__scs_entry_jumppad:
0x0: {  	(pc) =	sbr.rel $0x88, $3  }
0x1: {  	(tag) =	ssettag $0x0;
	lr =	simm.s32 $0x1  }
0x2: {  	[smem:$0x3F96] =	sst lr;
	_ =	strace $0xD0000000  }
0x3: {  	_ = 	snop  }
0x4: {  	_ = 	snop  }
0x5: {  	_ = 	snop  }
0x6: {  	_ = 	snop  }
0x7: {  	_ = 	snop  }
__scs_overlays_trampoline_lowered:
0x8: {  	[smem:$0x3FA5] =	sst s0  }
0x9: {  	[smem:$0x3FA6] =	sst s1  }
0xa: {  	[smem:$0x3FA7] =	sst s2  }
0xb: {  	[smem:$0x3FA8] =	sst s3  }
0xc: {  	[smem:$0x3FA9] =	sst s4  }
0xd: {  	[smem:$0x3FAA] =	sst s5  }
0xe: {  	[smem:$0x3FAB] =	sst s6  }
0xf: {  	[smem:$0x3FAC] =	sst s7  }
0x10: {  	[smem:$0x3FAD] =	sst s8  }
0x11: {  	[smem:$0x3FAE] =	sst s9;
	s0 =	simm.s32 @!p0 $0x0  }
0x12: {  	s1 =	sld [smem:$0x3F94];
	s0 =	simm.s32 @p0 $0x1  }
0x13: {  	[smem:$0x3FAF] =	sst s0;
	s0 =	simm.s32 @!p1 $0x0  }
0x14: {  	s2 =	sld [smem:$0x3F93];
	s0 =	simm.s32 @p1 $0x1  }
0x15: {  	[smem:$0x3FB0] =	sst s0;
	s0 =	simm.s32 @!p2 $0x0  }
0x16: {  	s3 =	sld [smem:$0x3FDB];
	s0 =	simm.s32 @p2 $0x1  }
0x17: {  	s4 =	simm.s32 $0x1BF5;
	[smem:$0x3FB2] =	sst s0  }
0x18: {  	s0 =	sld [smem:$0x3F95];
	_ =	swait.ge [sflag:s4], $0x0  }
0x19: {  	s7 =	sld [smem:$0x3F96]  }
0x1a: {  	s8 =	sadd.s32 $0xFFFFE003, lr  }
0x1b: {  	s9 =	sadd.s32 $0xFFFFFEF7, lr;
	s5 =	simm.s32 $0xFFFFFFFF;
	p2 =	slt.u32 s8, $0xFFFFF086  }
0x1c: {  	p1 =	slt.u32 s9, $0xF7A;
	s5 =	simm.s32 @!p2 $0x0  }
0x1d: {  	s5 =	simm.s32 @p1 $0x1;
	p0 =	seq.s32 s7, s2  }
0x1e: {  	s7 =	smul.u32 @!p0 $0xF7A, s2;
	p2 =	seq.s32 @!p0 s5, $0x0  }
0x1f: {  	s9 =	smul.u32 $0xF7A, s1;
	s8 =	simm.s32 @!p0 $0x1BF5;
	p2 =	por !p2, p0  }
0x20: {  	[sflag:s8] =	ssyncset.s32 @!p0 $0xFFFFF086;
	s6 =	sadd.s32 @!p0 s3, s7;
	s7 =	simm.s32 @!p0 $0x108  }
0x21: {  	s3 =	sadd.s32 s3, s9;
	s6 =	sadd.s32 @!p0 $0x88, s6;
	s7 =	simm.s32 @p2 $0x1082  }
0x22: {  	[simem:s7], [sflag:s8] =	dma.local @!p0 [hbm:s6], $0xF7A  }
0x23: {  	s9 =	sor.u32 $0xD0000000, s2;
	s6 =	simm.s32 $0x108;
	_ =	swait.ge @!p0 [sflag:s8], $0x0  }
0x24: {  	s3 =	sadd.s32 $0x88, s3;
	s6 =	simm.s32 @!p1 $0x1082;
	[sflag:s4] =	ssyncset.s32 $0xFFFFF086  }
0x25: {  	[simem:s6], [sflag:s4] =	dma.local [hbm:s3], $0xF7A  }
0x26: {  	[smem:$0x3F96] =	sst s1;
	(tag) =	ssettag s2;
	_ =	strace s9  }
0x27: {  	s1 =	sld [smem:$0x3FA6]  }
0x28: {  	s2 =	sld [smem:$0x3FA7]  }
0x29: {  	s4 =	sld [smem:$0x3FA9]  }
0x2a: {  	p0 =	seq.s32 s5, $0x0;
	s5 =	sld [smem:$0x3FAA]  }
0x2b: {  	s6 =	sld [smem:$0x3FAB]  }
0x2c: {  	s7 =	sld [smem:$0x3FAC]  }
0x2d: {  	s3 =	simm.s32 $0x108;
	s8 =	sld [smem:$0x3FAD]  }
0x2e: {  	s3 =	simm.s32 @!p0 $0x1082;
	s9 =	sld [smem:$0x3FAE]  }
0x2f: {  	lr =	sadd.s32 s0, s3;
	s0 =	sld [smem:$0x3FA5]  }
0x30: {  	s3 =	sld [smem:$0x3FA8]  }
0x31: {  	[smem:$0x3FB1] =	sst s10  }
0x32: {  	s10 =	sld [smem:$0x3FAF];
	_ =	sdelay $0x3  }
0x33: {  	p0 =	seq.s32 s10, $0x1;
	s10 =	sld [smem:$0x3FB1];
	_ =	sdelay $0x3  }
0x34: {  	[smem:$0x3FB1] =	sst s10  }
0x35: {  	s10 =	sld [smem:$0x3FB0];
	_ =	sdelay $0x3  }
0x36: {  	p1 =	seq.s32 s10, $0x1;
	s10 =	sld [smem:$0x3FB1];
	_ =	sdelay $0x3  }
0x37: {  	[smem:$0x3FB1] =	sst s10  }
0x38: {  	s10 =	sld [smem:$0x3FB2]  }
0x39: {  	_ = 	snop;
	(pc) =	sbr.ind lr, $3  }
0x3a: {  	_ = 	snop  }
0x3b: {  	_ = 	snop  }
0x3c: {  	p2 =	seq.s32 s10, $0x1;
	s10 =	sld [smem:$0x3FB1]  }
0x3d: {  	_ =	shalt  }
0x3e: {  	_ =	shalt  }
0x3f: {  	_ =	shalt  }
0x40: {  	_ =	shalt  }
0x41: {  	_ =	shalt  }
0x42: {  	_ =	shalt  }
0x43: {  	_ =	shalt  }
0x44: {  	_ =	shalt  }
0x45: {  	_ =	shalt  }
0x46: {  	_ =	shalt  }
0x47: {  	_ =	shalt  }
0x48: {  	_ =	shalt  }
0x49: {  	_ =	shalt  }
0x4a: {  	_ =	shalt  }
0x4b: {  	_ =	shalt  }
0x4c: {  	_ =	shalt  }
0x4d: {  	_ =	shalt  }
0x4e: {  	_ =	shalt  }
0x4f: {  	_ =	shalt  }
0x50: {  	_ =	shalt  }
0x51: {  	_ =	shalt  }
0x52: {  	_ =	shalt  }
0x53: {  	_ =	shalt  }
0x54: {  	_ =	shalt  }
0x55: {  	_ =	shalt  }
0x56: {  	_ =	shalt  }
0x57: {  	_ =	shalt  }
0x58: {  	_ =	shalt  }
0x59: {  	_ =	shalt  }
0x5a: {  	_ =	shalt  }
0x5b: {  	_ =	shalt  }
0x5c: {  	_ =	shalt  }
0x5d: {  	_ =	shalt  }
0x5e: {  	_ =	shalt  }
0x5f: {  	_ =	shalt  }
0x60: {  	_ =	shalt  }
0x61: {  	_ =	shalt  }
0x62: {  	_ =	shalt  }
0x63: {  	_ =	shalt  }
0x64: {  	_ =	shalt  }
0x65: {  	_ =	shalt  }
0x66: {  	_ =	shalt  }
0x67: {  	_ =	shalt  }
0x68: {  	_ =	shalt  }
0x69: {  	_ =	shalt  }
0x6a: {  	_ =	shalt  }
0x6b: {  	_ =	shalt  }
0x6c: {  	_ =	shalt  }
0x6d: {  	_ =	shalt  }
0x6e: {  	_ =	shalt  }
0x6f: {  	_ =	shalt  }
0x70: {  	_ =	shalt  }
0x71: {  	_ =	shalt  }
0x72: {  	_ =	shalt  }
0x73: {  	_ =	shalt  }
0x74: {  	_ =	shalt  }
0x75: {  	_ =	shalt  }
0x76: {  	_ =	shalt  }
0x77: {  	_ =	shalt  }
0x78: {  	_ =	shalt  }
0x79: {  	_ =	shalt  }
0x7a: {  	_ =	shalt  }
0x7b: {  	_ =	shalt  }
0x7c: {  	_ =	shalt  }
0x7d: {  	_ =	shalt  }
0x7e: {  	_ =	shalt  }
0x7f: {  	_ =	shalt  }
0x80: {  	_ =	shalt  }
0x81: {  	_ =	shalt  }
0x82: {  	_ =	shalt  }
0x83: {  	_ =	shalt  }
0x84: {  	_ =	shalt  }
0x85: {  	_ =	shalt  }
0x86: {  	_ =	shalt  }
0x87: {  	_ =	shalt  }
.Lfunc_end0:
.L_simem_size_0:
called_computation.1_lowered:
.L_overlay_start_0:
0x88: {  	s2 =	sld [smem:$0x3FD9]  }
0x89: {  	s3 =	sld [smem:$0x3FFE];
	_ =	sdelay $0x1  }
0x8a: {  	s1 =	srdreg.scid  }
0x8b: {  	s0 =	sand.u32 $0x1, s1  }
0x8c: {  	s16 =	sshll.u32 s0, $0xA;
	s2 =	sadd.s32 s3, s2  }
0x8d: {  	s2 =	sadd.s32 s2, s16  }
0x8e: {  	[smem:$0x3FBD] =	sst s2  }
0x8f: {  	_ = 	snop  }
0x90: {  	(tm) =	ssettm $0x1  }
0x91: {  	s17 =	sld [smem:$0x3FFB];
	_ =	sdelay $0x3  }
0x92: {  	_ =	strace s17  }
0x93: {  	s2 =	sld [smem:$0x3FFC];
	_ =	sdelay $0x3  }
0x94: {  	_ =	strace s2  }
0x95: {  	s2 =	sld [smem:$0x3FFD];
	_ =	sdelay $0x3  }
0x96: {  	_ =	strace s2  }
0x97: {  	_ =	strace $0x8FFFFFFF  }
0x98: {  	s18 =	sld [smem:$0x3FDB];
	_ =	sdelay $0x1  }
0x99: {  	s19 =	simm.s32 $_scs_section_size  }
0x9a: {  	s4 =	simm.s32 $_size__tile_overlayer_lowered;
	s5 =	simm.s32 $_tile_overlayer_lowered  }
0x9b: {  	s22 =	simm.s32 $0x1BFF;
	s21 =	sshll.u32 s5, $0x1;
	s2 =	sadd.s32 s19, s18  }
0x9c: {  	s6 =	simm.s32 $0x0;
	s20 =	sshll.u32 s4, $0x1;
	s4 =	sadd.s32 s21, s2  }
0x9d: {  	[timem:s6], [sflag:s22] =	dma.local [hbm:s4], s20  }
0x9e: {  	_ =	swait.ge [sflag:s22], s20  }
0x9f: {  	s3 =	ssub.s32 $0x0, s20;
	[sflag:s22] =	ssyncset.done $0x0  }
0xa0: {  	[sflag:s22] =	ssyncadd.s32 s3;
	_ =	sdelay $0x1  }
0xa1: {  	s23 =	simm.s32 $0x1B8B  }
0xa2: {  	_ =	swait.ge [sflag:s23], $0x1  }
0xa3: {  	[sflag:s23] =	ssyncset.done $0x0  }
0xa4: {  	s25 =	simm.s32 $0x1B8E;
	s24 =	sld [smem:$0x3FFE];
	[sflag:s23] =	ssyncadd.s32 $0xFFFFFFFF  }
0xa5: {  	s26 =	simm.s32 $execute0_lowered;
	[smem:$0x3FD2] =	sst s25  }
0xa6: {  	s4 =	sshll.u32 s26, $0x1;
	_ =	strace $0x80000049;
	[dreg:$0x1] =	wrdreg $0xFFFFFFFF  }
0xa7: {  	s28 =	simm.s32 $_size_execute0_lowered;
	s2 =	sadd.s32 s2, s4;
	[dreg:$0x0] =	wrdreg $0x0  }
0xa8: {  	s4 =	sshll.u32 s28, $0x1;
	[dreg:$0x2] =	wrdreg s2  }
0xa9: {  	[dreg:$0x3] =	wrdreg s4  }
0xaa: {  	[dreg:$0x4] =	wrdreg $0xC0  }
0xab: {  	_ =	task [dreg:s6], $0x5FFFF  }
0xac: {  	[dreg:$0x1] =	wrdreg $0xFFFFFFFF  }
0xad: {  	[dreg:$0x0] =	wrdreg $0x60  }
0xae: {  	[dreg:$0x2] =	wrdreg s24  }
0xaf: {  	[dreg:$0x3] =	wrdreg $0x9  }
0xb0: {  	_ =	task.clear_ibuf [dreg:s6], $0x4FFFF;
	_ =	strace $0x90000049  }
0xb1: {  	s29 =	simm.s32 $0x9;
	_ =	strace $0x8000004B  }
0xb2: {  	_ =	swait.ge [sflag:s29], $0x1  }
0xb3: {  	[sflag:s29] =	ssyncadd.s32 $0xFFFFFFFF  }
0xb4: {  	_ =	strace $0x9000004B  }
0xb5: {  	_ =	sfence  }
0xb6: {  	s30 =	sld [smem:$0x0];
	_ =	sdelay $0x2  }
0xb7: {  	s31 =	sshll.u32 s1, $0xD;
	s1 =	sshrl.u32 s1, $0x2  }
0xb8: {  	s3 =	sand.u32 $0x4000, s31;
	s1 =	sadd.s32 s1, s30  }
0xb9: {  	s0 =	sor.u32 s3, s0;
	s1 =	sshll.u32 s1, $0x11  }
0xba: {  	s0 =	sor.u32 s1, s0  }
0xbb: {  	s0 =	sadd.s32 $0x8F2B, s0  }
0xbc: {  	[sflag:s0] =	ssyncadd.remote.s32 $0x1  }
0xbd: {  	_ =	sfence.sel $0xFFFF  }
0xbe: {  	[dreg:$0x0] =	wrdreg $0xFFFFFFFF;
	(pc) =	sbr.abs _section_cstart, $3  }
0xbf: {  	[dreg:$0x1] =	wrdreg $0xFFFFFFFF  }
0xc0: {  	_ =	task.clear_ibuf [dreg:s6], $0x2FFFF;
	_ =	strace $0x9FFFFFFF  }
0xc1: {  	(tm) =	ssettm $0x7FFFFFFF  }
tec
execute0_lowered:
.L_overlay_start_1:
0x0: {  	(tag) =	ssettag $0x1  }
0x1: {  	s5 =	rddreg [dreg:$0x0];
	s0 =	stileid.u32  }
0x2: {  	s3 =	srdreg.scid;
	s1 =	rddreg [dreg:$0x1]  }
0x3: {  	s2 =	simm.s32 $0x0;
	s14 =	simm.s32 $0x2;
	s15 =	simm.s32 $0x14000  }
0x4: {  	s16 =	simm.s32 $0x14400;
	s17 =	simm.s32 $0x14800;
	s18 =	simm.s32 $0x14C00  }
0x5: {  	s19 =	simm.s32 $0x1;
	s20 =	simm.s32 $0xA000;
	s21 =	simm.s32 $0x3  }
0x6: {  	s22 =	simm.s32 $0x0;
	s6 =	smul.u32 $0xA000, s0;
	s7 =	sand.u32 $0x1, s3  }
0x7: {  	[smem:$0x7FF] =	sst s2;
	s3 =	sadd.s32 $0x16600, s5;
	s4 =	sadd.s32 $0x2600, s5  }
0x8: {  	s8 =	smul.u32 $0xA0000, s7;
	_ =	strace $0x8000004A;
	s29 =	ssub.s32 $0x2, s7  }
0x9: {  	s10 =	ssub.s32 $0x0, s7;
	p0 =	seq.s32 s7, $0x0;
	s28 =	sshrl.u32 s6, $0x3  }
0xa: {  	s11 =	sshrl.u32 s29, $0x1;
	s30 =	sand.u32 $0x2D000, s10;
	s9 =	sadd.s32 s28, s5  }
0xb: {  	s6 =	sadd.s32 s6, s8;
	s13 =	ssub.s32 s29, s11;
	s31 =	sshrl.u32 s30, $0x3  }
0xc: {  	s11 =	sor.u32 $0x800, s30;
	s6 =	sshrl.u32 s6, $0x3;
	s7 =	sadd.s32 s3, s31  }
0xd: {  	s8 =	sadd.s32 s4, s31;
	s12 =	sadd.s32 s6, s5;
	s5 =	simm.s32 $0x5A  }
0xe: {  	s13 =	smax.u32 s13, $0x1;
	s6 =	sadd.s32 $0x20600, s9;
	s5 =	simm.s32 @!p0 $0x46  }
0xf: {  	v0 =	vimm.f32 $0.0e+00;
	s9 =	sor.u32 $0x400, s30;
	s12 =	sadd.s32 $0x34600, s12;
	s10 =	sadd.s32 $0xFFFFFFFF, s5  }
.LBB2_1:
0x10: {  	[tilespmem:s2], [sflag:$0x2] =	stream.linear.gather [hbm4b:s6+s2], $0xA000, $0x38;
	[tilespmem:$0x15000] =	vst v63  }
0x11: {  	[tilespmem:s20+$0x0] =	vst v0  }
0x12: {  	[tilespmem:s20+$0x7870] =	vst v0  }
0x13: {  	[tilespmem:s20+$0x5070] =	vst v0  }
0x14: {  	[tilespmem:s20+$0x2870] =	vst v0  }
0x15: {  	[tilespmem:s20+$0x70] =	vst v0  }
0x16: {  	[tilespmem:s20+$0x7860] =	vst v0  }
0x17: {  	[tilespmem:s20+$0x5060] =	vst v0  }
0x18: {  	[tilespmem:s20+$0x2860] =	vst v0  }
0x19: {  	[tilespmem:s20+$0x60] =	vst v0  }
0x1a: {  	[tilespmem:s20+$0x7850] =	vst v0  }
0x1b: {  	[tilespmem:s20+$0x5050] =	vst v0  }
0x1c: {  	[tilespmem:s20+$0x2850] =	vst v0  }
0x1d: {  	[tilespmem:s20+$0x50] =	vst v0  }
0x1e: {  	[tilespmem:s20+$0x7840] =	vst v0  }
0x1f: {  	[tilespmem:s20+$0x5040] =	vst v0  }
0x20: {  	[tilespmem:s20+$0x2840] =	vst v0  }
0x21: {  	[tilespmem:s20+$0x40] =	vst v0  }
0x22: {  	[tilespmem:s20+$0x7830] =	vst v0  }
0x23: {  	[tilespmem:s20+$0x5030] =	vst v0  }
0x24: {  	[tilespmem:s20+$0x2830] =	vst v0  }
0x25: {  	[tilespmem:s20+$0x30] =	vst v0  }
0x26: {  	[tilespmem:s20+$0x7820] =	vst v0  }
0x27: {  	[tilespmem:s20+$0x5020] =	vst v0  }
0x28: {  	[tilespmem:s20+$0x2820] =	vst v0  }
0x29: {  	[tilespmem:s20+$0x20] =	vst v0  }
0x2a: {  	[tilespmem:s20+$0x7810] =	vst v0  }
0x2b: {  	[tilespmem:s20+$0x5010] =	vst v0  }
0x2c: {  	[tilespmem:s20+$0x2810] =	vst v0  }
0x2d: {  	[tilespmem:s20+$0x10] =	vst v0  }
0x2e: {  	[tilespmem:s20+$0x7800] =	vst v0  }
0x2f: {  	s23 =	simm.s32 $0x0;
	s24 =	simm.s32 $0xA000;
	[tilespmem:s20+$0x5000] =	vst v0  }
.LBB2_2:
0x30: {  	s23 =	sadd.s32 $0x8, s23;
	[tilespmem:s24+$0x2800] =	vst v0;
	s24 =	sadd.s32 $0x80, s24  }
0x31: {  	[tilespmem:s24+$0x0] =	vst v0;
	p0 =	slt.u32 s23, $0x278  }
0x32: {  	[tilespmem:s24+$0x7870] =	vst v0  }
0x33: {  	[tilespmem:s24+$0x5070] =	vst v0  }
0x34: {  	[tilespmem:s24+$0x2870] =	vst v0  }
0x35: {  	[tilespmem:s24+$0x70] =	vst v0  }
0x36: {  	[tilespmem:s24+$0x7860] =	vst v0  }
0x37: {  	[tilespmem:s24+$0x5060] =	vst v0  }
0x38: {  	[tilespmem:s24+$0x2860] =	vst v0  }
0x39: {  	[tilespmem:s24+$0x60] =	vst v0  }
0x3a: {  	[tilespmem:s24+$0x7850] =	vst v0  }
0x3b: {  	[tilespmem:s24+$0x5050] =	vst v0  }
0x3c: {  	[tilespmem:s24+$0x2850] =	vst v0  }
0x3d: {  	[tilespmem:s24+$0x50] =	vst v0  }
0x3e: {  	[tilespmem:s24+$0x7840] =	vst v0  }
0x3f: {  	[tilespmem:s24+$0x5040] =	vst v0  }
0x40: {  	[tilespmem:s24+$0x2840] =	vst v0  }
0x41: {  	[tilespmem:s24+$0x40] =	vst v0  }
0x42: {  	[tilespmem:s24+$0x7830] =	vst v0  }
0x43: {  	[tilespmem:s24+$0x5030] =	vst v0  }
0x44: {  	[tilespmem:s24+$0x2830] =	vst v0  }
0x45: {  	[tilespmem:s24+$0x30] =	vst v0  }
0x46: {  	[tilespmem:s24+$0x7820] =	vst v0  }
0x47: {  	[tilespmem:s24+$0x5020] =	vst v0  }
0x48: {  	[tilespmem:s24+$0x2820] =	vst v0  }
0x49: {  	[tilespmem:s24+$0x20] =	vst v0  }
0x4a: {  	[tilespmem:s24+$0x7810] =	vst v0  }
.Ltmp0:
0x4b: {  	[tilespmem:s24+$0x5010] =	vst v0;
	(pc) =	sbr.rel @p0 .LBB2_2-.Ltmp0, $4  }
0x4c: {  	[tilespmem:s24+$0x2810] =	vst v0  }
0x4d: {  	[tilespmem:s24+$0x10] =	vst v0  }
0x4e: {  	[tilespmem:s24+$0x7800] =	vst v0  }
0x4f: {  	[tilespmem:s24+$0x5000] =	vst v0  }
0x50: {  	[tilespmem:s24+$0x2800] =	vst v0  }
0x51: {  	_ =	swait.ge [sflag:s14], $0xA000  }
0x52: {  	[sflag:s14] =	ssyncset.done $0x0  }
0x53: {  	s23 =	simm.s32 $0x0;
	[sflag:s14] =	ssyncadd.s32 $0xFFFF6000  }
0x54: {  	[tilespmem:s15], [sflag:$0x1] =	stream.linear.gather [hbm4b:s7+s23], $0x400, $0x38;
	[tilespmem:$0x15000] =	vst v63  }
0x55: {  	_ = 	snop  }
0x56: {  	[tilespmem:s16], [sflag:$0x1] =	stream.linear.gather [hbm4b:s8+s23], $0x400, $0x38;
	[tilespmem:$0x15000] =	vst v63  }
.LBB2_4:
0x57: {  	s24 =	sshll.u32 s23, $0xB  }
0x58: {  	s25 =	sadd.s32 s24, s9  }
0x59: {  	s25 =	sshrl.u32 s25, $0x3  }
0x5a: {  	s26 =	sadd.s32 s3, s25  }
0x5b: {  	[tilespmem:s17], [sflag:$0x2] =	stream.linear.gather [hbm4b:s26+s2], $0x400, $0x38;
	[tilespmem:$0x15000] =	vst v63  }
0x5c: {  	s25 =	sadd.s32 s4, s25  }
0x5d: {  	[tilespmem:s18], [sflag:$0x2] =	stream.linear.gather [hbm4b:s25+s2], $0x400, $0x38;
	[tilespmem:$0x15000] =	vst v63  }
0x5e: {  	_ =	swait.ge [sflag:s19], $0x400  }
0x5f: {  	[sflag:s19] =	ssyncset.done $0x0  }
0x60: {  	[sflag:s19] =	ssyncadd.s32 $0xFFFFFC00  }
0x61: {  	_ =	swait.ge [sflag:s19], $0x400  }
0x62: {  	[sflag:s19] =	ssyncset.done $0x0  }
0x63: {  	s31 =	simm.s32 $0x14020;
	[sflag:s19] =	ssyncadd.s32 $0xFFFFFC00  }
0x64: {  	v1 =	vld [tilespmem:s31+$0x10]  }
0x65: {  	v3 =	vld [tilespmem:s31+$0xFFFFFFE0]  }
0x66: {  	v2 =	vld [tilespmem:s31+$0xFFFFFFF0];
	_ =	sdelay $0x1  }
0x67: {  	s25 =	simm.s32 $0x14420;
	v5 =	vld [tilespmem:s31+$0x0]  }
0x68: {  	v4 =	vld [tilespmem:s25+$0x10]  }
0x69: {  	v7 =	vld [tilespmem:s25+$0xFFFFFFE0]  }
0x6a: {  	v10 =	vld [tilespmem:s25+$0xFFFFFFF0]  }
0x6b: {  	v6 =	vld.idx.msk [tilespmem:v1+s2+$0x0], $0xffff  }
0x6c: {  	v11 =	vld.idx.msk [tilespmem:v3+s2+$0x0], $0xffff  }
0x6d: {  	v8 =	vld.idx.msk [tilespmem:v2+s2+$0x0], $0xffff  }
0x6e: {  	v13 =	vld [tilespmem:s25+$0x0];
	v9 =	vadd.s32 $0x2800, v1  }
0x6f: {  	v12 =	vadd.s32 $0x2800, v3;
	v14 =	vld.idx.msk [tilespmem:v5+s2+$0x0], $0xffff  }
0x70: {  	v57 =	vadd.s32 $0x2800, v2;
	[tilespmem:v4+s20+$0x0] =	vst.idx.add.f32.msk $0xffff, v6  }
0x71: {  	[tilespmem:v7+s20+$0x0] =	vst.idx.add.f32.msk $0xffff, v11  }
0x72: {  	v16 =	vadd.s32 $0x2800, v5;
	[tilespmem:v10+s20+$0x0] =	vst.idx.add.f32.msk $0xffff, v8  }
0x73: {  	v56 =	vadd.s32 $0x2800, v4;
	v6 =	vld.idx.msk [tilespmem:v9+s2+$0x0], $0xffff  }
0x74: {  	v8 =	vadd.s32 $0x2800, v7;
	v12 =	vld.idx.msk [tilespmem:v12+s2+$0x0], $0xffff  }
0x75: {  	v59 =	vadd.s32 $0x2800, v10;
	v11 =	vld.idx.msk [tilespmem:v57+s2+$0x0], $0xffff  }
0x76: {  	v15 =	vadd.s32 $0x5000, v1;
	[tilespmem:v13+s20+$0x0] =	vst.idx.add.f32.msk $0xffff, v14  }
0x77: {  	v17 =	vadd.s32 $0x2800, v13;
	v16 =	vld.idx.msk [tilespmem:v16+s2+$0x0], $0xffff  }
0x78: {  	v60 =	vadd.s32 $0x5000, v5;
	[tilespmem:v56+s20+$0x0] =	vst.idx.add.f32.msk $0xffff, v6  }
0x79: {  	v6 =	vadd.s32 $0x5000, v3;
	[tilespmem:v8+s20+$0x0] =	vst.idx.add.f32.msk $0xffff, v12  }
0x7a: {  	v8 =	vadd.s32 $0x5000, v2;
	[tilespmem:v59+s20+$0x0] =	vst.idx.add.f32.msk $0xffff, v11  }
0x7b: {  	v58 =	vadd.s32 $0x5000, v4;
	v9 =	vld.idx.msk [tilespmem:v15+s2+$0x0], $0xffff  }
0x7c: {  	v1 =	vadd.s32 $0x7800, v1;
	[tilespmem:v17+s20+$0x0] =	vst.idx.add.f32.msk $0xffff, v16  }
0x7d: {  	v63 =	vadd.s32 $0x5000, v13;
	v12 =	vld.idx.msk [tilespmem:v60+s2+$0x0], $0xffff  }
0x7e: {  	v61 =	vadd.s32 $0x5000, v7;
	v6 =	vld.idx.msk [tilespmem:v6+s2+$0x0], $0xffff  }
0x7f: {  	v62 =	vadd.s32 $0x5000, v10;
	v8 =	vld.idx.msk [tilespmem:v8+s2+$0x0], $0xffff  }
0x80: {  	v3 =	vadd.s32 $0x7800, v3;
	[tilespmem:v58+s20+$0x0] =	vst.idx.add.f32.msk $0xffff, v9  }
0x81: {  	v4 =	vadd.s32 $0x7800, v4;
	v1 =	vld.idx.msk [tilespmem:v1+s2+$0x0], $0xffff  }
0x82: {  	[tilespmem:v63+s20+$0x0] =	vst.idx.add.f32.msk $0xffff, v12  }
0x83: {  	[tilespmem:v61+s20+$0x0] =	vst.idx.add.f32.msk $0xffff, v6  }
0x84: {  	[tilespmem:v62+s20+$0x0] =	vst.idx.add.f32.msk $0xffff, v8  }
0x85: {  	v5 =	vadd.s32 $0x7800, v5;
	v6 =	vld.idx.msk [tilespmem:v3+s2+$0x0], $0xffff;
	v3 =	vadd.s32 $0x7800, v7  }
0x86: {  	s28 =	simm.s32 $0x14060;
	s26 =	simm.s32 $0x0;
	[tilespmem:v4+s20+$0x0] =	vst.idx.add.f32.msk $0xffff, v1;
	v4 =	vadd.s32 $0x7800, v2;
	v2 =	vadd.s32 $0x7800, v10;
	v1 =	vadd.s32 $0x7800, v13  }
.LBB2_5:
0x87: {  	v7 =	vld [tilespmem:s28+$0x10];
	s26 =	sadd.s32 $0x4, s26  }
0x88: {  	v8 =	vld [tilespmem:s28+$0xFFFFFFF0];
	p0 =	slt.u32 s26, $0x3C  }
0x89: {  	v9 =	vld [tilespmem:s28+$0x0]  }
0x8a: {  	v10 =	vld [tilespmem:s28+$0xFFFFFFE0]  }
0x8b: {  	v11 =	vld.idx.msk [tilespmem:v4+s2+$0x0], $0xffff  }
0x8c: {  	s25 =	sadd.s32 $0x40, s25;
	v12 =	vld.idx.msk [tilespmem:v5+s2+$0x0], $0xffff  }
0x8d: {  	v13 =	vadd.s32 $0x2800, v8;
	v14 =	vadd.s32 $0x5000, v8;
	v4 =	vadd.s32 $0x7800, v8;
	v15 =	vld [tilespmem:s25+$0x10]  }
0x8e: {  	v16 =	vld [tilespmem:s25+$0xFFFFFFE0];
	v17 =	vadd.s32 $0x2800, v9;
	v18 =	vadd.s32 $0x5000, v9;
	v5 =	vadd.s32 $0x7800, v9  }
0x8f: {  	v19 =	vadd.s32 $0x2800, v10;
	v20 =	vadd.s32 $0x5000, v10;
	v21 =	vadd.s32 $0x7800, v10;
	v22 =	vld.idx.msk [tilespmem:v7+s2+$0x0], $0xffff  }
0x90: {  	v8 =	vld.idx.msk [tilespmem:v8+s2+$0x0], $0xffff  }
0x91: {  	v23 =	vadd.s32 $0x2800, v7;
	v9 =	vld.idx.msk [tilespmem:v9+s2+$0x0], $0xffff  }
0x92: {  	v10 =	vld.idx.msk [tilespmem:v10+s2+$0x0], $0xffff  }
0x93: {  	v24 =	vadd.s32 $0x2800, v16;
	v25 =	vadd.s32 $0x5000, v16;
	v26 =	vadd.s32 $0x7800, v16;
	v27 =	vld [tilespmem:s25+$0xFFFFFFF0]  }
0x94: {  	v28 =	vld [tilespmem:s25+$0x0]  }
0x95: {  	[tilespmem:v15+s20+$0x0] =	vst.idx.add.f32.msk $0xffff, v22  }
0x96: {  	v22 =	vld.idx.msk [tilespmem:v23+s2+$0x0], $0xffff  }
0x97: {  	v23 =	vadd.s32 $0x2800, v15;
	[tilespmem:v3+s20+$0x0] =	vst.idx.add.f32.msk $0xffff, v6;
	v3 =	vmov v26  }
0x98: {  	[tilespmem:v16+s20+$0x0] =	vst.idx.add.f32.msk $0xffff, v10;
	v6 =	vadd.s32 $0x2800, v27;
	v10 =	vadd.s32 $0x5000, v27;
	v16 =	vadd.s32 $0x5000, v7  }
0x99: {  	v26 =	vadd.s32 $0x7800, v27;
	v19 =	vld.idx.msk [tilespmem:v19+s2+$0x0], $0xffff;
	v29 =	vadd.s32 $0x2800, v28;
	v30 =	vadd.s32 $0x5000, v28  }
0x9a: {  	v31 =	vadd.s32 $0x7800, v28;
	[tilespmem:v2+s20+$0x0] =	vst.idx.add.f32.msk $0xffff, v11;
	v2 =	vmov v26  }
0x9b: {  	[tilespmem:v27+s20+$0x0] =	vst.idx.add.f32.msk $0xffff, v8  }
0x9c: {  	[tilespmem:v23+s20+$0x0] =	vst.idx.add.f32.msk $0xffff, v22  }
0x9d: {  	v8 =	vld.idx.msk [tilespmem:v16+s2+$0x0], $0xffff  }
0x9e: {  	[tilespmem:v28+s20+$0x0] =	vst.idx.add.f32.msk $0xffff, v9;
	v9 =	vadd.s32 $0x5000, v15  }
0x9f: {  	v7 =	vadd.s32 $0x7800, v7;
	v11 =	vld.idx.msk [tilespmem:v13+s2+$0x0], $0xffff  }
0xa0: {  	v13 =	vld.idx.msk [tilespmem:v17+s2+$0x0], $0xffff  }
0xa1: {  	[tilespmem:v24+s20+$0x0] =	vst.idx.add.f32.msk $0xffff, v19  }
0xa2: {  	v16 =	vld.idx.msk [tilespmem:v20+s2+$0x0], $0xffff  }
0xa3: {  	[tilespmem:v9+s20+$0x0] =	vst.idx.add.f32.msk $0xffff, v8  }
0xa4: {  	v7 =	vld.idx.msk [tilespmem:v7+s2+$0x0], $0xffff  }
0xa5: {  	[tilespmem:v6+s20+$0x0] =	vst.idx.add.f32.msk $0xffff, v11;
	v6 =	vadd.s32 $0x7800, v15  }
0xa6: {  	[tilespmem:v29+s20+$0x0] =	vst.idx.add.f32.msk $0xffff, v13  }
0xa7: {  	v8 =	vld.idx.msk [tilespmem:v14+s2+$0x0], $0xffff  }
0xa8: {  	v9 =	vld.idx.msk [tilespmem:v18+s2+$0x0], $0xffff  }
0xa9: {  	[tilespmem:v25+s20+$0x0] =	vst.idx.add.f32.msk $0xffff, v16  }
.Ltmp1:
0xaa: {  	[tilespmem:v6+s20+$0x0] =	vst.idx.add.f32.msk $0xffff, v7;
	(pc) =	sbr.rel @p0 .LBB2_5-.Ltmp1, $4  }
0xab: {  	v6 =	vld.idx.msk [tilespmem:v21+s2+$0x0], $0xffff  }
0xac: {  	[tilespmem:v1+s20+$0x0] =	vst.idx.add.f32.msk $0xffff, v12;
	v1 =	vmov v31  }
0xad: {  	[tilespmem:v10+s20+$0x0] =	vst.idx.add.f32.msk $0xffff, v8  }
0xae: {  	s28 =	sadd.s32 $0x40, s28;
	[tilespmem:v30+s20+$0x0] =	vst.idx.add.f32.msk $0xffff, v9  }
0xaf: {  	_ =	sdelay $0x3  }
0xb0: {  	v4 =	vld.idx.msk [tilespmem:v4+s2+$0x0], $0xffff  }
0xb1: {  	v5 =	vld.idx.msk [tilespmem:v5+s2+$0x0], $0xffff;
	_ =	sdelay $0x1  }
0xb2: {  	p0 =	sge.u32 s23, s10  }
0xb3: {  	[tilespmem:v3+s20+$0x0] =	vst.idx.add.f32.msk $0xffff, v6;
	s24 =	sadd.s32 @!p0 s24, s11  }
0xb4: {  	s24 =	sshrl.u32 @!p0 s24, $0x3;
	[tilespmem:v2+s20+$0x0] =	vst.idx.add.f32.msk $0xffff, v4  }
0xb5: {  	s26 =	simm.s32 @!p0 $0x0;
	s28 =	simm.s32 @!p0 $0x14000;
	s25 =	sadd.s32 @!p0 s3, s24;
	[tilespmem:v1+s20+$0x0] =	vst.idx.add.f32.msk $0xffff, v5  }
0xb6: {  	[tilespmem:s28], [sflag:$0x1] =	stream.linear.gather @!p0 [hbm4b:s25+s26], $0x400, $0x38;
	[tilespmem:$0x15000] =	vst v63  }
0xb7: {  	s24 =	sadd.s32 @!p0 s4, s24;
	s25 =	simm.s32 @!p0 $0x14400  }
0xb8: {  	[tilespmem:s25], [sflag:$0x1] =	stream.linear.gather @!p0 [hbm4b:s24+s26], $0x400, $0x38;
	[tilespmem:$0x15000] =	vst v63  }
0xb9: {  	_ =	swait.ge [sflag:s14], $0x400  }
0xba: {  	[sflag:s14] =	ssyncset.done $0x0  }
0xbb: {  	[sflag:s14] =	ssyncadd.s32 $0xFFFFFC00  }
0xbc: {  	_ =	swait.ge [sflag:s14], $0x400  }
0xbd: {  	[sflag:s14] =	ssyncset.done $0x0  }
0xbe: {  	s31 =	simm.s32 $0x14820;
	[sflag:s14] =	ssyncadd.s32 $0xFFFFFC00  }
0xbf: {  	v1 =	vld [tilespmem:s31+$0x10]  }
0xc0: {  	v3 =	vld [tilespmem:s31+$0xFFFFFFE0]  }
0xc1: {  	v2 =	vld [tilespmem:s31+$0xFFFFFFF0];
	_ =	sdelay $0x1  }
0xc2: {  	s24 =	simm.s32 $0x14C20;
	v5 =	vld [tilespmem:s31+$0x0]  }
0xc3: {  	v4 =	vld [tilespmem:s24+$0x10]  }
0xc4: {  	v7 =	vld [tilespmem:s24+$0xFFFFFFE0]  }
0xc5: {  	v10 =	vld [tilespmem:s24+$0xFFFFFFF0]  }
0xc6: {  	v6 =	vld.idx.msk [tilespmem:v1+s2+$0x0], $0xffff  }
0xc7: {  	v11 =	vld.idx.msk [tilespmem:v3+s2+$0x0], $0xffff  }
0xc8: {  	v8 =	vld.idx.msk [tilespmem:v2+s2+$0x0], $0xffff  }
0xc9: {  	v13 =	vld [tilespmem:s24+$0x0];
	v9 =	vadd.s32 $0x2800, v1  }
0xca: {  	v12 =	vadd.s32 $0x2800, v3;
	v14 =	vld.idx.msk [tilespmem:v5+s2+$0x0], $0xffff  }
0xcb: {  	v57 =	vadd.s32 $0x2800, v2;
	[tilespmem:v4+s20+$0x0] =	vst.idx.add.f32.msk $0xffff, v6  }
0xcc: {  	[tilespmem:v7+s20+$0x0] =	vst.idx.add.f32.msk $0xffff, v11  }
0xcd: {  	v16 =	vadd.s32 $0x2800, v5;
	[tilespmem:v10+s20+$0x0] =	vst.idx.add.f32.msk $0xffff, v8  }
0xce: {  	v56 =	vadd.s32 $0x2800, v4;
	v6 =	vld.idx.msk [tilespmem:v9+s2+$0x0], $0xffff  }
0xcf: {  	v8 =	vadd.s32 $0x2800, v7;
	v12 =	vld.idx.msk [tilespmem:v12+s2+$0x0], $0xffff  }
0xd0: {  	v59 =	vadd.s32 $0x2800, v10;
	v11 =	vld.idx.msk [tilespmem:v57+s2+$0x0], $0xffff  }
0xd1: {  	v15 =	vadd.s32 $0x5000, v1;
	[tilespmem:v13+s20+$0x0] =	vst.idx.add.f32.msk $0xffff, v14  }
0xd2: {  	v17 =	vadd.s32 $0x2800, v13;
	v16 =	vld.idx.msk [tilespmem:v16+s2+$0x0], $0xffff  }
0xd3: {  	v60 =	vadd.s32 $0x5000, v5;
	[tilespmem:v56+s20+$0x0] =	vst.idx.add.f32.msk $0xffff, v6  }
0xd4: {  	v6 =	vadd.s32 $0x5000, v3;
	[tilespmem:v8+s20+$0x0] =	vst.idx.add.f32.msk $0xffff, v12  }
0xd5: {  	v8 =	vadd.s32 $0x5000, v2;
	[tilespmem:v59+s20+$0x0] =	vst.idx.add.f32.msk $0xffff, v11  }
0xd6: {  	v58 =	vadd.s32 $0x5000, v4;
	v9 =	vld.idx.msk [tilespmem:v15+s2+$0x0], $0xffff  }
0xd7: {  	v1 =	vadd.s32 $0x7800, v1;
	[tilespmem:v17+s20+$0x0] =	vst.idx.add.f32.msk $0xffff, v16  }
0xd8: {  	v63 =	vadd.s32 $0x5000, v13;
	v12 =	vld.idx.msk [tilespmem:v60+s2+$0x0], $0xffff  }
0xd9: {  	v61 =	vadd.s32 $0x5000, v7;
	v6 =	vld.idx.msk [tilespmem:v6+s2+$0x0], $0xffff  }
0xda: {  	v62 =	vadd.s32 $0x5000, v10;
	v8 =	vld.idx.msk [tilespmem:v8+s2+$0x0], $0xffff  }
0xdb: {  	v3 =	vadd.s32 $0x7800, v3;
	[tilespmem:v58+s20+$0x0] =	vst.idx.add.f32.msk $0xffff, v9  }
0xdc: {  	v4 =	vadd.s32 $0x7800, v4;
	v1 =	vld.idx.msk [tilespmem:v1+s2+$0x0], $0xffff  }
0xdd: {  	[tilespmem:v63+s20+$0x0] =	vst.idx.add.f32.msk $0xffff, v12  }
0xde: {  	[tilespmem:v61+s20+$0x0] =	vst.idx.add.f32.msk $0xffff, v6  }
0xdf: {  	[tilespmem:v62+s20+$0x0] =	vst.idx.add.f32.msk $0xffff, v8  }
0xe0: {  	v5 =	vadd.s32 $0x7800, v5;
	v6 =	vld.idx.msk [tilespmem:v3+s2+$0x0], $0xffff;
	v3 =	vadd.s32 $0x7800, v7  }
0xe1: {  	s25 =	simm.s32 $0x0;
	s26 =	simm.s32 $0x14860;
	[tilespmem:v4+s20+$0x0] =	vst.idx.add.f32.msk $0xffff, v1;
	v4 =	vadd.s32 $0x7800, v2;
	v2 =	vadd.s32 $0x7800, v10;
	v1 =	vadd.s32 $0x7800, v13  }
.LBB2_7:
0xe2: {  	v7 =	vld [tilespmem:s26+$0x10];
	s25 =	sadd.s32 $0x4, s25  }
0xe3: {  	v8 =	vld [tilespmem:s26+$0xFFFFFFF0];
	p0 =	slt.u32 s25, $0x3C  }
0xe4: {  	v9 =	vld [tilespmem:s26+$0x0]  }
0xe5: {  	v10 =	vld [tilespmem:s26+$0xFFFFFFE0]  }
0xe6: {  	v11 =	vld.idx.msk [tilespmem:v4+s2+$0x0], $0xffff  }
0xe7: {  	s24 =	sadd.s32 $0x40, s24;
	v12 =	vld.idx.msk [tilespmem:v5+s2+$0x0], $0xffff  }
0xe8: {  	v13 =	vadd.s32 $0x2800, v8;
	v14 =	vadd.s32 $0x5000, v8;
	v4 =	vadd.s32 $0x7800, v8;
	v15 =	vld [tilespmem:s24+$0x10]  }
0xe9: {  	v16 =	vld [tilespmem:s24+$0xFFFFFFE0];
	v17 =	vadd.s32 $0x2800, v9;
	v18 =	vadd.s32 $0x5000, v9;
	v5 =	vadd.s32 $0x7800, v9  }
0xea: {  	v19 =	vadd.s32 $0x2800, v10;
	v20 =	vadd.s32 $0x5000, v10;
	v21 =	vadd.s32 $0x7800, v10;
	v22 =	vld.idx.msk [tilespmem:v7+s2+$0x0], $0xffff  }
0xeb: {  	v8 =	vld.idx.msk [tilespmem:v8+s2+$0x0], $0xffff  }
0xec: {  	v23 =	vadd.s32 $0x2800, v7;
	v9 =	vld.idx.msk [tilespmem:v9+s2+$0x0], $0xffff  }
0xed: {  	v10 =	vld.idx.msk [tilespmem:v10+s2+$0x0], $0xffff  }
0xee: {  	v24 =	vadd.s32 $0x2800, v16;
	v25 =	vadd.s32 $0x5000, v16;
	v26 =	vadd.s32 $0x7800, v16;
	v27 =	vld [tilespmem:s24+$0xFFFFFFF0]  }
0xef: {  	v28 =	vld [tilespmem:s24+$0x0]  }
0xf0: {  	[tilespmem:v15+s20+$0x0] =	vst.idx.add.f32.msk $0xffff, v22  }
0xf1: {  	v22 =	vld.idx.msk [tilespmem:v23+s2+$0x0], $0xffff  }
0xf2: {  	v23 =	vadd.s32 $0x2800, v15;
	[tilespmem:v3+s20+$0x0] =	vst.idx.add.f32.msk $0xffff, v6;
	v3 =	vmov v26  }
0xf3: {  	[tilespmem:v16+s20+$0x0] =	vst.idx.add.f32.msk $0xffff, v10;
	v6 =	vadd.s32 $0x2800, v27;
	v10 =	vadd.s32 $0x5000, v27;
	v16 =	vadd.s32 $0x5000, v7  }
0xf4: {  	v26 =	vadd.s32 $0x7800, v27;
	v19 =	vld.idx.msk [tilespmem:v19+s2+$0x0], $0xffff;
	v29 =	vadd.s32 $0x2800, v28;
	v30 =	vadd.s32 $0x5000, v28  }
0xf5: {  	v31 =	vadd.s32 $0x7800, v28;
	[tilespmem:v2+s20+$0x0] =	vst.idx.add.f32.msk $0xffff, v11;
	v2 =	vmov v26  }
0xf6: {  	[tilespmem:v27+s20+$0x0] =	vst.idx.add.f32.msk $0xffff, v8  }
0xf7: {  	[tilespmem:v23+s20+$0x0] =	vst.idx.add.f32.msk $0xffff, v22  }
0xf8: {  	v8 =	vld.idx.msk [tilespmem:v16+s2+$0x0], $0xffff  }
0xf9: {  	[tilespmem:v28+s20+$0x0] =	vst.idx.add.f32.msk $0xffff, v9;
	v9 =	vadd.s32 $0x5000, v15  }
0xfa: {  	v7 =	vadd.s32 $0x7800, v7;
	v11 =	vld.idx.msk [tilespmem:v13+s2+$0x0], $0xffff  }
0xfb: {  	v13 =	vld.idx.msk [tilespmem:v17+s2+$0x0], $0xffff  }
0xfc: {  	[tilespmem:v24+s20+$0x0] =	vst.idx.add.f32.msk $0xffff, v19  }
0xfd: {  	v16 =	vld.idx.msk [tilespmem:v20+s2+$0x0], $0xffff  }
0xfe: {  	[tilespmem:v9+s20+$0x0] =	vst.idx.add.f32.msk $0xffff, v8  }
0xff: {  	v7 =	vld.idx.msk [tilespmem:v7+s2+$0x0], $0xffff  }
0x100: {  	[tilespmem:v6+s20+$0x0] =	vst.idx.add.f32.msk $0xffff, v11;
	v6 =	vadd.s32 $0x7800, v15  }
0x101: {  	[tilespmem:v29+s20+$0x0] =	vst.idx.add.f32.msk $0xffff, v13  }
0x102: {  	v8 =	vld.idx.msk [tilespmem:v14+s2+$0x0], $0xffff  }
0x103: {  	v9 =	vld.idx.msk [tilespmem:v18+s2+$0x0], $0xffff  }
0x104: {  	[tilespmem:v25+s20+$0x0] =	vst.idx.add.f32.msk $0xffff, v16  }
.Ltmp2:
0x105: {  	[tilespmem:v6+s20+$0x0] =	vst.idx.add.f32.msk $0xffff, v7;
	(pc) =	sbr.rel @p0 .LBB2_7-.Ltmp2, $4  }
0x106: {  	v6 =	vld.idx.msk [tilespmem:v21+s2+$0x0], $0xffff  }
0x107: {  	[tilespmem:v1+s20+$0x0] =	vst.idx.add.f32.msk $0xffff, v12;
	v1 =	vmov v31  }
0x108: {  	[tilespmem:v10+s20+$0x0] =	vst.idx.add.f32.msk $0xffff, v8  }
0x109: {  	s26 =	sadd.s32 $0x40, s26;
	[tilespmem:v30+s20+$0x0] =	vst.idx.add.f32.msk $0xffff, v9  }
0x10a: {  	_ =	sdelay $0x3  }
0x10b: {  	v4 =	vld.idx.msk [tilespmem:v4+s2+$0x0], $0xffff;
	s23 =	sadd.s32 $0x1, s23  }
0x10c: {  	v5 =	vld.idx.msk [tilespmem:v5+s2+$0x0], $0xffff;
	p0 =	sne.s32 s23, s5  }
.Ltmp3:
0x10d: {  	_ = 	snop;
	(pc) =	sbr.rel @p0 .LBB2_4-.Ltmp3, $4  }
0x10e: {  	_ = 	snop  }
0x10f: {  	[tilespmem:v3+s20+$0x0] =	vst.idx.add.f32.msk $0xffff, v6  }
0x110: {  	[tilespmem:v2+s20+$0x0] =	vst.idx.add.f32.msk $0xffff, v4  }
0x111: {  	[tilespmem:v1+s20+$0x0] =	vst.idx.add.f32.msk $0xffff, v5  }
0x112: {  	s22 =	sadd.s32 $0x1, s22  }
0x113: {  	p0 =	sne.s32 s22, s13  }
.Ltmp4:
0x114: {  	_ = 	snop;
	(pc) =	sbr.rel @p0 .LBB2_1-.Ltmp4, $4  }
0x115: {  	[hbm4b:s12+s2] =	stream.linear.scatter [tilespmem:s20], [sflag:$0x3], $0xA000, $0x38;
	[tilespmem:$0x15000] =	vst v63  }
0x116: {  	_ =	swait.ge [sflag:s21], $0xA000  }
0x117: {  	[sflag:s21] =	ssyncset.done $0x0  }
0x118: {  	[sflag:s21] =	ssyncadd.s32 $0xFFFF6000  }
0x119: {  	_ =	sfence.sel $0x180000  }
0x11a: {  	[bflag:$0x0] =	sbarrier.arrive $0xFFFF  }
0x11b: {  	p0 =	sne.s32 s0, $0x0;
	_ =	strace $0x9000004A  }
0x11c: {  	s0 =	sadd.s32 @!p0 $0x100000, s1;
	[bflag:$0x2] =	sbarrier.arrive $0xFFFF  }
0x11d: {  	[sflag:s0] =	ssyncadd.tile.s32 @!p0 $0x1;
	_ =	shalt  }
.Lfunc_end2:
_tile_overlayer_lowered:
.L_overlay_start_2:
0x11e: {  	(tag) =	ssettag $0x2  }
0x11f: {  	s0 =	rddreg [dreg:$0x0];
	s2 =	stileid.u32  }
0x120: {  	s1 =	rddreg [dreg:$0x1];
	p0 =	sne.s32 s2, $0x0  }
0x121: {  	s3 =	rddreg [dreg:$0x2];
	[bflag:$0x3] =	sbarrier.arrive $0xFFFF;
	s2 =	simm.s32 @!p0 $0x1C03  }
0x122: {  	[timem:s3], [sflag:s2] =	dma.local @!p0 [hbm:s0], s1  }
0x123: {  	s0 =	simm.s32 @!p0 $0x3  }
0x124: {  	_ =	swait.ge @!p0 [sflag:s0], s1  }
0x125: {  	s1 =	ssub.s32 @!p0 $0x0, s1;
	[sflag:s0] =	ssyncset.done @!p0 $0x0  }
0x126: {  	[sflag:s0] =	ssyncadd.s32 @!p0 s1  }
0x127: {  	[bflag:$0x3] =	sbarrier.arrive $0xFFFF  }
0x128: {  	_ =	shalt  }

// kernel: kernel.16.cloned.1.call-start
scs
__scs_entry_jumppad:
0x0: {  	(pc) =	sbr.rel $0x88, $3  }
0x1: {  	(tag) =	ssettag $0x0;
	lr =	simm.s32 $0x1  }
0x2: {  	[smem:$0x3F96] =	sst lr;
	_ =	strace $0xD0000000  }
0x3: {  	_ = 	snop  }
0x4: {  	_ = 	snop  }
0x5: {  	_ = 	snop  }
0x6: {  	_ = 	snop  }
0x7: {  	_ = 	snop  }
__scs_overlays_trampoline_lowered:
0x8: {  	[smem:$0x3FA5] =	sst s0  }
0x9: {  	[smem:$0x3FA6] =	sst s1  }
0xa: {  	[smem:$0x3FA7] =	sst s2  }
0xb: {  	[smem:$0x3FA8] =	sst s3  }
0xc: {  	[smem:$0x3FA9] =	sst s4  }
0xd: {  	[smem:$0x3FAA] =	sst s5  }
0xe: {  	[smem:$0x3FAB] =	sst s6  }
0xf: {  	[smem:$0x3FAC] =	sst s7  }
0x10: {  	[smem:$0x3FAD] =	sst s8  }
0x11: {  	[smem:$0x3FAE] =	sst s9;
	s0 =	simm.s32 @!p0 $0x0  }
0x12: {  	s1 =	sld [smem:$0x3F94];
	s0 =	simm.s32 @p0 $0x1  }
0x13: {  	[smem:$0x3FAF] =	sst s0;
	s0 =	simm.s32 @!p1 $0x0  }
0x14: {  	s2 =	sld [smem:$0x3F93];
	s0 =	simm.s32 @p1 $0x1  }
0x15: {  	[smem:$0x3FB0] =	sst s0;
	s0 =	simm.s32 @!p2 $0x0  }
0x16: {  	s3 =	sld [smem:$0x3FDB];
	s0 =	simm.s32 @p2 $0x1  }
0x17: {  	s4 =	simm.s32 $0x1BF5;
	[smem:$0x3FB2] =	sst s0  }
0x18: {  	s0 =	sld [smem:$0x3F95];
	_ =	swait.ge [sflag:s4], $0x0  }
0x19: {  	s7 =	sld [smem:$0x3F96]  }
0x1a: {  	s8 =	sadd.s32 $0xFFFFE003, lr  }
0x1b: {  	s9 =	sadd.s32 $0xFFFFFEF7, lr;
	s5 =	simm.s32 $0xFFFFFFFF;
	p2 =	slt.u32 s8, $0xFFFFF086  }
0x1c: {  	p1 =	slt.u32 s9, $0xF7A;
	s5 =	simm.s32 @!p2 $0x0  }
0x1d: {  	s5 =	simm.s32 @p1 $0x1;
	p0 =	seq.s32 s7, s2  }
0x1e: {  	s7 =	smul.u32 @!p0 $0xF7A, s2;
	p2 =	seq.s32 @!p0 s5, $0x0  }
0x1f: {  	s9 =	smul.u32 $0xF7A, s1;
	s8 =	simm.s32 @!p0 $0x1BF5;
	p2 =	por !p2, p0  }
0x20: {  	[sflag:s8] =	ssyncset.s32 @!p0 $0xFFFFF086;
	s6 =	sadd.s32 @!p0 s3, s7;
	s7 =	simm.s32 @!p0 $0x108  }
0x21: {  	s3 =	sadd.s32 s3, s9;
	s6 =	sadd.s32 @!p0 $0x88, s6;
	s7 =	simm.s32 @p2 $0x1082  }
0x22: {  	[simem:s7], [sflag:s8] =	dma.local @!p0 [hbm:s6], $0xF7A  }
0x23: {  	s9 =	sor.u32 $0xD0000000, s2;
	s6 =	simm.s32 $0x108;
	_ =	swait.ge @!p0 [sflag:s8], $0x0  }
0x24: {  	s3 =	sadd.s32 $0x88, s3;
	s6 =	simm.s32 @!p1 $0x1082;
	[sflag:s4] =	ssyncset.s32 $0xFFFFF086  }
0x25: {  	[simem:s6], [sflag:s4] =	dma.local [hbm:s3], $0xF7A  }
0x26: {  	[smem:$0x3F96] =	sst s1;
	(tag) =	ssettag s2;
	_ =	strace s9  }
0x27: {  	s1 =	sld [smem:$0x3FA6]  }
0x28: {  	s2 =	sld [smem:$0x3FA7]  }
0x29: {  	s4 =	sld [smem:$0x3FA9]  }
0x2a: {  	p0 =	seq.s32 s5, $0x0;
	s5 =	sld [smem:$0x3FAA]  }
0x2b: {  	s6 =	sld [smem:$0x3FAB]  }
0x2c: {  	s7 =	sld [smem:$0x3FAC]  }
0x2d: {  	s3 =	simm.s32 $0x108;
	s8 =	sld [smem:$0x3FAD]  }
0x2e: {  	s3 =	simm.s32 @!p0 $0x1082;
	s9 =	sld [smem:$0x3FAE]  }
0x2f: {  	lr =	sadd.s32 s0, s3;
	s0 =	sld [smem:$0x3FA5]  }
0x30: {  	s3 =	sld [smem:$0x3FA8]  }
0x31: {  	[smem:$0x3FB1] =	sst s10  }
0x32: {  	s10 =	sld [smem:$0x3FAF];
	_ =	sdelay $0x3  }
0x33: {  	p0 =	seq.s32 s10, $0x1;
	s10 =	sld [smem:$0x3FB1];
	_ =	sdelay $0x3  }
0x34: {  	[smem:$0x3FB1] =	sst s10  }
0x35: {  	s10 =	sld [smem:$0x3FB0];
	_ =	sdelay $0x3  }
0x36: {  	p1 =	seq.s32 s10, $0x1;
	s10 =	sld [smem:$0x3FB1];
	_ =	sdelay $0x3  }
0x37: {  	[smem:$0x3FB1] =	sst s10  }
0x38: {  	s10 =	sld [smem:$0x3FB2]  }
0x39: {  	_ = 	snop;
	(pc) =	sbr.ind lr, $3  }
0x3a: {  	_ = 	snop  }
0x3b: {  	_ = 	snop  }
0x3c: {  	p2 =	seq.s32 s10, $0x1;
	s10 =	sld [smem:$0x3FB1]  }
0x3d: {  	_ =	shalt  }
0x3e: {  	_ =	shalt  }
0x3f: {  	_ =	shalt  }
0x40: {  	_ =	shalt  }
0x41: {  	_ =	shalt  }
0x42: {  	_ =	shalt  }
0x43: {  	_ =	shalt  }
0x44: {  	_ =	shalt  }
0x45: {  	_ =	shalt  }
0x46: {  	_ =	shalt  }
0x47: {  	_ =	shalt  }
0x48: {  	_ =	shalt  }
0x49: {  	_ =	shalt  }
0x4a: {  	_ =	shalt  }
0x4b: {  	_ =	shalt  }
0x4c: {  	_ =	shalt  }
0x4d: {  	_ =	shalt  }
0x4e: {  	_ =	shalt  }
0x4f: {  	_ =	shalt  }
0x50: {  	_ =	shalt  }
0x51: {  	_ =	shalt  }
0x52: {  	_ =	shalt  }
0x53: {  	_ =	shalt  }
0x54: {  	_ =	shalt  }
0x55: {  	_ =	shalt  }
0x56: {  	_ =	shalt  }
0x57: {  	_ =	shalt  }
0x58: {  	_ =	shalt  }
0x59: {  	_ =	shalt  }
0x5a: {  	_ =	shalt  }
0x5b: {  	_ =	shalt  }
0x5c: {  	_ =	shalt  }
0x5d: {  	_ =	shalt  }
0x5e: {  	_ =	shalt  }
0x5f: {  	_ =	shalt  }
0x60: {  	_ =	shalt  }
0x61: {  	_ =	shalt  }
0x62: {  	_ =	shalt  }
0x63: {  	_ =	shalt  }
0x64: {  	_ =	shalt  }
0x65: {  	_ =	shalt  }
0x66: {  	_ =	shalt  }
0x67: {  	_ =	shalt  }
0x68: {  	_ =	shalt  }
0x69: {  	_ =	shalt  }
0x6a: {  	_ =	shalt  }
0x6b: {  	_ =	shalt  }
0x6c: {  	_ =	shalt  }
0x6d: {  	_ =	shalt  }
0x6e: {  	_ =	shalt  }
0x6f: {  	_ =	shalt  }
0x70: {  	_ =	shalt  }
0x71: {  	_ =	shalt  }
0x72: {  	_ =	shalt  }
0x73: {  	_ =	shalt  }
0x74: {  	_ =	shalt  }
0x75: {  	_ =	shalt  }
0x76: {  	_ =	shalt  }
0x77: {  	_ =	shalt  }
0x78: {  	_ =	shalt  }
0x79: {  	_ =	shalt  }
0x7a: {  	_ =	shalt  }
0x7b: {  	_ =	shalt  }
0x7c: {  	_ =	shalt  }
0x7d: {  	_ =	shalt  }
0x7e: {  	_ =	shalt  }
0x7f: {  	_ =	shalt  }
0x80: {  	_ =	shalt  }
0x81: {  	_ =	shalt  }
0x82: {  	_ =	shalt  }
0x83: {  	_ =	shalt  }
0x84: {  	_ =	shalt  }
0x85: {  	_ =	shalt  }
0x86: {  	_ =	shalt  }
0x87: {  	_ =	shalt  }
.Lfunc_end0:
.L_simem_size_0:
called_computation.2_lowered:
.L_overlay_start_0:
0x88: {  	s2 =	sld [smem:$0x3FD9]  }
0x89: {  	s3 =	sld [smem:$0x3FFE];
	_ =	sdelay $0x1  }
0x8a: {  	s1 =	srdreg.scid  }
0x8b: {  	s0 =	sand.u32 $0x1, s1  }
0x8c: {  	s16 =	sshll.u32 s0, $0xA;
	s2 =	sadd.s32 s3, s2  }
0x8d: {  	s2 =	sadd.s32 s2, s16  }
0x8e: {  	[smem:$0x3FBD] =	sst s2  }
0x8f: {  	_ = 	snop  }
0x90: {  	(tm) =	ssettm $0x1  }
0x91: {  	s17 =	sld [smem:$0x3FFB];
	_ =	sdelay $0x3  }
0x92: {  	_ =	strace s17  }
0x93: {  	s2 =	sld [smem:$0x3FFC];
	_ =	sdelay $0x3  }
0x94: {  	_ =	strace s2  }
0x95: {  	s2 =	sld [smem:$0x3FFD];
	_ =	sdelay $0x3  }
0x96: {  	_ =	strace s2  }
0x97: {  	_ =	strace $0x8FFFFFFF  }
0x98: {  	s18 =	sld [smem:$0x3FDB];
	_ =	sdelay $0x1  }
0x99: {  	s19 =	simm.s32 $_scs_section_size  }
0x9a: {  	s4 =	simm.s32 $_size__tile_overlayer_lowered;
	s5 =	simm.s32 $_tile_overlayer_lowered  }
0x9b: {  	s22 =	simm.s32 $0x1BFF;
	s21 =	sshll.u32 s5, $0x1;
	s2 =	sadd.s32 s19, s18  }
0x9c: {  	s6 =	simm.s32 $0x0;
	s20 =	sshll.u32 s4, $0x1;
	s4 =	sadd.s32 s21, s2  }
0x9d: {  	[timem:s6], [sflag:s22] =	dma.local [hbm:s4], s20  }
0x9e: {  	_ =	swait.ge [sflag:s22], s20  }
0x9f: {  	s3 =	ssub.s32 $0x0, s20;
	[sflag:s22] =	ssyncset.done $0x0  }
0xa0: {  	[sflag:s22] =	ssyncadd.s32 s3;
	_ =	sdelay $0x1  }
0xa1: {  	s23 =	simm.s32 $0x1B8B  }
0xa2: {  	_ =	swait.ge [sflag:s23], $0x1  }
0xa3: {  	[sflag:s23] =	ssyncset.done $0x0  }
0xa4: {  	s25 =	simm.s32 $0x1B8E;
	s24 =	sld [smem:$0x3FFE];
	[sflag:s23] =	ssyncadd.s32 $0xFFFFFFFF  }
0xa5: {  	s26 =	simm.s32 $execute0_lowered;
	[smem:$0x3FD2] =	sst s25  }
0xa6: {  	s4 =	sshll.u32 s26, $0x1;
	_ =	strace $0x8000004C;
	[dreg:$0x1] =	wrdreg $0xFFFFFFFF  }
0xa7: {  	s28 =	simm.s32 $_size_execute0_lowered;
	s2 =	sadd.s32 s2, s4;
	[dreg:$0x0] =	wrdreg $0x0  }
0xa8: {  	s4 =	sshll.u32 s28, $0x1;
	[dreg:$0x2] =	wrdreg s2  }
0xa9: {  	[dreg:$0x3] =	wrdreg s4  }
0xaa: {  	[dreg:$0x4] =	wrdreg $0xC0  }
0xab: {  	_ =	task [dreg:s6], $0x5FFFF  }
0xac: {  	[dreg:$0x1] =	wrdreg $0xFFFFFFFF  }
0xad: {  	[dreg:$0x0] =	wrdreg $0x60  }
0xae: {  	[dreg:$0x2] =	wrdreg s24  }
0xaf: {  	[dreg:$0x3] =	wrdreg $0x9  }
0xb0: {  	_ =	task.clear_ibuf [dreg:s6], $0x4FFFF;
	_ =	strace $0x9000004C  }
0xb1: {  	s29 =	simm.s32 $0x9;
	_ =	strace $0x8000004E  }
0xb2: {  	_ =	swait.ge [sflag:s29], $0x1  }
0xb3: {  	[sflag:s29] =	ssyncadd.s32 $0xFFFFFFFF  }
0xb4: {  	_ =	strace $0x9000004E  }
0xb5: {  	_ =	sfence  }
0xb6: {  	s30 =	sld [smem:$0x0];
	_ =	sdelay $0x2  }
0xb7: {  	s31 =	sshll.u32 s1, $0xD;
	s1 =	sshrl.u32 s1, $0x2  }
0xb8: {  	s3 =	sand.u32 $0x4000, s31;
	s1 =	sadd.s32 s1, s30  }
0xb9: {  	s0 =	sor.u32 s3, s0;
	s1 =	sshll.u32 s1, $0x11  }
0xba: {  	s0 =	sor.u32 s1, s0  }
0xbb: {  	s0 =	sadd.s32 $0x8F2B, s0  }
0xbc: {  	[sflag:s0] =	ssyncadd.remote.s32 $0x1  }
0xbd: {  	_ =	sfence.sel $0xFFFF  }
0xbe: {  	[dreg:$0x0] =	wrdreg $0xFFFFFFFF;
	(pc) =	sbr.abs _section_cstart, $3  }
0xbf: {  	[dreg:$0x1] =	wrdreg $0xFFFFFFFF  }
0xc0: {  	_ =	task.clear_ibuf [dreg:s6], $0x2FFFF;
	_ =	strace $0x9FFFFFFF  }
0xc1: {  	(tm) =	ssettm $0x7FFFFFFF  }
tec
execute0_lowered:
.L_overlay_start_1:
0x0: {  	(tag) =	ssettag $0x1  }
0x1: {  	s5 =	rddreg [dreg:$0x0];
	s0 =	stileid.u32  }
0x2: {  	s3 =	srdreg.scid;
	s1 =	rddreg [dreg:$0x1]  }
0x3: {  	s2 =	simm.s32 $0x0;
	s14 =	simm.s32 $0x2;
	s15 =	simm.s32 $0x14000  }
0x4: {  	s16 =	simm.s32 $0x14400;
	s17 =	simm.s32 $0x14800;
	s18 =	simm.s32 $0x14C00  }
0x5: {  	s19 =	simm.s32 $0x1;
	s20 =	simm.s32 $0xA000;
	s21 =	simm.s32 $0x3  }
0x6: {  	s22 =	simm.s32 $0x0;
	s6 =	smul.u32 $0xA000, s0;
	s7 =	sand.u32 $0x1, s3  }
0x7: {  	[smem:$0x7FF] =	sst s2;
	s3 =	sadd.s32 $0x16600, s5;
	s4 =	sadd.s32 $0x2600, s5  }
0x8: {  	s8 =	smul.u32 $0xA0000, s7;
	_ =	strace $0x8000004D;
	s29 =	ssub.s32 $0x2, s7  }
0x9: {  	s10 =	ssub.s32 $0x0, s7;
	p0 =	seq.s32 s7, $0x0;
	s28 =	sshrl.u32 s6, $0x3  }
0xa: {  	s11 =	sshrl.u32 s29, $0x1;
	s30 =	sand.u32 $0x2D000, s10;
	s9 =	sadd.s32 s28, s5  }
0xb: {  	s6 =	sadd.s32 s6, s8;
	s13 =	ssub.s32 s29, s11;
	s31 =	sshrl.u32 s30, $0x3  }
0xc: {  	s11 =	sor.u32 $0x800, s30;
	s6 =	sshrl.u32 s6, $0x3;
	s7 =	sadd.s32 s3, s31  }
0xd: {  	s8 =	sadd.s32 s4, s31;
	s12 =	sadd.s32 s6, s5;
	s5 =	simm.s32 $0x5A  }
0xe: {  	s13 =	smax.u32 s13, $0x1;
	s6 =	sadd.s32 $0x20600, s9;
	s5 =	simm.s32 @!p0 $0x46  }
0xf: {  	v0 =	vimm.f32 $0.0e+00;
	s9 =	sor.u32 $0x400, s30;
	s12 =	sadd.s32 $0x34600, s12;
	s10 =	sadd.s32 $0xFFFFFFFF, s5  }
.LBB2_1:
0x10: {  	[tilespmem:s2], [sflag:$0x2] =	stream.linear.gather [hbm4b:s6+s2], $0xA000, $0x38;
	[tilespmem:$0x15000] =	vst v63  }
0x11: {  	[tilespmem:s20+$0x0] =	vst v0  }
0x12: {  	[tilespmem:s20+$0x7870] =	vst v0  }
0x13: {  	[tilespmem:s20+$0x5070] =	vst v0  }
0x14: {  	[tilespmem:s20+$0x2870] =	vst v0  }
0x15: {  	[tilespmem:s20+$0x70] =	vst v0  }
0x16: {  	[tilespmem:s20+$0x7860] =	vst v0  }
0x17: {  	[tilespmem:s20+$0x5060] =	vst v0  }
0x18: {  	[tilespmem:s20+$0x2860] =	vst v0  }
0x19: {  	[tilespmem:s20+$0x60] =	vst v0  }
0x1a: {  	[tilespmem:s20+$0x7850] =	vst v0  }
0x1b: {  	[tilespmem:s20+$0x5050] =	vst v0  }
0x1c: {  	[tilespmem:s20+$0x2850] =	vst v0  }
0x1d: {  	[tilespmem:s20+$0x50] =	vst v0  }
0x1e: {  	[tilespmem:s20+$0x7840] =	vst v0  }
0x1f: {  	[tilespmem:s20+$0x5040] =	vst v0  }
0x20: {  	[tilespmem:s20+$0x2840] =	vst v0  }
0x21: {  	[tilespmem:s20+$0x40] =	vst v0  }
0x22: {  	[tilespmem:s20+$0x7830] =	vst v0  }
0x23: {  	[tilespmem:s20+$0x5030] =	vst v0  }
0x24: {  	[tilespmem:s20+$0x2830] =	vst v0  }
0x25: {  	[tilespmem:s20+$0x30] =	vst v0  }
0x26: {  	[tilespmem:s20+$0x7820] =	vst v0  }
0x27: {  	[tilespmem:s20+$0x5020] =	vst v0  }
0x28: {  	[tilespmem:s20+$0x2820] =	vst v0  }
0x29: {  	[tilespmem:s20+$0x20] =	vst v0  }
0x2a: {  	[tilespmem:s20+$0x7810] =	vst v0  }
0x2b: {  	[tilespmem:s20+$0x5010] =	vst v0  }
0x2c: {  	[tilespmem:s20+$0x2810] =	vst v0  }
0x2d: {  	[tilespmem:s20+$0x10] =	vst v0  }
0x2e: {  	[tilespmem:s20+$0x7800] =	vst v0  }
0x2f: {  	s23 =	simm.s32 $0x0;
	s24 =	simm.s32 $0xA000;
	[tilespmem:s20+$0x5000] =	vst v0  }
.LBB2_2:
0x30: {  	s23 =	sadd.s32 $0x8, s23;
	[tilespmem:s24+$0x2800] =	vst v0;
	s24 =	sadd.s32 $0x80, s24  }
0x31: {  	[tilespmem:s24+$0x0] =	vst v0;
	p0 =	slt.u32 s23, $0x278  }
0x32: {  	[tilespmem:s24+$0x7870] =	vst v0  }
0x33: {  	[tilespmem:s24+$0x5070] =	vst v0  }
0x34: {  	[tilespmem:s24+$0x2870] =	vst v0  }
0x35: {  	[tilespmem:s24+$0x70] =	vst v0  }
0x36: {  	[tilespmem:s24+$0x7860] =	vst v0  }
0x37: {  	[tilespmem:s24+$0x5060] =	vst v0  }
0x38: {  	[tilespmem:s24+$0x2860] =	vst v0  }
0x39: {  	[tilespmem:s24+$0x60] =	vst v0  }
0x3a: {  	[tilespmem:s24+$0x7850] =	vst v0  }
0x3b: {  	[tilespmem:s24+$0x5050] =	vst v0  }
0x3c: {  	[tilespmem:s24+$0x2850] =	vst v0  }
0x3d: {  	[tilespmem:s24+$0x50] =	vst v0  }
0x3e: {  	[tilespmem:s24+$0x7840] =	vst v0  }
0x3f: {  	[tilespmem:s24+$0x5040] =	vst v0  }
0x40: {  	[tilespmem:s24+$0x2840] =	vst v0  }
0x41: {  	[tilespmem:s24+$0x40] =	vst v0  }
0x42: {  	[tilespmem:s24+$0x7830] =	vst v0  }
0x43: {  	[tilespmem:s24+$0x5030] =	vst v0  }
0x44: {  	[tilespmem:s24+$0x2830] =	vst v0  }
0x45: {  	[tilespmem:s24+$0x30] =	vst v0  }
0x46: {  	[tilespmem:s24+$0x7820] =	vst v0  }
0x47: {  	[tilespmem:s24+$0x5020] =	vst v0  }
0x48: {  	[tilespmem:s24+$0x2820] =	vst v0  }
0x49: {  	[tilespmem:s24+$0x20] =	vst v0  }
0x4a: {  	[tilespmem:s24+$0x7810] =	vst v0  }
.Ltmp0:
0x4b: {  	[tilespmem:s24+$0x5010] =	vst v0;
	(pc) =	sbr.rel @p0 .LBB2_2-.Ltmp0, $4  }
0x4c: {  	[tilespmem:s24+$0x2810] =	vst v0  }
0x4d: {  	[tilespmem:s24+$0x10] =	vst v0  }
0x4e: {  	[tilespmem:s24+$0x7800] =	vst v0  }
0x4f: {  	[tilespmem:s24+$0x5000] =	vst v0  }
0x50: {  	[tilespmem:s24+$0x2800] =	vst v0  }
0x51: {  	_ =	swait.ge [sflag:s14], $0xA000  }
0x52: {  	[sflag:s14] =	ssyncset.done $0x0  }
0x53: {  	s23 =	simm.s32 $0x0;
	[sflag:s14] =	ssyncadd.s32 $0xFFFF6000  }
0x54: {  	[tilespmem:s15], [sflag:$0x1] =	stream.linear.gather [hbm4b:s7+s23], $0x400, $0x38;
	[tilespmem:$0x15000] =	vst v63  }
0x55: {  	_ = 	snop  }
0x56: {  	[tilespmem:s16], [sflag:$0x1] =	stream.linear.gather [hbm4b:s8+s23], $0x400, $0x38;
	[tilespmem:$0x15000] =	vst v63  }
.LBB2_4:
0x57: {  	s24 =	sshll.u32 s23, $0xB  }
0x58: {  	s25 =	sadd.s32 s24, s9  }
0x59: {  	s25 =	sshrl.u32 s25, $0x3  }
0x5a: {  	s26 =	sadd.s32 s3, s25  }
0x5b: {  	[tilespmem:s17], [sflag:$0x2] =	stream.linear.gather [hbm4b:s26+s2], $0x400, $0x38;
	[tilespmem:$0x15000] =	vst v63  }
0x5c: {  	s25 =	sadd.s32 s4, s25  }
0x5d: {  	[tilespmem:s18], [sflag:$0x2] =	stream.linear.gather [hbm4b:s25+s2], $0x400, $0x38;
	[tilespmem:$0x15000] =	vst v63  }
0x5e: {  	_ =	swait.ge [sflag:s19], $0x400  }
0x5f: {  	[sflag:s19] =	ssyncset.done $0x0  }
0x60: {  	[sflag:s19] =	ssyncadd.s32 $0xFFFFFC00  }
0x61: {  	_ =	swait.ge [sflag:s19], $0x400  }
0x62: {  	[sflag:s19] =	ssyncset.done $0x0  }
0x63: {  	s31 =	simm.s32 $0x14020;
	[sflag:s19] =	ssyncadd.s32 $0xFFFFFC00  }
0x64: {  	v1 =	vld [tilespmem:s31+$0x10]  }
0x65: {  	v3 =	vld [tilespmem:s31+$0xFFFFFFE0]  }
0x66: {  	v2 =	vld [tilespmem:s31+$0xFFFFFFF0];
	_ =	sdelay $0x1  }
0x67: {  	s25 =	simm.s32 $0x14420;
	v5 =	vld [tilespmem:s31+$0x0]  }
0x68: {  	v4 =	vld [tilespmem:s25+$0x10]  }
0x69: {  	v7 =	vld [tilespmem:s25+$0xFFFFFFE0]  }
0x6a: {  	v10 =	vld [tilespmem:s25+$0xFFFFFFF0]  }
0x6b: {  	v6 =	vld.idx.msk [tilespmem:v1+s2+$0x0], $0xffff  }
0x6c: {  	v11 =	vld.idx.msk [tilespmem:v3+s2+$0x0], $0xffff  }
0x6d: {  	v8 =	vld.idx.msk [tilespmem:v2+s2+$0x0], $0xffff  }
0x6e: {  	v13 =	vld [tilespmem:s25+$0x0];
	v9 =	vadd.s32 $0x2800, v1  }
0x6f: {  	v12 =	vadd.s32 $0x2800, v3;
	v14 =	vld.idx.msk [tilespmem:v5+s2+$0x0], $0xffff  }
0x70: {  	v57 =	vadd.s32 $0x2800, v2;
	[tilespmem:v4+s20+$0x0] =	vst.idx.add.f32.msk $0xffff, v6  }
0x71: {  	[tilespmem:v7+s20+$0x0] =	vst.idx.add.f32.msk $0xffff, v11  }
0x72: {  	v16 =	vadd.s32 $0x2800, v5;
	[tilespmem:v10+s20+$0x0] =	vst.idx.add.f32.msk $0xffff, v8  }
0x73: {  	v56 =	vadd.s32 $0x2800, v4;
	v6 =	vld.idx.msk [tilespmem:v9+s2+$0x0], $0xffff  }
0x74: {  	v8 =	vadd.s32 $0x2800, v7;
	v12 =	vld.idx.msk [tilespmem:v12+s2+$0x0], $0xffff  }
0x75: {  	v59 =	vadd.s32 $0x2800, v10;
	v11 =	vld.idx.msk [tilespmem:v57+s2+$0x0], $0xffff  }
0x76: {  	v15 =	vadd.s32 $0x5000, v1;
	[tilespmem:v13+s20+$0x0] =	vst.idx.add.f32.msk $0xffff, v14  }
0x77: {  	v17 =	vadd.s32 $0x2800, v13;
	v16 =	vld.idx.msk [tilespmem:v16+s2+$0x0], $0xffff  }
0x78: {  	v60 =	vadd.s32 $0x5000, v5;
	[tilespmem:v56+s20+$0x0] =	vst.idx.add.f32.msk $0xffff, v6  }
0x79: {  	v6 =	vadd.s32 $0x5000, v3;
	[tilespmem:v8+s20+$0x0] =	vst.idx.add.f32.msk $0xffff, v12  }
0x7a: {  	v8 =	vadd.s32 $0x5000, v2;
	[tilespmem:v59+s20+$0x0] =	vst.idx.add.f32.msk $0xffff, v11  }
0x7b: {  	v58 =	vadd.s32 $0x5000, v4;
	v9 =	vld.idx.msk [tilespmem:v15+s2+$0x0], $0xffff  }
0x7c: {  	v1 =	vadd.s32 $0x7800, v1;
	[tilespmem:v17+s20+$0x0] =	vst.idx.add.f32.msk $0xffff, v16  }
0x7d: {  	v63 =	vadd.s32 $0x5000, v13;
	v12 =	vld.idx.msk [tilespmem:v60+s2+$0x0], $0xffff  }
0x7e: {  	v61 =	vadd.s32 $0x5000, v7;
	v6 =	vld.idx.msk [tilespmem:v6+s2+$0x0], $0xffff  }
0x7f: {  	v62 =	vadd.s32 $0x5000, v10;
	v8 =	vld.idx.msk [tilespmem:v8+s2+$0x0], $0xffff  }
0x80: {  	v3 =	vadd.s32 $0x7800, v3;
	[tilespmem:v58+s20+$0x0] =	vst.idx.add.f32.msk $0xffff, v9  }
0x81: {  	v4 =	vadd.s32 $0x7800, v4;
	v1 =	vld.idx.msk [tilespmem:v1+s2+$0x0], $0xffff  }
0x82: {  	[tilespmem:v63+s20+$0x0] =	vst.idx.add.f32.msk $0xffff, v12  }
0x83: {  	[tilespmem:v61+s20+$0x0] =	vst.idx.add.f32.msk $0xffff, v6  }
0x84: {  	[tilespmem:v62+s20+$0x0] =	vst.idx.add.f32.msk $0xffff, v8  }
0x85: {  	v5 =	vadd.s32 $0x7800, v5;
	v6 =	vld.idx.msk [tilespmem:v3+s2+$0x0], $0xffff;
	v3 =	vadd.s32 $0x7800, v7  }
0x86: {  	s28 =	simm.s32 $0x14060;
	s26 =	simm.s32 $0x0;
	[tilespmem:v4+s20+$0x0] =	vst.idx.add.f32.msk $0xffff, v1;
	v4 =	vadd.s32 $0x7800, v2;
	v2 =	vadd.s32 $0x7800, v10;
	v1 =	vadd.s32 $0x7800, v13  }
.LBB2_5:
0x87: {  	v7 =	vld [tilespmem:s28+$0x10];
	s26 =	sadd.s32 $0x4, s26  }
0x88: {  	v8 =	vld [tilespmem:s28+$0xFFFFFFF0];
	p0 =	slt.u32 s26, $0x3C  }
0x89: {  	v9 =	vld [tilespmem:s28+$0x0]  }
0x8a: {  	v10 =	vld [tilespmem:s28+$0xFFFFFFE0]  }
0x8b: {  	v11 =	vld.idx.msk [tilespmem:v4+s2+$0x0], $0xffff  }
0x8c: {  	s25 =	sadd.s32 $0x40, s25;
	v12 =	vld.idx.msk [tilespmem:v5+s2+$0x0], $0xffff  }
0x8d: {  	v13 =	vadd.s32 $0x2800, v8;
	v14 =	vadd.s32 $0x5000, v8;
	v4 =	vadd.s32 $0x7800, v8;
	v15 =	vld [tilespmem:s25+$0x10]  }
0x8e: {  	v16 =	vld [tilespmem:s25+$0xFFFFFFE0];
	v17 =	vadd.s32 $0x2800, v9;
	v18 =	vadd.s32 $0x5000, v9;
	v5 =	vadd.s32 $0x7800, v9  }
0x8f: {  	v19 =	vadd.s32 $0x2800, v10;
	v20 =	vadd.s32 $0x5000, v10;
	v21 =	vadd.s32 $0x7800, v10;
	v22 =	vld.idx.msk [tilespmem:v7+s2+$0x0], $0xffff  }
0x90: {  	v8 =	vld.idx.msk [tilespmem:v8+s2+$0x0], $0xffff  }
0x91: {  	v23 =	vadd.s32 $0x2800, v7;
	v9 =	vld.idx.msk [tilespmem:v9+s2+$0x0], $0xffff  }
0x92: {  	v10 =	vld.idx.msk [tilespmem:v10+s2+$0x0], $0xffff  }
0x93: {  	v24 =	vadd.s32 $0x2800, v16;
	v25 =	vadd.s32 $0x5000, v16;
	v26 =	vadd.s32 $0x7800, v16;
	v27 =	vld [tilespmem:s25+$0xFFFFFFF0]  }
0x94: {  	v28 =	vld [tilespmem:s25+$0x0]  }
0x95: {  	[tilespmem:v15+s20+$0x0] =	vst.idx.add.f32.msk $0xffff, v22  }
0x96: {  	v22 =	vld.idx.msk [tilespmem:v23+s2+$0x0], $0xffff  }
0x97: {  	v23 =	vadd.s32 $0x2800, v15;
	[tilespmem:v3+s20+$0x0] =	vst.idx.add.f32.msk $0xffff, v6;
	v3 =	vmov v26  }
0x98: {  	[tilespmem:v16+s20+$0x0] =	vst.idx.add.f32.msk $0xffff, v10;
	v6 =	vadd.s32 $0x2800, v27;
	v10 =	vadd.s32 $0x5000, v27;
	v16 =	vadd.s32 $0x5000, v7  }
0x99: {  	v26 =	vadd.s32 $0x7800, v27;
	v19 =	vld.idx.msk [tilespmem:v19+s2+$0x0], $0xffff;
	v29 =	vadd.s32 $0x2800, v28;
	v30 =	vadd.s32 $0x5000, v28  }
0x9a: {  	v31 =	vadd.s32 $0x7800, v28;
	[tilespmem:v2+s20+$0x0] =	vst.idx.add.f32.msk $0xffff, v11;
	v2 =	vmov v26  }
0x9b: {  	[tilespmem:v27+s20+$0x0] =	vst.idx.add.f32.msk $0xffff, v8  }
0x9c: {  	[tilespmem:v23+s20+$0x0] =	vst.idx.add.f32.msk $0xffff, v22  }
0x9d: {  	v8 =	vld.idx.msk [tilespmem:v16+s2+$0x0], $0xffff  }
0x9e: {  	[tilespmem:v28+s20+$0x0] =	vst.idx.add.f32.msk $0xffff, v9;
	v9 =	vadd.s32 $0x5000, v15  }
0x9f: {  	v7 =	vadd.s32 $0x7800, v7;
	v11 =	vld.idx.msk [tilespmem:v13+s2+$0x0], $0xffff  }
0xa0: {  	v13 =	vld.idx.msk [tilespmem:v17+s2+$0x0], $0xffff  }
0xa1: {  	[tilespmem:v24+s20+$0x0] =	vst.idx.add.f32.msk $0xffff, v19  }
0xa2: {  	v16 =	vld.idx.msk [tilespmem:v20+s2+$0x0], $0xffff  }
0xa3: {  	[tilespmem:v9+s20+$0x0] =	vst.idx.add.f32.msk $0xffff, v8  }
0xa4: {  	v7 =	vld.idx.msk [tilespmem:v7+s2+$0x0], $0xffff  }
0xa5: {  	[tilespmem:v6+s20+$0x0] =	vst.idx.add.f32.msk $0xffff, v11;
	v6 =	vadd.s32 $0x7800, v15  }
0xa6: {  	[tilespmem:v29+s20+$0x0] =	vst.idx.add.f32.msk $0xffff, v13  }
0xa7: {  	v8 =	vld.idx.msk [tilespmem:v14+s2+$0x0], $0xffff  }
0xa8: {  	v9 =	vld.idx.msk [tilespmem:v18+s2+$0x0], $0xffff  }
0xa9: {  	[tilespmem:v25+s20+$0x0] =	vst.idx.add.f32.msk $0xffff, v16  }
.Ltmp1:
0xaa: {  	[tilespmem:v6+s20+$0x0] =	vst.idx.add.f32.msk $0xffff, v7;
	(pc) =	sbr.rel @p0 .LBB2_5-.Ltmp1, $4  }
0xab: {  	v6 =	vld.idx.msk [tilespmem:v21+s2+$0x0], $0xffff  }
0xac: {  	[tilespmem:v1+s20+$0x0] =	vst.idx.add.f32.msk $0xffff, v12;
	v1 =	vmov v31  }
0xad: {  	[tilespmem:v10+s20+$0x0] =	vst.idx.add.f32.msk $0xffff, v8  }
0xae: {  	s28 =	sadd.s32 $0x40, s28;
	[tilespmem:v30+s20+$0x0] =	vst.idx.add.f32.msk $0xffff, v9  }
0xaf: {  	_ =	sdelay $0x3  }
0xb0: {  	v4 =	vld.idx.msk [tilespmem:v4+s2+$0x0], $0xffff  }
0xb1: {  	v5 =	vld.idx.msk [tilespmem:v5+s2+$0x0], $0xffff;
	_ =	sdelay $0x1  }
0xb2: {  	p0 =	sge.u32 s23, s10  }
0xb3: {  	[tilespmem:v3+s20+$0x0] =	vst.idx.add.f32.msk $0xffff, v6;
	s24 =	sadd.s32 @!p0 s24, s11  }
0xb4: {  	s24 =	sshrl.u32 @!p0 s24, $0x3;
	[tilespmem:v2+s20+$0x0] =	vst.idx.add.f32.msk $0xffff, v4  }
0xb5: {  	s26 =	simm.s32 @!p0 $0x0;
	s28 =	simm.s32 @!p0 $0x14000;
	s25 =	sadd.s32 @!p0 s3, s24;
	[tilespmem:v1+s20+$0x0] =	vst.idx.add.f32.msk $0xffff, v5  }
0xb6: {  	[tilespmem:s28], [sflag:$0x1] =	stream.linear.gather @!p0 [hbm4b:s25+s26], $0x400, $0x38;
	[tilespmem:$0x15000] =	vst v63  }
0xb7: {  	s24 =	sadd.s32 @!p0 s4, s24;
	s25 =	simm.s32 @!p0 $0x14400  }
0xb8: {  	[tilespmem:s25], [sflag:$0x1] =	stream.linear.gather @!p0 [hbm4b:s24+s26], $0x400, $0x38;
	[tilespmem:$0x15000] =	vst v63  }
0xb9: {  	_ =	swait.ge [sflag:s14], $0x400  }
0xba: {  	[sflag:s14] =	ssyncset.done $0x0  }
0xbb: {  	[sflag:s14] =	ssyncadd.s32 $0xFFFFFC00  }
0xbc: {  	_ =	swait.ge [sflag:s14], $0x400  }
0xbd: {  	[sflag:s14] =	ssyncset.done $0x0  }
0xbe: {  	s31 =	simm.s32 $0x14820;
	[sflag:s14] =	ssyncadd.s32 $0xFFFFFC00  }
0xbf: {  	v1 =	vld [tilespmem:s31+$0x10]  }
0xc0: {  	v3 =	vld [tilespmem:s31+$0xFFFFFFE0]  }
0xc1: {  	v2 =	vld [tilespmem:s31+$0xFFFFFFF0];
	_ =	sdelay $0x1  }
0xc2: {  	s24 =	simm.s32 $0x14C20;
	v5 =	vld [tilespmem:s31+$0x0]  }
0xc3: {  	v4 =	vld [tilespmem:s24+$0x10]  }
0xc4: {  	v7 =	vld [tilespmem:s24+$0xFFFFFFE0]  }
0xc5: {  	v10 =	vld [tilespmem:s24+$0xFFFFFFF0]  }
0xc6: {  	v6 =	vld.idx.msk [tilespmem:v1+s2+$0x0], $0xffff  }
0xc7: {  	v11 =	vld.idx.msk [tilespmem:v3+s2+$0x0], $0xffff  }
0xc8: {  	v8 =	vld.idx.msk [tilespmem:v2+s2+$0x0], $0xffff  }
0xc9: {  	v13 =	vld [tilespmem:s24+$0x0];
	v9 =	vadd.s32 $0x2800, v1  }
0xca: {  	v12 =	vadd.s32 $0x2800, v3;
	v14 =	vld.idx.msk [tilespmem:v5+s2+$0x0], $0xffff  }
0xcb: {  	v57 =	vadd.s32 $0x2800, v2;
	[tilespmem:v4+s20+$0x0] =	vst.idx.add.f32.msk $0xffff, v6  }
0xcc: {  	[tilespmem:v7+s20+$0x0] =	vst.idx.add.f32.msk $0xffff, v11  }
0xcd: {  	v16 =	vadd.s32 $0x2800, v5;
	[tilespmem:v10+s20+$0x0] =	vst.idx.add.f32.msk $0xffff, v8  }
0xce: {  	v56 =	vadd.s32 $0x2800, v4;
	v6 =	vld.idx.msk [tilespmem:v9+s2+$0x0], $0xffff  }
0xcf: {  	v8 =	vadd.s32 $0x2800, v7;
	v12 =	vld.idx.msk [tilespmem:v12+s2+$0x0], $0xffff  }
0xd0: {  	v59 =	vadd.s32 $0x2800, v10;
	v11 =	vld.idx.msk [tilespmem:v57+s2+$0x0], $0xffff  }
0xd1: {  	v15 =	vadd.s32 $0x5000, v1;
	[tilespmem:v13+s20+$0x0] =	vst.idx.add.f32.msk $0xffff, v14  }
0xd2: {  	v17 =	vadd.s32 $0x2800, v13;
	v16 =	vld.idx.msk [tilespmem:v16+s2+$0x0], $0xffff  }
0xd3: {  	v60 =	vadd.s32 $0x5000, v5;
	[tilespmem:v56+s20+$0x0] =	vst.idx.add.f32.msk $0xffff, v6  }
0xd4: {  	v6 =	vadd.s32 $0x5000, v3;
	[tilespmem:v8+s20+$0x0] =	vst.idx.add.f32.msk $0xffff, v12  }
0xd5: {  	v8 =	vadd.s32 $0x5000, v2;
	[tilespmem:v59+s20+$0x0] =	vst.idx.add.f32.msk $0xffff, v11  }
0xd6: {  	v58 =	vadd.s32 $0x5000, v4;
	v9 =	vld.idx.msk [tilespmem:v15+s2+$0x0], $0xffff  }
0xd7: {  	v1 =	vadd.s32 $0x7800, v1;
	[tilespmem:v17+s20+$0x0] =	vst.idx.add.f32.msk $0xffff, v16  }
0xd8: {  	v63 =	vadd.s32 $0x5000, v13;
	v12 =	vld.idx.msk [tilespmem:v60+s2+$0x0], $0xffff  }
0xd9: {  	v61 =	vadd.s32 $0x5000, v7;
	v6 =	vld.idx.msk [tilespmem:v6+s2+$0x0], $0xffff  }
0xda: {  	v62 =	vadd.s32 $0x5000, v10;
	v8 =	vld.idx.msk [tilespmem:v8+s2+$0x0], $0xffff  }
0xdb: {  	v3 =	vadd.s32 $0x7800, v3;
	[tilespmem:v58+s20+$0x0] =	vst.idx.add.f32.msk $0xffff, v9  }
0xdc: {  	v4 =	vadd.s32 $0x7800, v4;
	v1 =	vld.idx.msk [tilespmem:v1+s2+$0x0], $0xffff  }
0xdd: {  	[tilespmem:v63+s20+$0x0] =	vst.idx.add.f32.msk $0xffff, v12  }
0xde: {  	[tilespmem:v61+s20+$0x0] =	vst.idx.add.f32.msk $0xffff, v6  }
0xdf: {  	[tilespmem:v62+s20+$0x0] =	vst.idx.add.f32.msk $0xffff, v8  }
0xe0: {  	v5 =	vadd.s32 $0x7800, v5;
	v6 =	vld.idx.msk [tilespmem:v3+s2+$0x0], $0xffff;
	v3 =	vadd.s32 $0x7800, v7  }
0xe1: {  	s25 =	simm.s32 $0x0;
	s26 =	simm.s32 $0x14860;
	[tilespmem:v4+s20+$0x0] =	vst.idx.add.f32.msk $0xffff, v1;
	v4 =	vadd.s32 $0x7800, v2;
	v2 =	vadd.s32 $0x7800, v10;
	v1 =	vadd.s32 $0x7800, v13  }
.LBB2_7:
0xe2: {  	v7 =	vld [tilespmem:s26+$0x10];
	s25 =	sadd.s32 $0x4, s25  }
0xe3: {  	v8 =	vld [tilespmem:s26+$0xFFFFFFF0];
	p0 =	slt.u32 s25, $0x3C  }
0xe4: {  	v9 =	vld [tilespmem:s26+$0x0]  }
0xe5: {  	v10 =	vld [tilespmem:s26+$0xFFFFFFE0]  }
0xe6: {  	v11 =	vld.idx.msk [tilespmem:v4+s2+$0x0], $0xffff  }
0xe7: {  	s24 =	sadd.s32 $0x40, s24;
	v12 =	vld.idx.msk [tilespmem:v5+s2+$0x0], $0xffff  }
0xe8: {  	v13 =	vadd.s32 $0x2800, v8;
	v14 =	vadd.s32 $0x5000, v8;
	v4 =	vadd.s32 $0x7800, v8;
	v15 =	vld [tilespmem:s24+$0x10]  }
0xe9: {  	v16 =	vld [tilespmem:s24+$0xFFFFFFE0];
	v17 =	vadd.s32 $0x2800, v9;
	v18 =	vadd.s32 $0x5000, v9;
	v5 =	vadd.s32 $0x7800, v9  }
0xea: {  	v19 =	vadd.s32 $0x2800, v10;
	v20 =	vadd.s32 $0x5000, v10;
	v21 =	vadd.s32 $0x7800, v10;
	v22 =	vld.idx.msk [tilespmem:v7+s2+$0x0], $0xffff  }
0xeb: {  	v8 =	vld.idx.msk [tilespmem:v8+s2+$0x0], $0xffff  }
0xec: {  	v23 =	vadd.s32 $0x2800, v7;
	v9 =	vld.idx.msk [tilespmem:v9+s2+$0x0], $0xffff  }
0xed: {  	v10 =	vld.idx.msk [tilespmem:v10+s2+$0x0], $0xffff  }
0xee: {  	v24 =	vadd.s32 $0x2800, v16;
	v25 =	vadd.s32 $0x5000, v16;
	v26 =	vadd.s32 $0x7800, v16;
	v27 =	vld [tilespmem:s24+$0xFFFFFFF0]  }
0xef: {  	v28 =	vld [tilespmem:s24+$0x0]  }
0xf0: {  	[tilespmem:v15+s20+$0x0] =	vst.idx.add.f32.msk $0xffff, v22  }
0xf1: {  	v22 =	vld.idx.msk [tilespmem:v23+s2+$0x0], $0xffff  }
0xf2: {  	v23 =	vadd.s32 $0x2800, v15;
	[tilespmem:v3+s20+$0x0] =	vst.idx.add.f32.msk $0xffff, v6;
	v3 =	vmov v26  }
0xf3: {  	[tilespmem:v16+s20+$0x0] =	vst.idx.add.f32.msk $0xffff, v10;
	v6 =	vadd.s32 $0x2800, v27;
	v10 =	vadd.s32 $0x5000, v27;
	v16 =	vadd.s32 $0x5000, v7  }
0xf4: {  	v26 =	vadd.s32 $0x7800, v27;
	v19 =	vld.idx.msk [tilespmem:v19+s2+$0x0], $0xffff;
	v29 =	vadd.s32 $0x2800, v28;
	v30 =	vadd.s32 $0x5000, v28  }
0xf5: {  	v31 =	vadd.s32 $0x7800, v28;
	[tilespmem:v2+s20+$0x0] =	vst.idx.add.f32.msk $0xffff, v11;
	v2 =	vmov v26  }
0xf6: {  	[tilespmem:v27+s20+$0x0] =	vst.idx.add.f32.msk $0xffff, v8  }
0xf7: {  	[tilespmem:v23+s20+$0x0] =	vst.idx.add.f32.msk $0xffff, v22  }
0xf8: {  	v8 =	vld.idx.msk [tilespmem:v16+s2+$0x0], $0xffff  }
0xf9: {  	[tilespmem:v28+s20+$0x0] =	vst.idx.add.f32.msk $0xffff, v9;
	v9 =	vadd.s32 $0x5000, v15  }
0xfa: {  	v7 =	vadd.s32 $0x7800, v7;
	v11 =	vld.idx.msk [tilespmem:v13+s2+$0x0], $0xffff  }
0xfb: {  	v13 =	vld.idx.msk [tilespmem:v17+s2+$0x0], $0xffff  }
0xfc: {  	[tilespmem:v24+s20+$0x0] =	vst.idx.add.f32.msk $0xffff, v19  }
0xfd: {  	v16 =	vld.idx.msk [tilespmem:v20+s2+$0x0], $0xffff  }
0xfe: {  	[tilespmem:v9+s20+$0x0] =	vst.idx.add.f32.msk $0xffff, v8  }
0xff: {  	v7 =	vld.idx.msk [tilespmem:v7+s2+$0x0], $0xffff  }
0x100: {  	[tilespmem:v6+s20+$0x0] =	vst.idx.add.f32.msk $0xffff, v11;
	v6 =	vadd.s32 $0x7800, v15  }
0x101: {  	[tilespmem:v29+s20+$0x0] =	vst.idx.add.f32.msk $0xffff, v13  }
0x102: {  	v8 =	vld.idx.msk [tilespmem:v14+s2+$0x0], $0xffff  }
0x103: {  	v9 =	vld.idx.msk [tilespmem:v18+s2+$0x0], $0xffff  }
0x104: {  	[tilespmem:v25+s20+$0x0] =	vst.idx.add.f32.msk $0xffff, v16  }
.Ltmp2:
0x105: {  	[tilespmem:v6+s20+$0x0] =	vst.idx.add.f32.msk $0xffff, v7;
	(pc) =	sbr.rel @p0 .LBB2_7-.Ltmp2, $4  }
0x106: {  	v6 =	vld.idx.msk [tilespmem:v21+s2+$0x0], $0xffff  }
0x107: {  	[tilespmem:v1+s20+$0x0] =	vst.idx.add.f32.msk $0xffff, v12;
	v1 =	vmov v31  }
0x108: {  	[tilespmem:v10+s20+$0x0] =	vst.idx.add.f32.msk $0xffff, v8  }
0x109: {  	s26 =	sadd.s32 $0x40, s26;
	[tilespmem:v30+s20+$0x0] =	vst.idx.add.f32.msk $0xffff, v9  }
0x10a: {  	_ =	sdelay $0x3  }
0x10b: {  	v4 =	vld.idx.msk [tilespmem:v4+s2+$0x0], $0xffff;
	s23 =	sadd.s32 $0x1, s23  }
0x10c: {  	v5 =	vld.idx.msk [tilespmem:v5+s2+$0x0], $0xffff;
	p0 =	sne.s32 s23, s5  }
.Ltmp3:
0x10d: {  	_ = 	snop;
	(pc) =	sbr.rel @p0 .LBB2_4-.Ltmp3, $4  }
0x10e: {  	_ = 	snop  }
0x10f: {  	[tilespmem:v3+s20+$0x0] =	vst.idx.add.f32.msk $0xffff, v6  }
0x110: {  	[tilespmem:v2+s20+$0x0] =	vst.idx.add.f32.msk $0xffff, v4  }
0x111: {  	[tilespmem:v1+s20+$0x0] =	vst.idx.add.f32.msk $0xffff, v5  }
0x112: {  	s22 =	sadd.s32 $0x1, s22  }
0x113: {  	p0 =	sne.s32 s22, s13  }
.Ltmp4:
0x114: {  	_ = 	snop;
	(pc) =	sbr.rel @p0 .LBB2_1-.Ltmp4, $4  }
0x115: {  	[hbm4b:s12+s2] =	stream.linear.scatter [tilespmem:s20], [sflag:$0x3], $0xA000, $0x38;
	[tilespmem:$0x15000] =	vst v63  }
0x116: {  	_ =	swait.ge [sflag:s21], $0xA000  }
0x117: {  	[sflag:s21] =	ssyncset.done $0x0  }
0x118: {  	[sflag:s21] =	ssyncadd.s32 $0xFFFF6000  }
0x119: {  	_ =	sfence.sel $0x180000  }
0x11a: {  	[bflag:$0x0] =	sbarrier.arrive $0xFFFF  }
0x11b: {  	p0 =	sne.s32 s0, $0x0;
	_ =	strace $0x9000004D  }
0x11c: {  	s0 =	sadd.s32 @!p0 $0x100000, s1;
	[bflag:$0x2] =	sbarrier.arrive $0xFFFF  }
0x11d: {  	[sflag:s0] =	ssyncadd.tile.s32 @!p0 $0x1;
	_ =	shalt  }
.Lfunc_end2:
_tile_overlayer_lowered:
.L_overlay_start_2:
0x11e: {  	(tag) =	ssettag $0x2  }
0x11f: {  	s0 =	rddreg [dreg:$0x0];
	s2 =	stileid.u32  }
0x120: {  	s1 =	rddreg [dreg:$0x1];
	p0 =	sne.s32 s2, $0x0  }
0x121: {  	s3 =	rddreg [dreg:$0x2];
	[bflag:$0x3] =	sbarrier.arrive $0xFFFF;
	s2 =	simm.s32 @!p0 $0x1C03  }
0x122: {  	[timem:s3], [sflag:s2] =	dma.local @!p0 [hbm:s0], s1  }
0x123: {  	s0 =	simm.s32 @!p0 $0x3  }
0x124: {  	_ =	swait.ge @!p0 [sflag:s0], s1  }
0x125: {  	s1 =	ssub.s32 @!p0 $0x0, s1;
	[sflag:s0] =	ssyncset.done @!p0 $0x0  }
0x126: {  	[sflag:s0] =	ssyncadd.s32 @!p0 s1  }
0x127: {  	[bflag:$0x3] =	sbarrier.arrive $0xFFFF  }
0x128: {  	_ =	shalt  }

// kernel: kernel.19.cloned.1.call-start
scs
__scs_entry_jumppad:
0x0: {  	(pc) =	sbr.rel $0x88, $3  }
0x1: {  	(tag) =	ssettag $0x0;
	lr =	simm.s32 $0x1  }
0x2: {  	[smem:$0x3F96] =	sst lr;
	_ =	strace $0xD0000000  }
0x3: {  	_ = 	snop  }
0x4: {  	_ = 	snop  }
0x5: {  	_ = 	snop  }
0x6: {  	_ = 	snop  }
0x7: {  	_ = 	snop  }
__scs_overlays_trampoline_lowered:
0x8: {  	[smem:$0x3FA5] =	sst s0  }
0x9: {  	[smem:$0x3FA6] =	sst s1  }
0xa: {  	[smem:$0x3FA7] =	sst s2  }
0xb: {  	[smem:$0x3FA8] =	sst s3  }
0xc: {  	[smem:$0x3FA9] =	sst s4  }
0xd: {  	[smem:$0x3FAA] =	sst s5  }
0xe: {  	[smem:$0x3FAB] =	sst s6  }
0xf: {  	[smem:$0x3FAC] =	sst s7  }
0x10: {  	[smem:$0x3FAD] =	sst s8  }
0x11: {  	[smem:$0x3FAE] =	sst s9;
	s0 =	simm.s32 @!p0 $0x0  }
0x12: {  	s1 =	sld [smem:$0x3F94];
	s0 =	simm.s32 @p0 $0x1  }
0x13: {  	[smem:$0x3FAF] =	sst s0;
	s0 =	simm.s32 @!p1 $0x0  }
0x14: {  	s2 =	sld [smem:$0x3F93];
	s0 =	simm.s32 @p1 $0x1  }
0x15: {  	[smem:$0x3FB0] =	sst s0;
	s0 =	simm.s32 @!p2 $0x0  }
0x16: {  	s3 =	sld [smem:$0x3FDB];
	s0 =	simm.s32 @p2 $0x1  }
0x17: {  	s4 =	simm.s32 $0x1BF5;
	[smem:$0x3FB2] =	sst s0  }
0x18: {  	s0 =	sld [smem:$0x3F95];
	_ =	swait.ge [sflag:s4], $0x0  }
0x19: {  	s7 =	sld [smem:$0x3F96]  }
0x1a: {  	s8 =	sadd.s32 $0xFFFFE003, lr  }
0x1b: {  	s9 =	sadd.s32 $0xFFFFFEF7, lr;
	s5 =	simm.s32 $0xFFFFFFFF;
	p2 =	slt.u32 s8, $0xFFFFF086  }
0x1c: {  	p1 =	slt.u32 s9, $0xF7A;
	s5 =	simm.s32 @!p2 $0x0  }
0x1d: {  	s5 =	simm.s32 @p1 $0x1;
	p0 =	seq.s32 s7, s2  }
0x1e: {  	s7 =	smul.u32 @!p0 $0xF7A, s2;
	p2 =	seq.s32 @!p0 s5, $0x0  }
0x1f: {  	s9 =	smul.u32 $0xF7A, s1;
	s8 =	simm.s32 @!p0 $0x1BF5;
	p2 =	por !p2, p0  }
0x20: {  	[sflag:s8] =	ssyncset.s32 @!p0 $0xFFFFF086;
	s6 =	sadd.s32 @!p0 s3, s7;
	s7 =	simm.s32 @!p0 $0x108  }
0x21: {  	s3 =	sadd.s32 s3, s9;
	s6 =	sadd.s32 @!p0 $0x88, s6;
	s7 =	simm.s32 @p2 $0x1082  }
0x22: {  	[simem:s7], [sflag:s8] =	dma.local @!p0 [hbm:s6], $0xF7A  }
0x23: {  	s9 =	sor.u32 $0xD0000000, s2;
	s6 =	simm.s32 $0x108;
	_ =	swait.ge @!p0 [sflag:s8], $0x0  }
0x24: {  	s3 =	sadd.s32 $0x88, s3;
	s6 =	simm.s32 @!p1 $0x1082;
	[sflag:s4] =	ssyncset.s32 $0xFFFFF086  }
0x25: {  	[simem:s6], [sflag:s4] =	dma.local [hbm:s3], $0xF7A  }
0x26: {  	[smem:$0x3F96] =	sst s1;
	(tag) =	ssettag s2;
	_ =	strace s9  }
0x27: {  	s1 =	sld [smem:$0x3FA6]  }
0x28: {  	s2 =	sld [smem:$0x3FA7]  }
0x29: {  	s4 =	sld [smem:$0x3FA9]  }
0x2a: {  	p0 =	seq.s32 s5, $0x0;
	s5 =	sld [smem:$0x3FAA]  }
0x2b: {  	s6 =	sld [smem:$0x3FAB]  }
0x2c: {  	s7 =	sld [smem:$0x3FAC]  }
0x2d: {  	s3 =	simm.s32 $0x108;
	s8 =	sld [smem:$0x3FAD]  }
0x2e: {  	s3 =	simm.s32 @!p0 $0x1082;
	s9 =	sld [smem:$0x3FAE]  }
0x2f: {  	lr =	sadd.s32 s0, s3;
	s0 =	sld [smem:$0x3FA5]  }
0x30: {  	s3 =	sld [smem:$0x3FA8]  }
0x31: {  	[smem:$0x3FB1] =	sst s10  }
0x32: {  	s10 =	sld [smem:$0x3FAF];
	_ =	sdelay $0x3  }
0x33: {  	p0 =	seq.s32 s10, $0x1;
	s10 =	sld [smem:$0x3FB1];
	_ =	sdelay $0x3  }
0x34: {  	[smem:$0x3FB1] =	sst s10  }
0x35: {  	s10 =	sld [smem:$0x3FB0];
	_ =	sdelay $0x3  }
0x36: {  	p1 =	seq.s32 s10, $0x1;
	s10 =	sld [smem:$0x3FB1];
	_ =	sdelay $0x3  }
0x37: {  	[smem:$0x3FB1] =	sst s10  }
0x38: {  	s10 =	sld [smem:$0x3FB2]  }
0x39: {  	_ = 	snop;
	(pc) =	sbr.ind lr, $3  }
0x3a: {  	_ = 	snop  }
0x3b: {  	_ = 	snop  }
0x3c: {  	p2 =	seq.s32 s10, $0x1;
	s10 =	sld [smem:$0x3FB1]  }
0x3d: {  	_ =	shalt  }
0x3e: {  	_ =	shalt  }
0x3f: {  	_ =	shalt  }
0x40: {  	_ =	shalt  }
0x41: {  	_ =	shalt  }
0x42: {  	_ =	shalt  }
0x43: {  	_ =	shalt  }
0x44: {  	_ =	shalt  }
0x45: {  	_ =	shalt  }
0x46: {  	_ =	shalt  }
0x47: {  	_ =	shalt  }
0x48: {  	_ =	shalt  }
0x49: {  	_ =	shalt  }
0x4a: {  	_ =	shalt  }
0x4b: {  	_ =	shalt  }
0x4c: {  	_ =	shalt  }
0x4d: {  	_ =	shalt  }
0x4e: {  	_ =	shalt  }
0x4f: {  	_ =	shalt  }
0x50: {  	_ =	shalt  }
0x51: {  	_ =	shalt  }
0x52: {  	_ =	shalt  }
0x53: {  	_ =	shalt  }
0x54: {  	_ =	shalt  }
0x55: {  	_ =	shalt  }
0x56: {  	_ =	shalt  }
0x57: {  	_ =	shalt  }
0x58: {  	_ =	shalt  }
0x59: {  	_ =	shalt  }
0x5a: {  	_ =	shalt  }
0x5b: {  	_ =	shalt  }
0x5c: {  	_ =	shalt  }
0x5d: {  	_ =	shalt  }
0x5e: {  	_ =	shalt  }
0x5f: {  	_ =	shalt  }
0x60: {  	_ =	shalt  }
0x61: {  	_ =	shalt  }
0x62: {  	_ =	shalt  }
0x63: {  	_ =	shalt  }
0x64: {  	_ =	shalt  }
0x65: {  	_ =	shalt  }
0x66: {  	_ =	shalt  }
0x67: {  	_ =	shalt  }
0x68: {  	_ =	shalt  }
0x69: {  	_ =	shalt  }
0x6a: {  	_ =	shalt  }
0x6b: {  	_ =	shalt  }
0x6c: {  	_ =	shalt  }
0x6d: {  	_ =	shalt  }
0x6e: {  	_ =	shalt  }
0x6f: {  	_ =	shalt  }
0x70: {  	_ =	shalt  }
0x71: {  	_ =	shalt  }
0x72: {  	_ =	shalt  }
0x73: {  	_ =	shalt  }
0x74: {  	_ =	shalt  }
0x75: {  	_ =	shalt  }
0x76: {  	_ =	shalt  }
0x77: {  	_ =	shalt  }
0x78: {  	_ =	shalt  }
0x79: {  	_ =	shalt  }
0x7a: {  	_ =	shalt  }
0x7b: {  	_ =	shalt  }
0x7c: {  	_ =	shalt  }
0x7d: {  	_ =	shalt  }
0x7e: {  	_ =	shalt  }
0x7f: {  	_ =	shalt  }
0x80: {  	_ =	shalt  }
0x81: {  	_ =	shalt  }
0x82: {  	_ =	shalt  }
0x83: {  	_ =	shalt  }
0x84: {  	_ =	shalt  }
0x85: {  	_ =	shalt  }
0x86: {  	_ =	shalt  }
0x87: {  	_ =	shalt  }
.Lfunc_end0:
.L_simem_size_0:
called_computation.3_lowered:
.L_overlay_start_0:
0x88: {  	s2 =	sld [smem:$0x3FD9]  }
0x89: {  	s3 =	sld [smem:$0x3FFE];
	_ =	sdelay $0x1  }
0x8a: {  	s1 =	srdreg.scid  }
0x8b: {  	s0 =	sand.u32 $0x1, s1  }
0x8c: {  	s16 =	sshll.u32 s0, $0xA;
	s2 =	sadd.s32 s3, s2  }
0x8d: {  	s2 =	sadd.s32 s2, s16  }
0x8e: {  	[smem:$0x3FBD] =	sst s2  }
0x8f: {  	_ = 	snop  }
0x90: {  	(tm) =	ssettm $0x1  }
0x91: {  	s17 =	sld [smem:$0x3FFB];
	_ =	sdelay $0x3  }
0x92: {  	_ =	strace s17  }
0x93: {  	s2 =	sld [smem:$0x3FFC];
	_ =	sdelay $0x3  }
0x94: {  	_ =	strace s2  }
0x95: {  	s2 =	sld [smem:$0x3FFD];
	_ =	sdelay $0x3  }
0x96: {  	_ =	strace s2  }
0x97: {  	_ =	strace $0x8FFFFFFF  }
0x98: {  	s18 =	sld [smem:$0x3FDB];
	_ =	sdelay $0x1  }
0x99: {  	s19 =	simm.s32 $_scs_section_size  }
0x9a: {  	s4 =	simm.s32 $_size__tile_overlayer_lowered;
	s5 =	simm.s32 $_tile_overlayer_lowered  }
0x9b: {  	s22 =	simm.s32 $0x1BFF;
	s21 =	sshll.u32 s5, $0x1;
	s2 =	sadd.s32 s19, s18  }
0x9c: {  	s6 =	simm.s32 $0x0;
	s20 =	sshll.u32 s4, $0x1;
	s4 =	sadd.s32 s21, s2  }
0x9d: {  	[timem:s6], [sflag:s22] =	dma.local [hbm:s4], s20  }
0x9e: {  	_ =	swait.ge [sflag:s22], s20  }
0x9f: {  	s3 =	ssub.s32 $0x0, s20;
	[sflag:s22] =	ssyncset.done $0x0  }
0xa0: {  	[sflag:s22] =	ssyncadd.s32 s3;
	_ =	sdelay $0x1  }
0xa1: {  	s23 =	simm.s32 $0x1B8B  }
0xa2: {  	_ =	swait.ge [sflag:s23], $0x1  }
0xa3: {  	[sflag:s23] =	ssyncset.done $0x0  }
0xa4: {  	s25 =	simm.s32 $0x1B8E;
	s24 =	sld [smem:$0x3FFE];
	[sflag:s23] =	ssyncadd.s32 $0xFFFFFFFF  }
0xa5: {  	s26 =	simm.s32 $execute0_lowered;
	[smem:$0x3FD2] =	sst s25  }
0xa6: {  	s4 =	sshll.u32 s26, $0x1;
	_ =	strace $0x8000004F;
	[dreg:$0x1] =	wrdreg $0xFFFFFFFF  }
0xa7: {  	s28 =	simm.s32 $_size_execute0_lowered;
	s2 =	sadd.s32 s2, s4;
	[dreg:$0x0] =	wrdreg $0x0  }
0xa8: {  	s4 =	sshll.u32 s28, $0x1;
	[dreg:$0x2] =	wrdreg s2  }
0xa9: {  	[dreg:$0x3] =	wrdreg s4  }
0xaa: {  	[dreg:$0x4] =	wrdreg $0xC0  }
0xab: {  	_ =	task [dreg:s6], $0x5FFFF  }
0xac: {  	[dreg:$0x1] =	wrdreg $0xFFFFFFFF  }
0xad: {  	[dreg:$0x0] =	wrdreg $0x60  }
0xae: {  	[dreg:$0x2] =	wrdreg s24  }
0xaf: {  	[dreg:$0x3] =	wrdreg $0x9  }
0xb0: {  	_ =	task.clear_ibuf [dreg:s6], $0x4FFFF;
	_ =	strace $0x9000004F  }
0xb1: {  	s29 =	simm.s32 $0x9;
	_ =	strace $0x80000051  }
0xb2: {  	_ =	swait.ge [sflag:s29], $0x1  }
0xb3: {  	[sflag:s29] =	ssyncadd.s32 $0xFFFFFFFF  }
0xb4: {  	_ =	strace $0x90000051  }
0xb5: {  	_ =	sfence  }
0xb6: {  	s30 =	sld [smem:$0x0];
	_ =	sdelay $0x2  }
0xb7: {  	s31 =	sshll.u32 s1, $0xD;
	s1 =	sshrl.u32 s1, $0x2  }
0xb8: {  	s3 =	sand.u32 $0x4000, s31;
	s1 =	sadd.s32 s1, s30  }
0xb9: {  	s0 =	sor.u32 s3, s0;
	s1 =	sshll.u32 s1, $0x11  }
0xba: {  	s0 =	sor.u32 s1, s0  }
0xbb: {  	s0 =	sadd.s32 $0x8F2B, s0  }
0xbc: {  	[sflag:s0] =	ssyncadd.remote.s32 $0x1  }
0xbd: {  	_ =	sfence.sel $0xFFFF  }
0xbe: {  	[dreg:$0x0] =	wrdreg $0xFFFFFFFF;
	(pc) =	sbr.abs _section_cstart, $3  }
0xbf: {  	[dreg:$0x1] =	wrdreg $0xFFFFFFFF  }
0xc0: {  	_ =	task.clear_ibuf [dreg:s6], $0x2FFFF;
	_ =	strace $0x9FFFFFFF  }
0xc1: {  	(tm) =	ssettm $0x7FFFFFFF  }
tec
execute0_lowered:
.L_overlay_start_1:
0x0: {  	(tag) =	ssettag $0x1  }
0x1: {  	s5 =	rddreg [dreg:$0x0];
	s0 =	stileid.u32  }
0x2: {  	s3 =	srdreg.scid;
	s1 =	rddreg [dreg:$0x1]  }
0x3: {  	s2 =	simm.s32 $0x0;
	s14 =	simm.s32 $0x2;
	s15 =	simm.s32 $0x14000  }
0x4: {  	s16 =	simm.s32 $0x14400;
	s17 =	simm.s32 $0x14800;
	s18 =	simm.s32 $0x14C00  }
0x5: {  	s19 =	simm.s32 $0x1;
	s20 =	simm.s32 $0xA000;
	s21 =	simm.s32 $0x3  }
0x6: {  	s22 =	simm.s32 $0x0;
	s6 =	smul.u32 $0xA000, s0;
	s7 =	sand.u32 $0x1, s3  }
0x7: {  	[smem:$0x7FF] =	sst s2;
	s3 =	sadd.s32 $0x16600, s5;
	s4 =	sadd.s32 $0x2600, s5  }
0x8: {  	s8 =	smul.u32 $0xA0000, s7;
	_ =	strace $0x80000050;
	s29 =	ssub.s32 $0x2, s7  }
0x9: {  	s10 =	ssub.s32 $0x0, s7;
	p0 =	seq.s32 s7, $0x0;
	s28 =	sshrl.u32 s6, $0x3  }
0xa: {  	s11 =	sshrl.u32 s29, $0x1;
	s30 =	sand.u32 $0x2D000, s10;
	s9 =	sadd.s32 s28, s5  }
0xb: {  	s6 =	sadd.s32 s6, s8;
	s13 =	ssub.s32 s29, s11;
	s31 =	sshrl.u32 s30, $0x3  }
0xc: {  	s11 =	sor.u32 $0x800, s30;
	s6 =	sshrl.u32 s6, $0x3;
	s7 =	sadd.s32 s3, s31  }
0xd: {  	s8 =	sadd.s32 s4, s31;
	s12 =	sadd.s32 s6, s5;
	s5 =	simm.s32 $0x5A  }
0xe: {  	s13 =	smax.u32 s13, $0x1;
	s6 =	sadd.s32 $0x20600, s9;
	s5 =	simm.s32 @!p0 $0x46  }
0xf: {  	v0 =	vimm.f32 $0.0e+00;
	s9 =	sor.u32 $0x400, s30;
	s12 =	sadd.s32 $0x34600, s12;
	s10 =	sadd.s32 $0xFFFFFFFF, s5  }
.LBB2_1:
0x10: {  	[tilespmem:s2], [sflag:$0x2] =	stream.linear.gather [hbm4b:s6+s2], $0xA000, $0x38;
	[tilespmem:$0x15000] =	vst v63  }
0x11: {  	[tilespmem:s20+$0x0] =	vst v0  }
0x12: {  	[tilespmem:s20+$0x7870] =	vst v0  }
0x13: {  	[tilespmem:s20+$0x5070] =	vst v0  }
0x14: {  	[tilespmem:s20+$0x2870] =	vst v0  }
0x15: {  	[tilespmem:s20+$0x70] =	vst v0  }
0x16: {  	[tilespmem:s20+$0x7860] =	vst v0  }
0x17: {  	[tilespmem:s20+$0x5060] =	vst v0  }
0x18: {  	[tilespmem:s20+$0x2860] =	vst v0  }
0x19: {  	[tilespmem:s20+$0x60] =	vst v0  }
0x1a: {  	[tilespmem:s20+$0x7850] =	vst v0  }
0x1b: {  	[tilespmem:s20+$0x5050] =	vst v0  }
0x1c: {  	[tilespmem:s20+$0x2850] =	vst v0  }
0x1d: {  	[tilespmem:s20+$0x50] =	vst v0  }
0x1e: {  	[tilespmem:s20+$0x7840] =	vst v0  }
0x1f: {  	[tilespmem:s20+$0x5040] =	vst v0  }
0x20: {  	[tilespmem:s20+$0x2840] =	vst v0  }
0x21: {  	[tilespmem:s20+$0x40] =	vst v0  }
0x22: {  	[tilespmem:s20+$0x7830] =	vst v0  }
0x23: {  	[tilespmem:s20+$0x5030] =	vst v0  }
0x24: {  	[tilespmem:s20+$0x2830] =	vst v0  }
0x25: {  	[tilespmem:s20+$0x30] =	vst v0  }
0x26: {  	[tilespmem:s20+$0x7820] =	vst v0  }
0x27: {  	[tilespmem:s20+$0x5020] =	vst v0  }
0x28: {  	[tilespmem:s20+$0x2820] =	vst v0  }
0x29: {  	[tilespmem:s20+$0x20] =	vst v0  }
0x2a: {  	[tilespmem:s20+$0x7810] =	vst v0  }
0x2b: {  	[tilespmem:s20+$0x5010] =	vst v0  }
0x2c: {  	[tilespmem:s20+$0x2810] =	vst v0  }
0x2d: {  	[tilespmem:s20+$0x10] =	vst v0  }
0x2e: {  	[tilespmem:s20+$0x7800] =	vst v0  }
0x2f: {  	s23 =	simm.s32 $0x0;
	s24 =	simm.s32 $0xA000;
	[tilespmem:s20+$0x5000] =	vst v0  }
.LBB2_2:
0x30: {  	s23 =	sadd.s32 $0x8, s23;
	[tilespmem:s24+$0x2800] =	vst v0;
	s24 =	sadd.s32 $0x80, s24  }
0x31: {  	[tilespmem:s24+$0x0] =	vst v0;
	p0 =	slt.u32 s23, $0x278  }
0x32: {  	[tilespmem:s24+$0x7870] =	vst v0  }
0x33: {  	[tilespmem:s24+$0x5070] =	vst v0  }
0x34: {  	[tilespmem:s24+$0x2870] =	vst v0  }
0x35: {  	[tilespmem:s24+$0x70] =	vst v0  }
0x36: {  	[tilespmem:s24+$0x7860] =	vst v0  }
0x37: {  	[tilespmem:s24+$0x5060] =	vst v0  }
0x38: {  	[tilespmem:s24+$0x2860] =	vst v0  }
0x39: {  	[tilespmem:s24+$0x60] =	vst v0  }
0x3a: {  	[tilespmem:s24+$0x7850] =	vst v0  }
0x3b: {  	[tilespmem:s24+$0x5050] =	vst v0  }
0x3c: {  	[tilespmem:s24+$0x2850] =	vst v0  }
0x3d: {  	[tilespmem:s24+$0x50] =	vst v0  }
0x3e: {  	[tilespmem:s24+$0x7840] =	vst v0  }
0x3f: {  	[tilespmem:s24+$0x5040] =	vst v0  }
0x40: {  	[tilespmem:s24+$0x2840] =	vst v0  }
0x41: {  	[tilespmem:s24+$0x40] =	vst v0  }
0x42: {  	[tilespmem:s24+$0x7830] =	vst v0  }
0x43: {  	[tilespmem:s24+$0x5030] =	vst v0  }
0x44: {  	[tilespmem:s24+$0x2830] =	vst v0  }
0x45: {  	[tilespmem:s24+$0x30] =	vst v0  }
0x46: {  	[tilespmem:s24+$0x7820] =	vst v0  }
0x47: {  	[tilespmem:s24+$0x5020] =	vst v0  }
0x48: {  	[tilespmem:s24+$0x2820] =	vst v0  }
0x49: {  	[tilespmem:s24+$0x20] =	vst v0  }
0x4a: {  	[tilespmem:s24+$0x7810] =	vst v0  }
.Ltmp0:
0x4b: {  	[tilespmem:s24+$0x5010] =	vst v0;
	(pc) =	sbr.rel @p0 .LBB2_2-.Ltmp0, $4  }
0x4c: {  	[tilespmem:s24+$0x2810] =	vst v0  }
0x4d: {  	[tilespmem:s24+$0x10] =	vst v0  }
0x4e: {  	[tilespmem:s24+$0x7800] =	vst v0  }
0x4f: {  	[tilespmem:s24+$0x5000] =	vst v0  }
0x50: {  	[tilespmem:s24+$0x2800] =	vst v0  }
0x51: {  	_ =	swait.ge [sflag:s14], $0xA000  }
0x52: {  	[sflag:s14] =	ssyncset.done $0x0  }
0x53: {  	s23 =	simm.s32 $0x0;
	[sflag:s14] =	ssyncadd.s32 $0xFFFF6000  }
0x54: {  	[tilespmem:s15], [sflag:$0x1] =	stream.linear.gather [hbm4b:s7+s23], $0x400, $0x38;
	[tilespmem:$0x15000] =	vst v63  }
0x55: {  	_ = 	snop  }
0x56: {  	[tilespmem:s16], [sflag:$0x1] =	stream.linear.gather [hbm4b:s8+s23], $0x400, $0x38;
	[tilespmem:$0x15000] =	vst v63  }
.LBB2_4:
0x57: {  	s24 =	sshll.u32 s23, $0xB  }
0x58: {  	s25 =	sadd.s32 s24, s9  }
0x59: {  	s25 =	sshrl.u32 s25, $0x3  }
0x5a: {  	s26 =	sadd.s32 s3, s25  }
0x5b: {  	[tilespmem:s17], [sflag:$0x2] =	stream.linear.gather [hbm4b:s26+s2], $0x400, $0x38;
	[tilespmem:$0x15000] =	vst v63  }
0x5c: {  	s25 =	sadd.s32 s4, s25  }
0x5d: {  	[tilespmem:s18], [sflag:$0x2] =	stream.linear.gather [hbm4b:s25+s2], $0x400, $0x38;
	[tilespmem:$0x15000] =	vst v63  }
0x5e: {  	_ =	swait.ge [sflag:s19], $0x400  }
0x5f: {  	[sflag:s19] =	ssyncset.done $0x0  }
0x60: {  	[sflag:s19] =	ssyncadd.s32 $0xFFFFFC00  }
0x61: {  	_ =	swait.ge [sflag:s19], $0x400  }
0x62: {  	[sflag:s19] =	ssyncset.done $0x0  }
0x63: {  	s31 =	simm.s32 $0x14020;
	[sflag:s19] =	ssyncadd.s32 $0xFFFFFC00  }
0x64: {  	v1 =	vld [tilespmem:s31+$0x10]  }
0x65: {  	v3 =	vld [tilespmem:s31+$0xFFFFFFE0]  }
0x66: {  	v2 =	vld [tilespmem:s31+$0xFFFFFFF0];
	_ =	sdelay $0x1  }
0x67: {  	s25 =	simm.s32 $0x14420;
	v5 =	vld [tilespmem:s31+$0x0]  }
0x68: {  	v4 =	vld [tilespmem:s25+$0x10]  }
0x69: {  	v7 =	vld [tilespmem:s25+$0xFFFFFFE0]  }
0x6a: {  	v10 =	vld [tilespmem:s25+$0xFFFFFFF0]  }
0x6b: {  	v6 =	vld.idx.msk [tilespmem:v1+s2+$0x0], $0xffff  }
0x6c: {  	v11 =	vld.idx.msk [tilespmem:v3+s2+$0x0], $0xffff  }
0x6d: {  	v8 =	vld.idx.msk [tilespmem:v2+s2+$0x0], $0xffff  }
0x6e: {  	v13 =	vld [tilespmem:s25+$0x0];
	v9 =	vadd.s32 $0x2800, v1  }
0x6f: {  	v12 =	vadd.s32 $0x2800, v3;
	v14 =	vld.idx.msk [tilespmem:v5+s2+$0x0], $0xffff  }
0x70: {  	v57 =	vadd.s32 $0x2800, v2;
	[tilespmem:v4+s20+$0x0] =	vst.idx.add.f32.msk $0xffff, v6  }
0x71: {  	[tilespmem:v7+s20+$0x0] =	vst.idx.add.f32.msk $0xffff, v11  }
0x72: {  	v16 =	vadd.s32 $0x2800, v5;
	[tilespmem:v10+s20+$0x0] =	vst.idx.add.f32.msk $0xffff, v8  }
0x73: {  	v56 =	vadd.s32 $0x2800, v4;
	v6 =	vld.idx.msk [tilespmem:v9+s2+$0x0], $0xffff  }
0x74: {  	v8 =	vadd.s32 $0x2800, v7;
	v12 =	vld.idx.msk [tilespmem:v12+s2+$0x0], $0xffff  }
0x75: {  	v59 =	vadd.s32 $0x2800, v10;
	v11 =	vld.idx.msk [tilespmem:v57+s2+$0x0], $0xffff  }
0x76: {  	v15 =	vadd.s32 $0x5000, v1;
	[tilespmem:v13+s20+$0x0] =	vst.idx.add.f32.msk $0xffff, v14  }
0x77: {  	v17 =	vadd.s32 $0x2800, v13;
	v16 =	vld.idx.msk [tilespmem:v16+s2+$0x0], $0xffff  }
0x78: {  	v60 =	vadd.s32 $0x5000, v5;
	[tilespmem:v56+s20+$0x0] =	vst.idx.add.f32.msk $0xffff, v6  }
0x79: {  	v6 =	vadd.s32 $0x5000, v3;
	[tilespmem:v8+s20+$0x0] =	vst.idx.add.f32.msk $0xffff, v12  }
0x7a: {  	v8 =	vadd.s32 $0x5000, v2;
	[tilespmem:v59+s20+$0x0] =	vst.idx.add.f32.msk $0xffff, v11  }
0x7b: {  	v58 =	vadd.s32 $0x5000, v4;
	v9 =	vld.idx.msk [tilespmem:v15+s2+$0x0], $0xffff  }
0x7c: {  	v1 =	vadd.s32 $0x7800, v1;
	[tilespmem:v17+s20+$0x0] =	vst.idx.add.f32.msk $0xffff, v16  }
0x7d: {  	v63 =	vadd.s32 $0x5000, v13;
	v12 =	vld.idx.msk [tilespmem:v60+s2+$0x0], $0xffff  }
0x7e: {  	v61 =	vadd.s32 $0x5000, v7;
	v6 =	vld.idx.msk [tilespmem:v6+s2+$0x0], $0xffff  }
0x7f: {  	v62 =	vadd.s32 $0x5000, v10;
	v8 =	vld.idx.msk [tilespmem:v8+s2+$0x0], $0xffff  }
0x80: {  	v3 =	vadd.s32 $0x7800, v3;
	[tilespmem:v58+s20+$0x0] =	vst.idx.add.f32.msk $0xffff, v9  }
0x81: {  	v4 =	vadd.s32 $0x7800, v4;
	v1 =	vld.idx.msk [tilespmem:v1+s2+$0x0], $0xffff  }
0x82: {  	[tilespmem:v63+s20+$0x0] =	vst.idx.add.f32.msk $0xffff, v12  }
0x83: {  	[tilespmem:v61+s20+$0x0] =	vst.idx.add.f32.msk $0xffff, v6  }
0x84: {  	[tilespmem:v62+s20+$0x0] =	vst.idx.add.f32.msk $0xffff, v8  }
0x85: {  	v5 =	vadd.s32 $0x7800, v5;
	v6 =	vld.idx.msk [tilespmem:v3+s2+$0x0], $0xffff;
	v3 =	vadd.s32 $0x7800, v7  }
0x86: {  	s28 =	simm.s32 $0x14060;
	s26 =	simm.s32 $0x0;
	[tilespmem:v4+s20+$0x0] =	vst.idx.add.f32.msk $0xffff, v1;
	v4 =	vadd.s32 $0x7800, v2;
	v2 =	vadd.s32 $0x7800, v10;
	v1 =	vadd.s32 $0x7800, v13  }
.LBB2_5:
0x87: {  	v7 =	vld [tilespmem:s28+$0x10];
	s26 =	sadd.s32 $0x4, s26  }
0x88: {  	v8 =	vld [tilespmem:s28+$0xFFFFFFF0];
	p0 =	slt.u32 s26, $0x3C  }
0x89: {  	v9 =	vld [tilespmem:s28+$0x0]  }
0x8a: {  	v10 =	vld [tilespmem:s28+$0xFFFFFFE0]  }
0x8b: {  	v11 =	vld.idx.msk [tilespmem:v4+s2+$0x0], $0xffff  }
0x8c: {  	s25 =	sadd.s32 $0x40, s25;
	v12 =	vld.idx.msk [tilespmem:v5+s2+$0x0], $0xffff  }
0x8d: {  	v13 =	vadd.s32 $0x2800, v8;
	v14 =	vadd.s32 $0x5000, v8;
	v4 =	vadd.s32 $0x7800, v8;
	v15 =	vld [tilespmem:s25+$0x10]  }
0x8e: {  	v16 =	vld [tilespmem:s25+$0xFFFFFFE0];
	v17 =	vadd.s32 $0x2800, v9;
	v18 =	vadd.s32 $0x5000, v9;
	v5 =	vadd.s32 $0x7800, v9  }
0x8f: {  	v19 =	vadd.s32 $0x2800, v10;
	v20 =	vadd.s32 $0x5000, v10;
	v21 =	vadd.s32 $0x7800, v10;
	v22 =	vld.idx.msk [tilespmem:v7+s2+$0x0], $0xffff  }
0x90: {  	v8 =	vld.idx.msk [tilespmem:v8+s2+$0x0], $0xffff  }
0x91: {  	v23 =	vadd.s32 $0x2800, v7;
	v9 =	vld.idx.msk [tilespmem:v9+s2+$0x0], $0xffff  }
0x92: {  	v10 =	vld.idx.msk [tilespmem:v10+s2+$0x0], $0xffff  }
0x93: {  	v24 =	vadd.s32 $0x2800, v16;
	v25 =	vadd.s32 $0x5000, v16;
	v26 =	vadd.s32 $0x7800, v16;
	v27 =	vld [tilespmem:s25+$0xFFFFFFF0]  }
0x94: {  	v28 =	vld [tilespmem:s25+$0x0]  }
0x95: {  	[tilespmem:v15+s20+$0x0] =	vst.idx.add.f32.msk $0xffff, v22  }
0x96: {  	v22 =	vld.idx.msk [tilespmem:v23+s2+$0x0], $0xffff  }
0x97: {  	v23 =	vadd.s32 $0x2800, v15;
	[tilespmem:v3+s20+$0x0] =	vst.idx.add.f32.msk $0xffff, v6;
	v3 =	vmov v26  }
0x98: {  	[tilespmem:v16+s20+$0x0] =	vst.idx.add.f32.msk $0xffff, v10;
	v6 =	vadd.s32 $0x2800, v27;
	v10 =	vadd.s32 $0x5000, v27;
	v16 =	vadd.s32 $0x5000, v7  }
0x99: {  	v26 =	vadd.s32 $0x7800, v27;
	v19 =	vld.idx.msk [tilespmem:v19+s2+$0x0], $0xffff;
	v29 =	vadd.s32 $0x2800, v28;
	v30 =	vadd.s32 $0x5000, v28  }
0x9a: {  	v31 =	vadd.s32 $0x7800, v28;
	[tilespmem:v2+s20+$0x0] =	vst.idx.add.f32.msk $0xffff, v11;
	v2 =	vmov v26  }
0x9b: {  	[tilespmem:v27+s20+$0x0] =	vst.idx.add.f32.msk $0xffff, v8  }
0x9c: {  	[tilespmem:v23+s20+$0x0] =	vst.idx.add.f32.msk $0xffff, v22  }
0x9d: {  	v8 =	vld.idx.msk [tilespmem:v16+s2+$0x0], $0xffff  }
0x9e: {  	[tilespmem:v28+s20+$0x0] =	vst.idx.add.f32.msk $0xffff, v9;
	v9 =	vadd.s32 $0x5000, v15  }
0x9f: {  	v7 =	vadd.s32 $0x7800, v7;
	v11 =	vld.idx.msk [tilespmem:v13+s2+$0x0], $0xffff  }
0xa0: {  	v13 =	vld.idx.msk [tilespmem:v17+s2+$0x0], $0xffff  }
0xa1: {  	[tilespmem:v24+s20+$0x0] =	vst.idx.add.f32.msk $0xffff, v19  }
0xa2: {  	v16 =	vld.idx.msk [tilespmem:v20+s2+$0x0], $0xffff  }
0xa3: {  	[tilespmem:v9+s20+$0x0] =	vst.idx.add.f32.msk $0xffff, v8  }
0xa4: {  	v7 =	vld.idx.msk [tilespmem:v7+s2+$0x0], $0xffff  }
0xa5: {  	[tilespmem:v6+s20+$0x0] =	vst.idx.add.f32.msk $0xffff, v11;
	v6 =	vadd.s32 $0x7800, v15  }
0xa6: {  	[tilespmem:v29+s20+$0x0] =	vst.idx.add.f32.msk $0xffff, v13  }
0xa7: {  	v8 =	vld.idx.msk [tilespmem:v14+s2+$0x0], $0xffff  }
0xa8: {  	v9 =	vld.idx.msk [tilespmem:v18+s2+$0x0], $0xffff  }
0xa9: {  	[tilespmem:v25+s20+$0x0] =	vst.idx.add.f32.msk $0xffff, v16  }
.Ltmp1:
0xaa: {  	[tilespmem:v6+s20+$0x0] =	vst.idx.add.f32.msk $0xffff, v7;
	(pc) =	sbr.rel @p0 .LBB2_5-.Ltmp1, $4  }
0xab: {  	v6 =	vld.idx.msk [tilespmem:v21+s2+$0x0], $0xffff  }
0xac: {  	[tilespmem:v1+s20+$0x0] =	vst.idx.add.f32.msk $0xffff, v12;
	v1 =	vmov v31  }
0xad: {  	[tilespmem:v10+s20+$0x0] =	vst.idx.add.f32.msk $0xffff, v8  }
0xae: {  	s28 =	sadd.s32 $0x40, s28;
	[tilespmem:v30+s20+$0x0] =	vst.idx.add.f32.msk $0xffff, v9  }
0xaf: {  	_ =	sdelay $0x3  }
0xb0: {  	v4 =	vld.idx.msk [tilespmem:v4+s2+$0x0], $0xffff  }
0xb1: {  	v5 =	vld.idx.msk [tilespmem:v5+s2+$0x0], $0xffff;
	_ =	sdelay $0x1  }
0xb2: {  	p0 =	sge.u32 s23, s10  }
0xb3: {  	[tilespmem:v3+s20+$0x0] =	vst.idx.add.f32.msk $0xffff, v6;
	s24 =	sadd.s32 @!p0 s24, s11  }
0xb4: {  	s24 =	sshrl.u32 @!p0 s24, $0x3;
	[tilespmem:v2+s20+$0x0] =	vst.idx.add.f32.msk $0xffff, v4  }
0xb5: {  	s26 =	simm.s32 @!p0 $0x0;
	s28 =	simm.s32 @!p0 $0x14000;
	s25 =	sadd.s32 @!p0 s3, s24;
	[tilespmem:v1+s20+$0x0] =	vst.idx.add.f32.msk $0xffff, v5  }
0xb6: {  	[tilespmem:s28], [sflag:$0x1] =	stream.linear.gather @!p0 [hbm4b:s25+s26], $0x400, $0x38;
	[tilespmem:$0x15000] =	vst v63  }
0xb7: {  	s24 =	sadd.s32 @!p0 s4, s24;
	s25 =	simm.s32 @!p0 $0x14400  }
0xb8: {  	[tilespmem:s25], [sflag:$0x1] =	stream.linear.gather @!p0 [hbm4b:s24+s26], $0x400, $0x38;
	[tilespmem:$0x15000] =	vst v63  }
0xb9: {  	_ =	swait.ge [sflag:s14], $0x400  }
0xba: {  	[sflag:s14] =	ssyncset.done $0x0  }
0xbb: {  	[sflag:s14] =	ssyncadd.s32 $0xFFFFFC00  }
0xbc: {  	_ =	swait.ge [sflag:s14], $0x400  }
0xbd: {  	[sflag:s14] =	ssyncset.done $0x0  }
0xbe: {  	s31 =	simm.s32 $0x14820;
	[sflag:s14] =	ssyncadd.s32 $0xFFFFFC00  }
0xbf: {  	v1 =	vld [tilespmem:s31+$0x10]  }
0xc0: {  	v3 =	vld [tilespmem:s31+$0xFFFFFFE0]  }
0xc1: {  	v2 =	vld [tilespmem:s31+$0xFFFFFFF0];
	_ =	sdelay $0x1  }
0xc2: {  	s24 =	simm.s32 $0x14C20;
	v5 =	vld [tilespmem:s31+$0x0]  }
0xc3: {  	v4 =	vld [tilespmem:s24+$0x10]  }
0xc4: {  	v7 =	vld [tilespmem:s24+$0xFFFFFFE0]  }
0xc5: {  	v10 =	vld [tilespmem:s24+$0xFFFFFFF0]  }
0xc6: {  	v6 =	vld.idx.msk [tilespmem:v1+s2+$0x0], $0xffff  }
0xc7: {  	v11 =	vld.idx.msk [tilespmem:v3+s2+$0x0], $0xffff  }
0xc8: {  	v8 =	vld.idx.msk [tilespmem:v2+s2+$0x0], $0xffff  }
0xc9: {  	v13 =	vld [tilespmem:s24+$0x0];
	v9 =	vadd.s32 $0x2800, v1  }
0xca: {  	v12 =	vadd.s32 $0x2800, v3;
	v14 =	vld.idx.msk [tilespmem:v5+s2+$0x0], $0xffff  }
0xcb: {  	v57 =	vadd.s32 $0x2800, v2;
	[tilespmem:v4+s20+$0x0] =	vst.idx.add.f32.msk $0xffff, v6  }
0xcc: {  	[tilespmem:v7+s20+$0x0] =	vst.idx.add.f32.msk $0xffff, v11  }
0xcd: {  	v16 =	vadd.s32 $0x2800, v5;
	[tilespmem:v10+s20+$0x0] =	vst.idx.add.f32.msk $0xffff, v8  }
0xce: {  	v56 =	vadd.s32 $0x2800, v4;
	v6 =	vld.idx.msk [tilespmem:v9+s2+$0x0], $0xffff  }
0xcf: {  	v8 =	vadd.s32 $0x2800, v7;
	v12 =	vld.idx.msk [tilespmem:v12+s2+$0x0], $0xffff  }
0xd0: {  	v59 =	vadd.s32 $0x2800, v10;
	v11 =	vld.idx.msk [tilespmem:v57+s2+$0x0], $0xffff  }
0xd1: {  	v15 =	vadd.s32 $0x5000, v1;
	[tilespmem:v13+s20+$0x0] =	vst.idx.add.f32.msk $0xffff, v14  }
0xd2: {  	v17 =	vadd.s32 $0x2800, v13;
	v16 =	vld.idx.msk [tilespmem:v16+s2+$0x0], $0xffff  }
0xd3: {  	v60 =	vadd.s32 $0x5000, v5;
	[tilespmem:v56+s20+$0x0] =	vst.idx.add.f32.msk $0xffff, v6  }
0xd4: {  	v6 =	vadd.s32 $0x5000, v3;
	[tilespmem:v8+s20+$0x0] =	vst.idx.add.f32.msk $0xffff, v12  }
0xd5: {  	v8 =	vadd.s32 $0x5000, v2;
	[tilespmem:v59+s20+$0x0] =	vst.idx.add.f32.msk $0xffff, v11  }
0xd6: {  	v58 =	vadd.s32 $0x5000, v4;
	v9 =	vld.idx.msk [tilespmem:v15+s2+$0x0], $0xffff  }
0xd7: {  	v1 =	vadd.s32 $0x7800, v1;
	[tilespmem:v17+s20+$0x0] =	vst.idx.add.f32.msk $0xffff, v16  }
0xd8: {  	v63 =	vadd.s32 $0x5000, v13;
	v12 =	vld.idx.msk [tilespmem:v60+s2+$0x0], $0xffff  }
0xd9: {  	v61 =	vadd.s32 $0x5000, v7;
	v6 =	vld.idx.msk [tilespmem:v6+s2+$0x0], $0xffff  }
0xda: {  	v62 =	vadd.s32 $0x5000, v10;
	v8 =	vld.idx.msk [tilespmem:v8+s2+$0x0], $0xffff  }
0xdb: {  	v3 =	vadd.s32 $0x7800, v3;
	[tilespmem:v58+s20+$0x0] =	vst.idx.add.f32.msk $0xffff, v9  }
0xdc: {  	v4 =	vadd.s32 $0x7800, v4;
	v1 =	vld.idx.msk [tilespmem:v1+s2+$0x0], $0xffff  }
0xdd: {  	[tilespmem:v63+s20+$0x0] =	vst.idx.add.f32.msk $0xffff, v12  }
0xde: {  	[tilespmem:v61+s20+$0x0] =	vst.idx.add.f32.msk $0xffff, v6  }
0xdf: {  	[tilespmem:v62+s20+$0x0] =	vst.idx.add.f32.msk $0xffff, v8  }
0xe0: {  	v5 =	vadd.s32 $0x7800, v5;
	v6 =	vld.idx.msk [tilespmem:v3+s2+$0x0], $0xffff;
	v3 =	vadd.s32 $0x7800, v7  }
0xe1: {  	s25 =	simm.s32 $0x0;
	s26 =	simm.s32 $0x14860;
	[tilespmem:v4+s20+$0x0] =	vst.idx.add.f32.msk $0xffff, v1;
	v4 =	vadd.s32 $0x7800, v2;
	v2 =	vadd.s32 $0x7800, v10;
	v1 =	vadd.s32 $0x7800, v13  }
.LBB2_7:
0xe2: {  	v7 =	vld [tilespmem:s26+$0x10];
	s25 =	sadd.s32 $0x4, s25  }
0xe3: {  	v8 =	vld [tilespmem:s26+$0xFFFFFFF0];
	p0 =	slt.u32 s25, $0x3C  }
0xe4: {  	v9 =	vld [tilespmem:s26+$0x0]  }
0xe5: {  	v10 =	vld [tilespmem:s26+$0xFFFFFFE0]  }
0xe6: {  	v11 =	vld.idx.msk [tilespmem:v4+s2+$0x0], $0xffff  }
0xe7: {  	s24 =	sadd.s32 $0x40, s24;
	v12 =	vld.idx.msk [tilespmem:v5+s2+$0x0], $0xffff  }
0xe8: {  	v13 =	vadd.s32 $0x2800, v8;
	v14 =	vadd.s32 $0x5000, v8;
	v4 =	vadd.s32 $0x7800, v8;
	v15 =	vld [tilespmem:s24+$0x10]  }
0xe9: {  	v16 =	vld [tilespmem:s24+$0xFFFFFFE0];
	v17 =	vadd.s32 $0x2800, v9;
	v18 =	vadd.s32 $0x5000, v9;
	v5 =	vadd.s32 $0x7800, v9  }
0xea: {  	v19 =	vadd.s32 $0x2800, v10;
	v20 =	vadd.s32 $0x5000, v10;
	v21 =	vadd.s32 $0x7800, v10;
	v22 =	vld.idx.msk [tilespmem:v7+s2+$0x0], $0xffff  }
0xeb: {  	v8 =	vld.idx.msk [tilespmem:v8+s2+$0x0], $0xffff  }
0xec: {  	v23 =	vadd.s32 $0x2800, v7;
	v9 =	vld.idx.msk [tilespmem:v9+s2+$0x0], $0xffff  }
0xed: {  	v10 =	vld.idx.msk [tilespmem:v10+s2+$0x0], $0xffff  }
0xee: {  	v24 =	vadd.s32 $0x2800, v16;
	v25 =	vadd.s32 $0x5000, v16;
	v26 =	vadd.s32 $0x7800, v16;
	v27 =	vld [tilespmem:s24+$0xFFFFFFF0]  }
0xef: {  	v28 =	vld [tilespmem:s24+$0x0]  }
0xf0: {  	[tilespmem:v15+s20+$0x0] =	vst.idx.add.f32.msk $0xffff, v22  }
0xf1: {  	v22 =	vld.idx.msk [tilespmem:v23+s2+$0x0], $0xffff  }
0xf2: {  	v23 =	vadd.s32 $0x2800, v15;
	[tilespmem:v3+s20+$0x0] =	vst.idx.add.f32.msk $0xffff, v6;
	v3 =	vmov v26  }
0xf3: {  	[tilespmem:v16+s20+$0x0] =	vst.idx.add.f32.msk $0xffff, v10;
	v6 =	vadd.s32 $0x2800, v27;
	v10 =	vadd.s32 $0x5000, v27;
	v16 =	vadd.s32 $0x5000, v7  }
0xf4: {  	v26 =	vadd.s32 $0x7800, v27;
	v19 =	vld.idx.msk [tilespmem:v19+s2+$0x0], $0xffff;
	v29 =	vadd.s32 $0x2800, v28;
	v30 =	vadd.s32 $0x5000, v28  }
0xf5: {  	v31 =	vadd.s32 $0x7800, v28;
	[tilespmem:v2+s20+$0x0] =	vst.idx.add.f32.msk $0xffff, v11;
	v2 =	vmov v26  }
0xf6: {  	[tilespmem:v27+s20+$0x0] =	vst.idx.add.f32.msk $0xffff, v8  }
0xf7: {  	[tilespmem:v23+s20+$0x0] =	vst.idx.add.f32.msk $0xffff, v22  }
0xf8: {  	v8 =	vld.idx.msk [tilespmem:v16+s2+$0x0], $0xffff  }
0xf9: {  	[tilespmem:v28+s20+$0x0] =	vst.idx.add.f32.msk $0xffff, v9;
	v9 =	vadd.s32 $0x5000, v15  }
0xfa: {  	v7 =	vadd.s32 $0x7800, v7;
	v11 =	vld.idx.msk [tilespmem:v13+s2+$0x0], $0xffff  }
0xfb: {  	v13 =	vld.idx.msk [tilespmem:v17+s2+$0x0], $0xffff  }
0xfc: {  	[tilespmem:v24+s20+$0x0] =	vst.idx.add.f32.msk $0xffff, v19  }
0xfd: {  	v16 =	vld.idx.msk [tilespmem:v20+s2+$0x0], $0xffff  }
0xfe: {  	[tilespmem:v9+s20+$0x0] =	vst.idx.add.f32.msk $0xffff, v8  }
0xff: {  	v7 =	vld.idx.msk [tilespmem:v7+s2+$0x0], $0xffff  }
0x100: {  	[tilespmem:v6+s20+$0x0] =	vst.idx.add.f32.msk $0xffff, v11;
	v6 =	vadd.s32 $0x7800, v15  }
0x101: {  	[tilespmem:v29+s20+$0x0] =	vst.idx.add.f32.msk $0xffff, v13  }
0x102: {  	v8 =	vld.idx.msk [tilespmem:v14+s2+$0x0], $0xffff  }
0x103: {  	v9 =	vld.idx.msk [tilespmem:v18+s2+$0x0], $0xffff  }
0x104: {  	[tilespmem:v25+s20+$0x0] =	vst.idx.add.f32.msk $0xffff, v16  }
.Ltmp2:
0x105: {  	[tilespmem:v6+s20+$0x0] =	vst.idx.add.f32.msk $0xffff, v7;
	(pc) =	sbr.rel @p0 .LBB2_7-.Ltmp2, $4  }
0x106: {  	v6 =	vld.idx.msk [tilespmem:v21+s2+$0x0], $0xffff  }
0x107: {  	[tilespmem:v1+s20+$0x0] =	vst.idx.add.f32.msk $0xffff, v12;
	v1 =	vmov v31  }
0x108: {  	[tilespmem:v10+s20+$0x0] =	vst.idx.add.f32.msk $0xffff, v8  }
0x109: {  	s26 =	sadd.s32 $0x40, s26;
	[tilespmem:v30+s20+$0x0] =	vst.idx.add.f32.msk $0xffff, v9  }
0x10a: {  	_ =	sdelay $0x3  }
0x10b: {  	v4 =	vld.idx.msk [tilespmem:v4+s2+$0x0], $0xffff;
	s23 =	sadd.s32 $0x1, s23  }
0x10c: {  	v5 =	vld.idx.msk [tilespmem:v5+s2+$0x0], $0xffff;
	p0 =	sne.s32 s23, s5  }
.Ltmp3:
0x10d: {  	_ = 	snop;
	(pc) =	sbr.rel @p0 .LBB2_4-.Ltmp3, $4  }
0x10e: {  	_ = 	snop  }
0x10f: {  	[tilespmem:v3+s20+$0x0] =	vst.idx.add.f32.msk $0xffff, v6  }
0x110: {  	[tilespmem:v2+s20+$0x0] =	vst.idx.add.f32.msk $0xffff, v4  }
0x111: {  	[tilespmem:v1+s20+$0x0] =	vst.idx.add.f32.msk $0xffff, v5  }
0x112: {  	s22 =	sadd.s32 $0x1, s22  }
0x113: {  	p0 =	sne.s32 s22, s13  }
.Ltmp4:
0x114: {  	_ = 	snop;
	(pc) =	sbr.rel @p0 .LBB2_1-.Ltmp4, $4  }
0x115: {  	[hbm4b:s12+s2] =	stream.linear.scatter [tilespmem:s20], [sflag:$0x3], $0xA000, $0x38;
	[tilespmem:$0x15000] =	vst v63  }
0x116: {  	_ =	swait.ge [sflag:s21], $0xA000  }
0x117: {  	[sflag:s21] =	ssyncset.done $0x0  }
0x118: {  	[sflag:s21] =	ssyncadd.s32 $0xFFFF6000  }
0x119: {  	_ =	sfence.sel $0x180000  }
0x11a: {  	[bflag:$0x0] =	sbarrier.arrive $0xFFFF  }
0x11b: {  	p0 =	sne.s32 s0, $0x0;
	_ =	strace $0x90000050  }
0x11c: {  	s0 =	sadd.s32 @!p0 $0x100000, s1;
	[bflag:$0x2] =	sbarrier.arrive $0xFFFF  }
0x11d: {  	[sflag:s0] =	ssyncadd.tile.s32 @!p0 $0x1;
	_ =	shalt  }
.Lfunc_end2:
_tile_overlayer_lowered:
.L_overlay_start_2:
0x11e: {  	(tag) =	ssettag $0x2  }
0x11f: {  	s0 =	rddreg [dreg:$0x0];
	s2 =	stileid.u32  }
0x120: {  	s1 =	rddreg [dreg:$0x1];
	p0 =	sne.s32 s2, $0x0  }
0x121: {  	s3 =	rddreg [dreg:$0x2];
	[bflag:$0x3] =	sbarrier.arrive $0xFFFF;
	s2 =	simm.s32 @!p0 $0x1C03  }
0x122: {  	[timem:s3], [sflag:s2] =	dma.local @!p0 [hbm:s0], s1  }
0x123: {  	s0 =	simm.s32 @!p0 $0x3  }
0x124: {  	_ =	swait.ge @!p0 [sflag:s0], s1  }
0x125: {  	s1 =	ssub.s32 @!p0 $0x0, s1;
	[sflag:s0] =	ssyncset.done @!p0 $0x0  }
0x126: {  	[sflag:s0] =	ssyncadd.s32 @!p0 s1  }
0x127: {  	[bflag:$0x3] =	sbarrier.arrive $0xFFFF  }
0x128: {  	_ =	shalt  }

</sc_bundles>
